<compile_context>
chip_gen: v7x
topology: tpu7x:2x2x1
jax: 0.10.2.dev20260603
libtpu: 0.0.44.dev20260713+nightly
codegen_flags: <defaults>
</compile_context>

<pallas_src>
import functools

import jax
import jax.numpy as jnp
from jax import lax
from jax.experimental import pallas as pl
from jax.experimental.pallas import tpu as pltpu
from jax.experimental.pallas import tpu_sc as plsc

N = 10000
G = 64
NP = 10112
DUMMY = 10008
NSUB = 16
ZCH = 632
BN = 2000
NB = N // BN

def _make_sc_agg(rt: int, split: bool, er: int):
    mesh = plsc.VectorSubcoreMesh(core_axis_name="c", subcore_axis_name="s")

    @functools.partial(
        pl.kernel,
        out_type=jax.ShapeDtypeStruct((2, N, 128), jnp.float32),
        mesh=mesh,
        scratch_types=[
            pltpu.VMEM((40, 128), jnp.int32),
            pltpu.VMEM((40, 128), jnp.int32),
            pltpu.VMEM((128, 128), jnp.float32),
            pltpu.VMEM((128, 128), jnp.float32),
            pltpu.VMEM_SHARED((NP, 128), jnp.float32),
            pltpu.SemaphoreType.DMA,
            pltpu.SemaphoreType.DMA,
        ],
    )
    def sc_agg(h_hbm, src_hbm, dst_hbm, out_hbm, src_v, dst_v,
               rows_a, rows_b, acc, sem_a, sem_b):
        c = lax.axis_index("c")
        s = lax.axis_index("s")
        if split:
            base = s * rt
        else:
            base = (c * NSUB + s) * rt

        def zrow(i, carry):
            for j in range(8):
                rows_a[i, pl.ds(j * 16, 16)] = jnp.zeros((16,), jnp.float32)
            return carry

        lax.fori_loop(0, 128, zrow, 0)
        zoff = s * ZCH
        for k in range(4):
            pltpu.sync_copy(rows_a.at[pl.ds(0, 128)],
                            acc.at[pl.ds(zoff + 128 * k, 128)])
        pltpu.sync_copy(rows_a.at[pl.ds(0, ZCH - 512)],
                        acc.at[pl.ds(zoff + 512, ZCH - 512)])
        plsc.subcore_barrier()

        def chunk(ic, carry):
            cb = base + ic * 40
            if split:
                pltpu.sync_copy(src_hbm.at[c, pl.ds(cb, 40)], src_v)
            else:
                pltpu.sync_copy(src_hbm.at[pl.ds(cb, 40)], src_v)
            pltpu.sync_copy(dst_hbm.at[pl.ds(cb, 40)], dst_v)
            pltpu.async_copy(h_hbm.at[src_v.at[0]], rows_a, sem_a)

            def pair(p, carry2):
                j0 = 2 * p
                pltpu.async_copy(h_hbm.at[src_v.at[j0 + 1]], rows_b, sem_b)
                pltpu.make_async_copy(h_hbm.at[src_v.at[j0]],
                                      rows_a, sem_a).wait()
                pltpu.sync_copy(rows_a, acc.at[dst_v.at[j0]], add=True)

                @pl.when(p < 19)
                def _():
                    pltpu.async_copy(h_hbm.at[src_v.at[j0 + 2]],
                                     rows_a, sem_a)

                pltpu.make_async_copy(h_hbm.at[src_v.at[j0 + 1]],
                                      rows_b, sem_b).wait()
                pltpu.sync_copy(rows_b, acc.at[dst_v.at[j0 + 1]], add=True)
                return carry2

            lax.fori_loop(0, 20, pair, 0)
            return carry

        lax.fori_loop(0, rt // 40, chunk, 0)
        plsc.subcore_barrier()

        ooff = s * ZCH
        for k in range(4):
            pltpu.sync_copy(acc.at[pl.ds(ooff + 128 * k, 128)],
                            out_hbm.at[c, pl.ds(ooff + 128 * k, 128)])

        @pl.when(s < NSUB - 1)
        def _():
            pltpu.sync_copy(acc.at[pl.ds(ooff + 512, ZCH - 512)],
                            out_hbm.at[c, pl.ds(ooff + 512, ZCH - 512)])

        @pl.when(s == NSUB - 1)
        def _():
            rem = N - (NSUB - 1) * ZCH - 512
            pltpu.sync_copy(acc.at[pl.ds(ooff + 512, rem)],
                            out_hbm.at[c, pl.ds(ooff + 512, rem)])

    return sc_agg


_SC_AGG_CACHE = {}


def _sc_agg(table, src2, dst2, split):
    er = dst2.shape[0]
    key = (split, er)
    if key not in _SC_AGG_CACHE:
        rt = er // NSUB if split else er // (2 * NSUB)
        _SC_AGG_CACHE[key] = _make_sc_agg(rt, split, er)
    return _SC_AGG_CACHE[key](table, src2, dst2)




def _mlp_body(split, eps_ref, h_ref, agg_ref, w1_ref, b1_ref, w2_ref, b2_ref,
              h2_ref, ssum_ref, ssq_ref):
    i = pl.program_id(0)
    if split:
        h = jnp.concatenate([h_ref[0], h_ref[1]], axis=1)
        a = jnp.concatenate([agg_ref[0], agg_ref[1]], axis=1)
    else:
        h = h_ref[...]
        a = agg_ref[0] + agg_ref[1]
    z = (1.0 + eps_ref[0]) * h + a
    t = jnp.maximum(
        jnp.dot(z, w1_ref[...], preferred_element_type=jnp.float32)
        + b1_ref[...], 0.0)
    h2 = jnp.maximum(
        jnp.dot(t, w2_ref[...], preferred_element_type=jnp.float32)
        + b2_ref[...], 0.0)
    h2_ref[...] = h2
    ssum = jnp.sum(h2, axis=0, keepdims=True)
    ssq = jnp.sum(h2 * h2, axis=0, keepdims=True)

    @pl.when(i == 0)
    def _():
        ssum_ref[...] = ssum
        ssq_ref[...] = ssq

    @pl.when(i > 0)
    def _():
        ssum_ref[...] += ssum
        ssq_ref[...] += ssq


def _make_mlp(split, din, hdim):
    dh = din // 2
    if split:
        h_spec = pl.BlockSpec((2, BN, dh), lambda i: (0, i, 0))
    else:
        h_spec = pl.BlockSpec((BN, din), lambda i: (i, 0))
    return pl.pallas_call(
        functools.partial(_mlp_body, split),
        grid=(NB,),
        in_specs=[
            pl.BlockSpec(memory_space=pltpu.SMEM),
            h_spec,
            pl.BlockSpec((2, BN, dh if split else din), lambda i: (0, i, 0)),
            pl.BlockSpec((din, hdim), lambda i: (0, 0)),
            pl.BlockSpec((1, hdim), lambda i: (0, 0)),
            pl.BlockSpec((hdim, hdim), lambda i: (0, 0)),
            pl.BlockSpec((1, hdim), lambda i: (0, 0)),
        ],
        out_specs=[
            pl.BlockSpec((BN, hdim), lambda i: (i, 0)),
            pl.BlockSpec((1, hdim), lambda i: (0, 0)),
            pl.BlockSpec((1, hdim), lambda i: (0, 0)),
        ],
        out_shape=[
            jax.ShapeDtypeStruct((N, hdim), jnp.float32),
            jax.ShapeDtypeStruct((1, hdim), jnp.float32),
            jax.ShapeDtypeStruct((1, hdim), jnp.float32),
        ],
    )


def _bn_split_body(h2_ref, ssum_ref, ssq_ref, g_ref, b_ref, out_ref):
    mean = ssum_ref[...] * (1.0 / N)
    var = ssq_ref[...] * (1.0 / N) - mean * mean
    scale = g_ref[...] / jnp.sqrt(var + 1e-5)
    hn = (h2_ref[...] - mean) * scale + b_ref[...]
    dh = hn.shape[1] // 2
    out_ref[0] = hn[:, :dh]
    out_ref[1] = hn[:, dh:]


def _make_bn_split(hdim):
    dh = hdim // 2
    return pl.pallas_call(
        _bn_split_body,
        grid=(NB,),
        in_specs=[
            pl.BlockSpec((BN, hdim), lambda i: (i, 0)),
            pl.BlockSpec((1, hdim), lambda i: (0, 0)),
            pl.BlockSpec((1, hdim), lambda i: (0, 0)),
            pl.BlockSpec((1, hdim), lambda i: (0, 0)),
            pl.BlockSpec((1, hdim), lambda i: (0, 0)),
        ],
        out_specs=[pl.BlockSpec((2, BN, dh), lambda i: (0, i, 0))],
        out_shape=[jax.ShapeDtypeStruct((2, N, dh), jnp.float32)],
    )


def _pool_body(h2_ref, ssum_ref, ssq_ref, g_ref, b_ref, bat_ref,
               w1_ref, b1_ref, w2_ref, b2_ref, out_ref, pool_acc, cnt_acc):
    i = pl.program_id(0)
    mean = ssum_ref[...] * (1.0 / N)
    var = ssq_ref[...] * (1.0 / N) - mean * mean
    scale = g_ref[...] / jnp.sqrt(var + 1e-5)
    hn = (h2_ref[...] - mean) * scale + b_ref[...]
    bcol = bat_ref[0]
    onehot = (bcol == lax.broadcasted_iota(jnp.int32, (BN, G), 1)
              ).astype(jnp.float32)
    dn = (((0,), (0,)), ((), ()))
    psum = lax.dot_general(onehot, hn, dn,
                           preferred_element_type=jnp.float32,
                           precision=lax.Precision.HIGHEST)
    pcnt = lax.dot_general(onehot, jnp.ones_like(hn), dn,
                           preferred_element_type=jnp.float32,
                           precision=lax.Precision.HIGHEST)

    @pl.when(i == 0)
    def _():
        pool_acc[...] = psum
        cnt_acc[...] = pcnt

    @pl.when(i > 0)
    def _():
        pool_acc[...] += psum
        cnt_acc[...] += pcnt

    @pl.when(i == NB - 1)
    def _():
        pooled = pool_acc[...] / jnp.maximum(cnt_acc[...], 1.0)
        r = jnp.maximum(
            jnp.dot(pooled, w1_ref[...], preferred_element_type=jnp.float32)
            + b1_ref[...], 0.0)
        out_ref[...] = (
            jnp.dot(r, w2_ref[...], preferred_element_type=jnp.float32)
            + b2_ref[...])


def _make_pool(hdim, cdim):
    return pl.pallas_call(
        _pool_body,
        grid=(NB,),
        in_specs=[
            pl.BlockSpec((BN, hdim), lambda i: (i, 0)),
            pl.BlockSpec((1, hdim), lambda i: (0, 0)),
            pl.BlockSpec((1, hdim), lambda i: (0, 0)),
            pl.BlockSpec((1, hdim), lambda i: (0, 0)),
            pl.BlockSpec((1, hdim), lambda i: (0, 0)),
            pl.BlockSpec((1, BN, 1), lambda i: (i, 0, 0)),
            pl.BlockSpec((hdim, hdim), lambda i: (0, 0)),
            pl.BlockSpec((1, hdim), lambda i: (0, 0)),
            pl.BlockSpec((hdim, cdim), lambda i: (0, 0)),
            pl.BlockSpec((1, cdim), lambda i: (0, 0)),
        ],
        out_specs=[pl.BlockSpec((G, cdim), lambda i: (0, 0))],
        out_shape=[jax.ShapeDtypeStruct((G, cdim), jnp.float32)],
        scratch_shapes=[
            pltpu.VMEM((G, hdim), jnp.float32),
            pltpu.VMEM((G, hdim), jnp.float32),
        ],
    )


def kernel(x, params, edge_index, batch):
    n, f = x.shape
    e = edge_index.shape[1]
    layers = params["layers"]
    hdim = layers[0]["W1"].shape[1]
    cdim = params["lin2_W"].shape[1]

    src = edge_index[0].astype(jnp.int32)
    dst = edge_index[1].astype(jnp.int32)
    rt1 = -(-(-(-e // 4096)) // 40) * 40
    epad = rt1 * 4096
    pad = epad - e
    srcp = jnp.concatenate([src, jnp.zeros((pad,), jnp.int32)])
    dstp = jnp.concatenate([dst, jnp.full((pad,), DUMMY, jnp.int32)])
    src_l1 = srcp.reshape(epad // 128, 128)
    src_l23 = jnp.stack([srcp, srcp + n]).reshape(2, epad // 128, 128)
    dst2 = dstp.reshape(epad // 128, 128)

    bat3 = batch.astype(jnp.int32).reshape(NB, BN, 1)

    agg1 = _sc_agg(x, src_l1, dst2, split=False)
    lp = layers[0]
    h2, ssum, ssq = _make_mlp(False, f, hdim)(
        lp["eps"].reshape(1), x, agg1, lp["W1"], lp["b1"].reshape(1, hdim),
        lp["W2"], lp["b2"].reshape(1, hdim))
    hcat = _make_bn_split(hdim)(
        h2, ssum, ssq, lp["gamma"].reshape(1, hdim),
        lp["beta"].reshape(1, hdim))[0]

    for li in range(1, len(layers)):
        lp = layers[li]
        table = hcat.reshape(2 * n, hdim // 2)
        agg = _sc_agg(table, src_l23, dst2, split=True)
        h2, ssum, ssq = _make_mlp(True, hdim, hdim)(
            lp["eps"].reshape(1), hcat, agg, lp["W1"],
            lp["b1"].reshape(1, hdim), lp["W2"], lp["b2"].reshape(1, hdim))
        if li < len(layers) - 1:
            hcat = _make_bn_split(hdim)(
                h2, ssum, ssq, lp["gamma"].reshape(1, hdim),
                lp["beta"].reshape(1, hdim))[0]

    lp = layers[-1]
    out = _make_pool(hdim, cdim)(
        h2, ssum, ssq, lp["gamma"].reshape(1, hdim),
        lp["beta"].reshape(1, hdim), bat3,
        params["lin1_W"], params["lin1_b"].reshape(1, hdim),
        params["lin2_W"], params["lin2_b"].reshape(1, cdim))[0]
    return out

# --- scband reference (transcript-rebuilt; emitter-appended) ---
"""Pipeline reference for scband-py-g-gin-47940424958059 (READ-ONLY COPY).

The authoritative reference and input builder live on the scoring server;
editing this copy changes nothing except your own understanding.
"""

import jax, jax.numpy as jnp
import numpy as np

N = 10000
E = 320000
F = 128
H = 256
C = 10
G = 64
NUM_LAYERS = 3


def setup_inputs(seed: int = 0) -> dict:
    key = jax.random.key(seed)
    ks = jax.random.split(key, 40)
    x = jax.random.normal(ks[0], (N, F), dtype=jnp.float32)
    edge_index = jax.random.randint(ks[1], (2, E), 0, N)
    batch = jnp.sort(jax.random.randint(ks[2], (N,), 0, G))
    dims = [(F, H)] + [(H, H)] * (NUM_LAYERS - 1)
    layers = []
    ki = 3
    for (din, dout) in dims:
        layers.append({
            'W1': jax.random.normal(ks[ki], (din, dout), dtype=jnp.float32) * (1.0 / np.sqrt(din)),
            'b1': jnp.zeros((dout,), dtype=jnp.float32),
            'W2': jax.random.normal(ks[ki + 1], (dout, dout), dtype=jnp.float32) * (1.0 / np.sqrt(dout)),
            'b2': jnp.zeros((dout,), dtype=jnp.float32),
            'gamma': jnp.ones((dout,), dtype=jnp.float32),
            'beta': jnp.zeros((dout,), dtype=jnp.float32),
            'eps': jnp.zeros((), dtype=jnp.float32),
        })
        ki += 2
    params = {
        'layers': layers,
        'lin1_W': jax.random.normal(ks[ki], (H, H), dtype=jnp.float32) * (1.0 / np.sqrt(H)),
        'lin1_b': jnp.zeros((H,), dtype=jnp.float32),
        'lin2_W': jax.random.normal(ks[ki + 1], (H, C), dtype=jnp.float32) * (1.0 / np.sqrt(H)),
        'lin2_b': jnp.zeros((C,), dtype=jnp.float32),
    }
    return {'x': x, 'params': params, 'edge_index': edge_index, 'batch': batch}


def _batch_norm(h, gamma, beta):
    mean = jnp.mean(h, axis=0)
    var = jnp.var(h, axis=0)
    return (h - mean) / jnp.sqrt(var + 1e-5) * gamma + beta


def reference(x, params, edge_index, batch):
    src = edge_index[0]
    dst = edge_index[1]
    h = x
    for lp in params['layers']:
        # GINConv: MLP((1+eps)*x + sum_{j->i} x_j)
        agg = jax.ops.segment_sum(h[src], dst, num_segments=N)
        h2 = (1.0 + lp['eps']) * h + agg
        h2 = jax.nn.relu(h2 @ lp['W1'] + lp['b1'])
        h2 = jax.nn.relu(h2 @ lp['W2'] + lp['b2'])
        h = _batch_norm(h2, lp['gamma'], lp['beta'])
    # global mean pool over graphs in the batch
    sums = jax.ops.segment_sum(h, batch, num_segments=G)
    cnt = jax.ops.segment_sum(jnp.ones((N, 1), dtype=h.dtype), batch, num_segments=G)
    pooled = sums / jnp.maximum(cnt, 1.0)
    h = jax.nn.relu(pooled @ params['lin1_W'] + params['lin1_b'])
    # dropout is identity (inference-style, deterministic)
    return h @ params['lin2_W'] + params['lin2_b']

if __name__ == "__main__":
    import jax
    _d = setup_inputs()
    print(jax.jit(kernel)(*tuple(_d.values())))

</pallas_src>

<mosaic_0001>
#map = affine_map<(d0, d1) -> (0, 0)>
#map1 = affine_map<(d0, d1) -> (0, 0, 0)>
module attributes {stable_mosaic.version = 14 : i64} {
  func.func @sc_agg(%arg0: i32, %arg1: i32, %arg2: memref<10000x128xf32, #tpu.memory_space<hbm>>, %arg3: memref<2560x128xi32, #tpu.memory_space<hbm>>, %arg4: memref<2560x128xi32, #tpu.memory_space<hbm>>, %arg5: memref<2x10000x128xf32, #tpu.memory_space<hbm>>, %arg6: memref<40x128xi32, #tpu.memory_space<vmem>>, %arg7: memref<40x128xi32, #tpu.memory_space<vmem>>, %arg8: memref<128x128xf32, #tpu.memory_space<vmem>>, %arg9: memref<128x128xf32, #tpu.memory_space<vmem>>, %arg10: memref<10112x128xf32, #tpu.memory_space<vmem_shared>>, %arg11: memref<!tpu.dma_semaphore, #tpu.memory_space<semaphore_mem>>, %arg12: memref<!tpu.dma_semaphore, #tpu.memory_space<semaphore_mem>>) attributes {dimension_semantics = [#tpu.dimension_semantics<core_parallel>, #tpu.dimension_semantics<subcore_parallel>], iteration_bounds = array<i64: 2, 16>, scalar_prefetch = 0 : i64, scratch_operands = 7 : i64, tpu.core_type = #tpu.core_type<sc_vector_subcore>, window_params = [{transform_indices = #map}, {transform_indices = #map}, {transform_indices = #map}, {transform_indices = #map1}]} {
    %mul3A = arith.constant 16 : i32
    %mul3A_0 = arith.muli %arg0, %mul3A : i32
    %add3A = arith.addi %mul3A_0, %arg1 : i32
    %mul3A_1 = arith.constant 80 : i32
    %mul3A_2 = arith.muli %add3A, %mul3A_1 : i32
    %scan3A = arith.constant 0 : i32
    %scan3A_3 = arith.constant 0 : i32
    %scan3A_4 = arith.constant 128 : i32
    %scan3A_5 = arith.addi %scan3A_3, %scan3A_4 : i32
    %scan3A_6 = arith.constant 1 : i32
    scf.for %scan3A_51 = %scan3A_3 to %scan3A_5 step %scan3A_6  : i32 {
      %broadcast_in_dim3A = arith.constant 0.000000e+00 : f32
      %broadcast_in_dim3A_52 = vector.broadcast %broadcast_in_dim3A : f32 to vector<16xf32>
      %swap3A = arith.index_cast %scan3A_51 : i32 to index
      %swap3A_53 = arith.constant 0 : index
      %swap3A_54 = tpu.vector_load %arg8[%swap3A, %swap3A_53] {strides = array<i32>} : memref<128x128xf32, #tpu.memory_space<vmem>>, vector<1x16xf32>,
      %swap3A_55 = vector.shape_cast %swap3A_54 : vector<1x16xf32> to vector<16xf32>
      %swap3A_56 = vector.shape_cast %broadcast_in_dim3A_52 : vector<16xf32> to vector<1x16xf32>
      tpu.vector_store %arg8[%swap3A, %swap3A_53], %swap3A_56 {strides = array<i32>} : memref<128x128xf32, #tpu.memory_space<vmem>>, vector<1x16xf32>,
      %broadcast_in_dim3A_57 = arith.constant 0.000000e+00 : f32
      %broadcast_in_dim3A_58 = vector.broadcast %broadcast_in_dim3A_57 : f32 to vector<16xf32>
      %swap3A_59 = arith.index_cast %scan3A_51 : i32 to index
      %swap3A_60 = arith.constant 16 : index
      %swap3A_61 = tpu.vector_load %arg8[%swap3A_59, %swap3A_60] {strides = array<i32>} : memref<128x128xf32, #tpu.memory_space<vmem>>, vector<1x16xf32>,
      %swap3A_62 = vector.shape_cast %swap3A_61 : vector<1x16xf32> to vector<16xf32>
      %swap3A_63 = vector.shape_cast %broadcast_in_dim3A_58 : vector<16xf32> to vector<1x16xf32>
      tpu.vector_store %arg8[%swap3A_59, %swap3A_60], %swap3A_63 {strides = array<i32>} : memref<128x128xf32, #tpu.memory_space<vmem>>, vector<1x16xf32>,
      %broadcast_in_dim3A_64 = arith.constant 0.000000e+00 : f32
      %broadcast_in_dim3A_65 = vector.broadcast %broadcast_in_dim3A_64 : f32 to vector<16xf32>
      %swap3A_66 = arith.index_cast %scan3A_51 : i32 to index
      %swap3A_67 = arith.constant 32 : index
      %swap3A_68 = tpu.vector_load %arg8[%swap3A_66, %swap3A_67] {strides = array<i32>} : memref<128x128xf32, #tpu.memory_space<vmem>>, vector<1x16xf32>,
      %swap3A_69 = vector.shape_cast %swap3A_68 : vector<1x16xf32> to vector<16xf32>
      %swap3A_70 = vector.shape_cast %broadcast_in_dim3A_65 : vector<16xf32> to vector<1x16xf32>
      tpu.vector_store %arg8[%swap3A_66, %swap3A_67], %swap3A_70 {strides = array<i32>} : memref<128x128xf32, #tpu.memory_space<vmem>>, vector<1x16xf32>,
      %broadcast_in_dim3A_71 = arith.constant 0.000000e+00 : f32
      %broadcast_in_dim3A_72 = vector.broadcast %broadcast_in_dim3A_71 : f32 to vector<16xf32>
      %swap3A_73 = arith.index_cast %scan3A_51 : i32 to index
      %swap3A_74 = arith.constant 48 : index
      %swap3A_75 = tpu.vector_load %arg8[%swap3A_73, %swap3A_74] {strides = array<i32>} : memref<128x128xf32, #tpu.memory_space<vmem>>, vector<1x16xf32>,
      %swap3A_76 = vector.shape_cast %swap3A_75 : vector<1x16xf32> to vector<16xf32>
      %swap3A_77 = vector.shape_cast %broadcast_in_dim3A_72 : vector<16xf32> to vector<1x16xf32>
      tpu.vector_store %arg8[%swap3A_73, %swap3A_74], %swap3A_77 {strides = array<i32>} : memref<128x128xf32, #tpu.memory_space<vmem>>, vector<1x16xf32>,
      %broadcast_in_dim3A_78 = arith.constant 0.000000e+00 : f32
      %broadcast_in_dim3A_79 = vector.broadcast %broadcast_in_dim3A_78 : f32 to vector<16xf32>
      %swap3A_80 = arith.index_cast %scan3A_51 : i32 to index
      %swap3A_81 = arith.constant 64 : index
      %swap3A_82 = tpu.vector_load %arg8[%swap3A_80, %swap3A_81] {strides = array<i32>} : memref<128x128xf32, #tpu.memory_space<vmem>>, vector<1x16xf32>,
      %swap3A_83 = vector.shape_cast %swap3A_82 : vector<1x16xf32> to vector<16xf32>
      %swap3A_84 = vector.shape_cast %broadcast_in_dim3A_79 : vector<16xf32> to vector<1x16xf32>
      tpu.vector_store %arg8[%swap3A_80, %swap3A_81], %swap3A_84 {strides = array<i32>} : memref<128x128xf32, #tpu.memory_space<vmem>>, vector<1x16xf32>,
      %broadcast_in_dim3A_85 = arith.constant 0.000000e+00 : f32
      %broadcast_in_dim3A_86 = vector.broadcast %broadcast_in_dim3A_85 : f32 to vector<16xf32>
      %swap3A_87 = arith.index_cast %scan3A_51 : i32 to index
      %swap3A_88 = arith.constant 80 : index
      %swap3A_89 = tpu.vector_load %arg8[%swap3A_87, %swap3A_88] {strides = array<i32>} : memref<128x128xf32, #tpu.memory_space<vmem>>, vector<1x16xf32>,
      %swap3A_90 = vector.shape_cast %swap3A_89 : vector<1x16xf32> to vector<16xf32>
      %swap3A_91 = vector.shape_cast %broadcast_in_dim3A_86 : vector<16xf32> to vector<1x16xf32>
      tpu.vector_store %arg8[%swap3A_87, %swap3A_88], %swap3A_91 {strides = array<i32>} : memref<128x128xf32, #tpu.memory_space<vmem>>, vector<1x16xf32>,
      %broadcast_in_dim3A_92 = arith.constant 0.000000e+00 : f32
      %broadcast_in_dim3A_93 = vector.broadcast %broadcast_in_dim3A_92 : f32 to vector<16xf32>
      %swap3A_94 = arith.index_cast %scan3A_51 : i32 to index
      %swap3A_95 = arith.constant 96 : index
      %swap3A_96 = tpu.vector_load %arg8[%swap3A_94, %swap3A_95] {strides = array<i32>} : memref<128x128xf32, #tpu.memory_space<vmem>>, vector<1x16xf32>,
      %swap3A_97 = vector.shape_cast %swap3A_96 : vector<1x16xf32> to vector<16xf32>
      %swap3A_98 = vector.shape_cast %broadcast_in_dim3A_93 : vector<16xf32> to vector<1x16xf32>
      tpu.vector_store %arg8[%swap3A_94, %swap3A_95], %swap3A_98 {strides = array<i32>} : memref<128x128xf32, #tpu.memory_space<vmem>>, vector<1x16xf32>,
      %broadcast_in_dim3A_99 = arith.constant 0.000000e+00 : f32
      %broadcast_in_dim3A_100 = vector.broadcast %broadcast_in_dim3A_99 : f32 to vector<16xf32>
      %swap3A_101 = arith.index_cast %scan3A_51 : i32 to index
      %swap3A_102 = arith.constant 112 : index
      %swap3A_103 = tpu.vector_load %arg8[%swap3A_101, %swap3A_102] {strides = array<i32>} : memref<128x128xf32, #tpu.memory_space<vmem>>, vector<1x16xf32>,
      %swap3A_104 = vector.shape_cast %swap3A_103 : vector<1x16xf32> to vector<16xf32>
      %swap3A_105 = vector.shape_cast %broadcast_in_dim3A_100 : vector<16xf32> to vector<1x16xf32>
      tpu.vector_store %arg8[%swap3A_101, %swap3A_102], %swap3A_105 {strides = array<i32>} : memref<128x128xf32, #tpu.memory_space<vmem>>, vector<1x16xf32>,
    }
    %scan3A_7 = arith.constant 128 : i32
    %mul3A_8 = arith.constant 632 : i32
    %mul3A_9 = arith.muli %arg1, %mul3A_8 : i32
    %add3A_10 = arith.constant 0 : i32
    %add3A_11 = arith.addi %mul3A_9, %add3A_10 : i32
    "tpu.region"() ({
      %run_scoped3A = tpu.sem_alloc : memref<!tpu.dma_semaphore, #tpu.memory_space<semaphore_mem>>
      %dma_start3A = arith.constant 0 : i32
      %dma_start3A_51 = arith.constant 0 : i32
      %dma_start3A_52 = tpu.memref_slice %arg8[%dma_start3A, %dma_start3A_51] : memref<128x128xf32, #tpu.memory_space<vmem>> -> memref<128x128xf32, #tpu.memory_space<vmem>>
      %dma_start3A_53 = arith.constant 0 : i32
      %dma_start3A_54 = tpu.memref_slice %arg10[%add3A_11, %dma_start3A_53] : memref<10112x128xf32, #tpu.memory_space<vmem_shared>> -> memref<128x128xf32, #tpu.memory_space<vmem_shared>>
      %dma_start3A_55 = arith.constant 0 : i32
      %dma_start3A_56 = tpu.memref_slice %arg10[%add3A_11, %dma_start3A_55] : memref<10112x128xf32, #tpu.memory_space<vmem_shared>> -> memref<128x128xf32, #tpu.memory_space<vmem_shared>>
      %dma_start3A_57 = arith.constant 0 : i32
      %dma_start3A_58 = arith.constant 0 : i32
      %dma_start3A_59 = tpu.memref_slice %arg8[%dma_start3A_57, %dma_start3A_58] : memref<128x128xf32, #tpu.memory_space<vmem>> -> memref<128x128xf32, #tpu.memory_space<vmem>>
      tpu.enqueue_dma source(%dma_start3A_59 : memref<128x128xf32, #tpu.memory_space<vmem>>) target(%dma_start3A_56 : memref<128x128xf32, #tpu.memory_space<vmem_shared>>) target_semaphore(%run_scoped3A : memref<!tpu.dma_semaphore, #tpu.memory_space<semaphore_mem>>)
      %dma_wait3A = arith.constant 0 : i32
      %dma_wait3A_60 = arith.constant 0 : i32
      %dma_wait3A_61 = tpu.memref_slice %arg8[%dma_wait3A, %dma_wait3A_60] : memref<128x128xf32, #tpu.memory_space<vmem>> -> memref<128x128xf32, #tpu.memory_space<vmem>>
      %dma_wait3A_62 = arith.constant 0 : i32
      %dma_wait3A_63 = tpu.memref_slice %arg10[%add3A_11, %dma_wait3A_62] : memref<10112x128xf32, #tpu.memory_space<vmem_shared>> -> memref<128x128xf32, #tpu.memory_space<vmem_shared>>
      %dma_wait3A_64 = arith.constant 0 : i32
      %dma_wait3A_65 = tpu.memref_slice %arg10[%add3A_11, %dma_wait3A_64] : memref<10112x128xf32, #tpu.memory_space<vmem_shared>> -> memref<128x128xf32, #tpu.memory_space<vmem_shared>>
      %dma_wait3A_66 = arith.constant 0 : i32
      %dma_wait3A_67 = arith.constant 0 : i32
      %dma_wait3A_68 = tpu.memref_slice %arg8[%dma_wait3A_66, %dma_wait3A_67] : memref<128x128xf32, #tpu.memory_space<vmem>> -> memref<128x128xf32, #tpu.memory_space<vmem>>
      tpu.wait_dma2 semaphore(%run_scoped3A : memref<!tpu.dma_semaphore, #tpu.memory_space<semaphore_mem>>) src(%dma_wait3A_68 : memref<128x128xf32, #tpu.memory_space<vmem>>) dst(%dma_wait3A_65 : memref<128x128xf32, #tpu.memory_space<vmem_shared>>)
      tpu.yield
    }) : () -> ()
    %add3A_12 = arith.constant 128 : i32
    %add3A_13 = arith.addi %mul3A_9, %add3A_12 : i32
    "tpu.region"() ({
      %run_scoped3A = tpu.sem_alloc : memref<!tpu.dma_semaphore, #tpu.memory_space<semaphore_mem>>
      %dma_start3A = arith.constant 0 : i32
      %dma_start3A_51 = arith.constant 0 : i32
      %dma_start3A_52 = tpu.memref_slice %arg8[%dma_start3A, %dma_start3A_51] : memref<128x128xf32, #tpu.memory_space<vmem>> -> memref<128x128xf32, #tpu.memory_space<vmem>>
      %dma_start3A_53 = arith.constant 0 : i32
      %dma_start3A_54 = tpu.memref_slice %arg10[%add3A_13, %dma_start3A_53] : memref<10112x128xf32, #tpu.memory_space<vmem_shared>> -> memref<128x128xf32, #tpu.memory_space<vmem_shared>>
      %dma_start3A_55 = arith.constant 0 : i32
      %dma_start3A_56 = tpu.memref_slice %arg10[%add3A_13, %dma_start3A_55] : memref<10112x128xf32, #tpu.memory_space<vmem_shared>> -> memref<128x128xf32, #tpu.memory_space<vmem_shared>>
      %dma_start3A_57 = arith.constant 0 : i32
      %dma_start3A_58 = arith.constant 0 : i32
      %dma_start3A_59 = tpu.memref_slice %arg8[%dma_start3A_57, %dma_start3A_58] : memref<128x128xf32, #tpu.memory_space<vmem>> -> memref<128x128xf32, #tpu.memory_space<vmem>>
      tpu.enqueue_dma source(%dma_start3A_59 : memref<128x128xf32, #tpu.memory_space<vmem>>) target(%dma_start3A_56 : memref<128x128xf32, #tpu.memory_space<vmem_shared>>) target_semaphore(%run_scoped3A : memref<!tpu.dma_semaphore, #tpu.memory_space<semaphore_mem>>)
      %dma_wait3A = arith.constant 0 : i32
      %dma_wait3A_60 = arith.constant 0 : i32
      %dma_wait3A_61 = tpu.memref_slice %arg8[%dma_wait3A, %dma_wait3A_60] : memref<128x128xf32, #tpu.memory_space<vmem>> -> memref<128x128xf32, #tpu.memory_space<vmem>>
      %dma_wait3A_62 = arith.constant 0 : i32
      %dma_wait3A_63 = tpu.memref_slice %arg10[%add3A_13, %dma_wait3A_62] : memref<10112x128xf32, #tpu.memory_space<vmem_shared>> -> memref<128x128xf32, #tpu.memory_space<vmem_shared>>
      %dma_wait3A_64 = arith.constant 0 : i32
      %dma_wait3A_65 = tpu.memref_slice %arg10[%add3A_13, %dma_wait3A_64] : memref<10112x128xf32, #tpu.memory_space<vmem_shared>> -> memref<128x128xf32, #tpu.memory_space<vmem_shared>>
      %dma_wait3A_66 = arith.constant 0 : i32
      %dma_wait3A_67 = arith.constant 0 : i32
      %dma_wait3A_68 = tpu.memref_slice %arg8[%dma_wait3A_66, %dma_wait3A_67] : memref<128x128xf32, #tpu.memory_space<vmem>> -> memref<128x128xf32, #tpu.memory_space<vmem>>
      tpu.wait_dma2 semaphore(%run_scoped3A : memref<!tpu.dma_semaphore, #tpu.memory_space<semaphore_mem>>) src(%dma_wait3A_68 : memref<128x128xf32, #tpu.memory_space<vmem>>) dst(%dma_wait3A_65 : memref<128x128xf32, #tpu.memory_space<vmem_shared>>)
      tpu.yield
    }) : () -> ()
    %add3A_14 = arith.constant 256 : i32
    %add3A_15 = arith.addi %mul3A_9, %add3A_14 : i32
    "tpu.region"() ({
      %run_scoped3A = tpu.sem_alloc : memref<!tpu.dma_semaphore, #tpu.memory_space<semaphore_mem>>
      %dma_start3A = arith.constant 0 : i32
      %dma_start3A_51 = arith.constant 0 : i32
      %dma_start3A_52 = tpu.memref_slice %arg8[%dma_start3A, %dma_start3A_51] : memref<128x128xf32, #tpu.memory_space<vmem>> -> memref<128x128xf32, #tpu.memory_space<vmem>>
      %dma_start3A_53 = arith.constant 0 : i32
      %dma_start3A_54 = tpu.memref_slice %arg10[%add3A_15, %dma_start3A_53] : memref<10112x128xf32, #tpu.memory_space<vmem_shared>> -> memref<128x128xf32, #tpu.memory_space<vmem_shared>>
      %dma_start3A_55 = arith.constant 0 : i32
      %dma_start3A_56 = tpu.memref_slice %arg10[%add3A_15, %dma_start3A_55] : memref<10112x128xf32, #tpu.memory_space<vmem_shared>> -> memref<128x128xf32, #tpu.memory_space<vmem_shared>>
      %dma_start3A_57 = arith.constant 0 : i32
      %dma_start3A_58 = arith.constant 0 : i32
      %dma_start3A_59 = tpu.memref_slice %arg8[%dma_start3A_57, %dma_start3A_58] : memref<128x128xf32, #tpu.memory_space<vmem>> -> memref<128x128xf32, #tpu.memory_space<vmem>>
      tpu.enqueue_dma source(%dma_start3A_59 : memref<128x128xf32, #tpu.memory_space<vmem>>) target(%dma_start3A_56 : memref<128x128xf32, #tpu.memory_space<vmem_shared>>) target_semaphore(%run_scoped3A : memref<!tpu.dma_semaphore, #tpu.memory_space<semaphore_mem>>)
      %dma_wait3A = arith.constant 0 : i32
      %dma_wait3A_60 = arith.constant 0 : i32
      %dma_wait3A_61 = tpu.memref_slice %arg8[%dma_wait3A, %dma_wait3A_60] : memref<128x128xf32, #tpu.memory_space<vmem>> -> memref<128x128xf32, #tpu.memory_space<vmem>>
      %dma_wait3A_62 = arith.constant 0 : i32
      %dma_wait3A_63 = tpu.memref_slice %arg10[%add3A_15, %dma_wait3A_62] : memref<10112x128xf32, #tpu.memory_space<vmem_shared>> -> memref<128x128xf32, #tpu.memory_space<vmem_shared>>
      %dma_wait3A_64 = arith.constant 0 : i32
      %dma_wait3A_65 = tpu.memref_slice %arg10[%add3A_15, %dma_wait3A_64] : memref<10112x128xf32, #tpu.memory_space<vmem_shared>> -> memref<128x128xf32, #tpu.memory_space<vmem_shared>>
      %dma_wait3A_66 = arith.constant 0 : i32
      %dma_wait3A_67 = arith.constant 0 : i32
      %dma_wait3A_68 = tpu.memref_slice %arg8[%dma_wait3A_66, %dma_wait3A_67] : memref<128x128xf32, #tpu.memory_space<vmem>> -> memref<128x128xf32, #tpu.memory_space<vmem>>
      tpu.wait_dma2 semaphore(%run_scoped3A : memref<!tpu.dma_semaphore, #tpu.memory_space<semaphore_mem>>) src(%dma_wait3A_68 : memref<128x128xf32, #tpu.memory_space<vmem>>) dst(%dma_wait3A_65 : memref<128x128xf32, #tpu.memory_space<vmem_shared>>)
      tpu.yield
    }) : () -> ()
    %add3A_16 = arith.constant 384 : i32
    %add3A_17 = arith.addi %mul3A_9, %add3A_16 : i32
    "tpu.region"() ({
      %run_scoped3A = tpu.sem_alloc : memref<!tpu.dma_semaphore, #tpu.memory_space<semaphore_mem>>
      %dma_start3A = arith.constant 0 : i32
      %dma_start3A_51 = arith.constant 0 : i32
      %dma_start3A_52 = tpu.memref_slice %arg8[%dma_start3A, %dma_start3A_51] : memref<128x128xf32, #tpu.memory_space<vmem>> -> memref<128x128xf32, #tpu.memory_space<vmem>>
      %dma_start3A_53 = arith.constant 0 : i32
      %dma_start3A_54 = tpu.memref_slice %arg10[%add3A_17, %dma_start3A_53] : memref<10112x128xf32, #tpu.memory_space<vmem_shared>> -> memref<128x128xf32, #tpu.memory_space<vmem_shared>>
      %dma_start3A_55 = arith.constant 0 : i32
      %dma_start3A_56 = tpu.memref_slice %arg10[%add3A_17, %dma_start3A_55] : memref<10112x128xf32, #tpu.memory_space<vmem_shared>> -> memref<128x128xf32, #tpu.memory_space<vmem_shared>>
      %dma_start3A_57 = arith.constant 0 : i32
      %dma_start3A_58 = arith.constant 0 : i32
      %dma_start3A_59 = tpu.memref_slice %arg8[%dma_start3A_57, %dma_start3A_58] : memref<128x128xf32, #tpu.memory_space<vmem>> -> memref<128x128xf32, #tpu.memory_space<vmem>>
      tpu.enqueue_dma source(%dma_start3A_59 : memref<128x128xf32, #tpu.memory_space<vmem>>) target(%dma_start3A_56 : memref<128x128xf32, #tpu.memory_space<vmem_shared>>) target_semaphore(%run_scoped3A : memref<!tpu.dma_semaphore, #tpu.memory_space<semaphore_mem>>)
      %dma_wait3A = arith.constant 0 : i32
      %dma_wait3A_60 = arith.constant 0 : i32
      %dma_wait3A_61 = tpu.memref_slice %arg8[%dma_wait3A, %dma_wait3A_60] : memref<128x128xf32, #tpu.memory_space<vmem>> -> memref<128x128xf32, #tpu.memory_space<vmem>>
      %dma_wait3A_62 = arith.constant 0 : i32
      %dma_wait3A_63 = tpu.memref_slice %arg10[%add3A_17, %dma_wait3A_62] : memref<10112x128xf32, #tpu.memory_space<vmem_shared>> -> memref<128x128xf32, #tpu.memory_space<vmem_shared>>
      %dma_wait3A_64 = arith.constant 0 : i32
      %dma_wait3A_65 = tpu.memref_slice %arg10[%add3A_17, %dma_wait3A_64] : memref<10112x128xf32, #tpu.memory_space<vmem_shared>> -> memref<128x128xf32, #tpu.memory_space<vmem_shared>>
      %dma_wait3A_66 = arith.constant 0 : i32
      %dma_wait3A_67 = arith.constant 0 : i32
      %dma_wait3A_68 = tpu.memref_slice %arg8[%dma_wait3A_66, %dma_wait3A_67] : memref<128x128xf32, #tpu.memory_space<vmem>> -> memref<128x128xf32, #tpu.memory_space<vmem>>
      tpu.wait_dma2 semaphore(%run_scoped3A : memref<!tpu.dma_semaphore, #tpu.memory_space<semaphore_mem>>) src(%dma_wait3A_68 : memref<128x128xf32, #tpu.memory_space<vmem>>) dst(%dma_wait3A_65 : memref<128x128xf32, #tpu.memory_space<vmem_shared>>)
      tpu.yield
    }) : () -> ()
    %add3A_18 = arith.constant 512 : i32
    %add3A_19 = arith.addi %mul3A_9, %add3A_18 : i32
    "tpu.region"() ({
      %run_scoped3A = tpu.sem_alloc : memref<!tpu.dma_semaphore, #tpu.memory_space<semaphore_mem>>
      %dma_start3A = arith.constant 0 : i32
      %dma_start3A_51 = arith.constant 0 : i32
      %dma_start3A_52 = tpu.memref_slice %arg8[%dma_start3A, %dma_start3A_51] : memref<128x128xf32, #tpu.memory_space<vmem>> -> memref<120x128xf32, #tpu.memory_space<vmem>>
      %dma_start3A_53 = arith.constant 0 : i32
      %dma_start3A_54 = tpu.memref_slice %arg10[%add3A_19, %dma_start3A_53] : memref<10112x128xf32, #tpu.memory_space<vmem_shared>> -> memref<120x128xf32, #tpu.memory_space<vmem_shared>>
      %dma_start3A_55 = arith.constant 0 : i32
      %dma_start3A_56 = tpu.memref_slice %arg10[%add3A_19, %dma_start3A_55] : memref<10112x128xf32, #tpu.memory_space<vmem_shared>> -> memref<120x128xf32, #tpu.memory_space<vmem_shared>>
      %dma_start3A_57 = arith.constant 0 : i32
      %dma_start3A_58 = arith.constant 0 : i32
      %dma_start3A_59 = tpu.memref_slice %arg8[%dma_start3A_57, %dma_start3A_58] : memref<128x128xf32, #tpu.memory_space<vmem>> -> memref<120x128xf32, #tpu.memory_space<vmem>>
      tpu.enqueue_dma source(%dma_start3A_59 : memref<120x128xf32, #tpu.memory_space<vmem>>) target(%dma_start3A_56 : memref<120x128xf32, #tpu.memory_space<vmem_shared>>) target_semaphore(%run_scoped3A : memref<!tpu.dma_semaphore, #tpu.memory_space<semaphore_mem>>)
      %dma_wait3A = arith.constant 0 : i32
      %dma_wait3A_60 = arith.constant 0 : i32
      %dma_wait3A_61 = tpu.memref_slice %arg8[%dma_wait3A, %dma_wait3A_60] : memref<128x128xf32, #tpu.memory_space<vmem>> -> memref<120x128xf32, #tpu.memory_space<vmem>>
      %dma_wait3A_62 = arith.constant 0 : i32
      %dma_wait3A_63 = tpu.memref_slice %arg10[%add3A_19, %dma_wait3A_62] : memref<10112x128xf32, #tpu.memory_space<vmem_shared>> -> memref<120x128xf32, #tpu.memory_space<vmem_shared>>
      %dma_wait3A_64 = arith.constant 0 : i32
      %dma_wait3A_65 = tpu.memref_slice %arg10[%add3A_19, %dma_wait3A_64] : memref<10112x128xf32, #tpu.memory_space<vmem_shared>> -> memref<120x128xf32, #tpu.memory_space<vmem_shared>>
      %dma_wait3A_66 = arith.constant 0 : i32
      %dma_wait3A_67 = arith.constant 0 : i32
      %dma_wait3A_68 = tpu.memref_slice %arg8[%dma_wait3A_66, %dma_wait3A_67] : memref<128x128xf32, #tpu.memory_space<vmem>> -> memref<120x128xf32, #tpu.memory_space<vmem>>
      tpu.wait_dma2 semaphore(%run_scoped3A : memref<!tpu.dma_semaphore, #tpu.memory_space<semaphore_mem>>) src(%dma_wait3A_68 : memref<120x128xf32, #tpu.memory_space<vmem>>) dst(%dma_wait3A_65 : memref<120x128xf32, #tpu.memory_space<vmem_shared>>)
      tpu.yield
    }) : () -> ()
    %barrier3A = arith.constant 0 : index
    tpu.barrier barrier_id(%barrier3A)
    %scan3A_20 = arith.constant 0 : i32
    %scan3A_21 = arith.constant 0 : i32
    %scan3A_22 = arith.constant 2 : i32
    %scan3A_23 = arith.addi %scan3A_21, %scan3A_22 : i32
    %scan3A_24 = arith.constant 1 : i32
    scf.for %scan3A_51 = %scan3A_21 to %scan3A_23 step %scan3A_24  : i32 {
      %mul3A_52 = arith.constant 40 : i32
      %mul3A_53 = arith.muli %scan3A_51, %mul3A_52 : i32
      %add3A_54 = arith.addi %mul3A_2, %mul3A_53 : i32
      "tpu.region"() ({
        %run_scoped3A = tpu.sem_alloc : memref<!tpu.dma_semaphore, #tpu.memory_space<semaphore_mem>>
        %dma_start3A_67 = arith.constant 0 : i32
        %dma_start3A_68 = tpu.memref_slice %arg3[%add3A_54, %dma_start3A_67] : memref<2560x128xi32, #tpu.memory_space<hbm>> -> memref<40x128xi32, #tpu.memory_space<hbm>>
        %dma_start3A_69 = arith.constant 0 : i32
        %dma_start3A_70 = tpu.memref_slice %arg3[%add3A_54, %dma_start3A_69] : memref<2560x128xi32, #tpu.memory_space<hbm>> -> memref<40x128xi32, #tpu.memory_space<hbm>>
        tpu.enqueue_dma source(%dma_start3A_70 : memref<40x128xi32, #tpu.memory_space<hbm>>) target(%arg6 : memref<40x128xi32, #tpu.memory_space<vmem>>) target_semaphore(%run_scoped3A : memref<!tpu.dma_semaphore, #tpu.memory_space<semaphore_mem>>)
        %dma_wait3A = arith.constant 0 : i32
        %dma_wait3A_71 = tpu.memref_slice %arg3[%add3A_54, %dma_wait3A] : memref<2560x128xi32, #tpu.memory_space<hbm>> -> memref<40x128xi32, #tpu.memory_space<hbm>>
        %dma_wait3A_72 = arith.constant 0 : i32
        %dma_wait3A_73 = tpu.memref_slice %arg3[%add3A_54, %dma_wait3A_72] : memref<2560x128xi32, #tpu.memory_space<hbm>> -> memref<40x128xi32, #tpu.memory_space<hbm>>
        tpu.wait_dma2 semaphore(%run_scoped3A : memref<!tpu.dma_semaphore, #tpu.memory_space<semaphore_mem>>) src(%dma_wait3A_73 : memref<40x128xi32, #tpu.memory_space<hbm>>) dst(%arg6 : memref<40x128xi32, #tpu.memory_space<vmem>>)
        tpu.yield
      }) : () -> ()
      "tpu.region"() ({
        %run_scoped3A = tpu.sem_alloc : memref<!tpu.dma_semaphore, #tpu.memory_space<semaphore_mem>>
        %dma_start3A_67 = arith.constant 0 : i32
        %dma_start3A_68 = tpu.memref_slice %arg4[%add3A_54, %dma_start3A_67] : memref<2560x128xi32, #tpu.memory_space<hbm>> -> memref<40x128xi32, #tpu.memory_space<hbm>>
        %dma_start3A_69 = arith.constant 0 : i32
        %dma_start3A_70 = tpu.memref_slice %arg4[%add3A_54, %dma_start3A_69] : memref<2560x128xi32, #tpu.memory_space<hbm>> -> memref<40x128xi32, #tpu.memory_space<hbm>>
        tpu.enqueue_dma source(%dma_start3A_70 : memref<40x128xi32, #tpu.memory_space<hbm>>) target(%arg7 : memref<40x128xi32, #tpu.memory_space<vmem>>) target_semaphore(%run_scoped3A : memref<!tpu.dma_semaphore, #tpu.memory_space<semaphore_mem>>)
        %dma_wait3A = arith.constant 0 : i32
        %dma_wait3A_71 = tpu.memref_slice %arg4[%add3A_54, %dma_wait3A] : memref<2560x128xi32, #tpu.memory_space<hbm>> -> memref<40x128xi32, #tpu.memory_space<hbm>>
        %dma_wait3A_72 = arith.constant 0 : i32
        %dma_wait3A_73 = tpu.memref_slice %arg4[%add3A_54, %dma_wait3A_72] : memref<2560x128xi32, #tpu.memory_space<hbm>> -> memref<40x128xi32, #tpu.memory_space<hbm>>
        tpu.wait_dma2 semaphore(%run_scoped3A : memref<!tpu.dma_semaphore, #tpu.memory_space<semaphore_mem>>) src(%dma_wait3A_73 : memref<40x128xi32, #tpu.memory_space<hbm>>) dst(%arg7 : memref<40x128xi32, #tpu.memory_space<vmem>>)
        tpu.yield
      }) : () -> ()
      %dma_start3A = arith.constant 0 : i32
      %dma_start3A_55 = arith.constant 0 : i32
      %dma_start3A_56 = tpu.memref_slice %arg6[%dma_start3A, %dma_start3A_55] : memref<40x128xi32, #tpu.memory_space<vmem>> -> memref<1x128xi32, #tpu.memory_space<vmem>>
      %dma_start3A_57 = tpu.memref_squeeze %dma_start3A_56 : memref<1x128xi32, #tpu.memory_space<vmem>> -> memref<128xi32, #tpu.memory_space<vmem>>
      %dma_start3A_58 = arith.constant 0 : i32
      %dma_start3A_59 = arith.constant 0 : i32
      %dma_start3A_60 = tpu.memref_slice %arg2[%dma_start3A_58, %dma_start3A_59] : memref<10000x128xf32, #tpu.memory_space<hbm>> -> memref<10000x128xf32, #tpu.memory_space<hbm>>
      tpu.enqueue_indirect_dma source(%dma_start3A_60 : memref<10000x128xf32, #tpu.memory_space<hbm>>) target(%arg8 : memref<128x128xf32, #tpu.memory_space<vmem>>) offsets(%dma_start3A_57 : memref<128xi32, #tpu.memory_space<vmem>>) semaphore(%arg11 : memref<!tpu.dma_semaphore, #tpu.memory_space<semaphore_mem>>)
      %scan3A_61 = arith.constant 0 : i32
      %scan3A_62 = arith.constant 0 : i32
      %scan3A_63 = arith.constant 20 : i32
      %scan3A_64 = arith.addi %scan3A_62, %scan3A_63 : i32
      %scan3A_65 = arith.constant 1 : i32
      scf.for %scan3A_67 = %scan3A_62 to %scan3A_64 step %scan3A_65  : i32 {
        %mul3A_68 = arith.constant 2 : i32
        %mul3A_69 = arith.muli %mul3A_68, %scan3A_67 : i32
        %add3A_70 = arith.constant 1 : i32
        %add3A_71 = arith.addi %mul3A_69, %add3A_70 : i32
        %dma_start3A_72 = arith.constant 0 : i32
        %dma_start3A_73 = tpu.memref_slice %arg6[%add3A_71, %dma_start3A_72] : memref<40x128xi32, #tpu.memory_space<vmem>> -> memref<1x128xi32, #tpu.memory_space<vmem>>
        %dma_start3A_74 = tpu.memref_squeeze %dma_start3A_73 : memref<1x128xi32, #tpu.memory_space<vmem>> -> memref<128xi32, #tpu.memory_space<vmem>>
        %dma_start3A_75 = arith.constant 0 : i32
        %dma_start3A_76 = arith.constant 0 : i32
        %dma_start3A_77 = tpu.memref_slice %arg2[%dma_start3A_75, %dma_start3A_76] : memref<10000x128xf32, #tpu.memory_space<hbm>> -> memref<10000x128xf32, #tpu.memory_space<hbm>>
        tpu.enqueue_indirect_dma source(%dma_start3A_77 : memref<10000x128xf32, #tpu.memory_space<hbm>>) target(%arg9 : memref<128x128xf32, #tpu.memory_space<vmem>>) offsets(%dma_start3A_74 : memref<128xi32, #tpu.memory_space<vmem>>) semaphore(%arg12 : memref<!tpu.dma_semaphore, #tpu.memory_space<semaphore_mem>>)
        %dma_wait3A = arith.constant 0 : i32
        %dma_wait3A_78 = tpu.memref_slice %arg6[%mul3A_69, %dma_wait3A] : memref<40x128xi32, #tpu.memory_space<vmem>> -> memref<1x128xi32, #tpu.memory_space<vmem>>
        %dma_wait3A_79 = tpu.memref_squeeze %dma_wait3A_78 : memref<1x128xi32, #tpu.memory_space<vmem>> -> memref<128xi32, #tpu.memory_space<vmem>>
        %dma_wait3A_80 = arith.constant 0 : i32
        %dma_wait3A_81 = arith.constant 0 : i32
        %dma_wait3A_82 = tpu.memref_slice %arg2[%dma_wait3A_80, %dma_wait3A_81] : memref<10000x128xf32, #tpu.memory_space<hbm>> -> memref<10000x128xf32, #tpu.memory_space<hbm>>
        tpu.wait_indirect_dma semaphore(%arg11 : memref<!tpu.dma_semaphore, #tpu.memory_space<semaphore_mem>>) src(%dma_wait3A_82 : memref<10000x128xf32, #tpu.memory_space<hbm>>) dst(%arg8 : memref<128x128xf32, #tpu.memory_space<vmem>>)
        "tpu.region"() ({
          %run_scoped3A = tpu.sem_alloc : memref<!tpu.dma_semaphore, #tpu.memory_space<semaphore_mem>>
          %dma_start3A_98 = arith.constant 0 : i32
          %dma_start3A_99 = tpu.memref_slice %arg7[%mul3A_69, %dma_start3A_98] : memref<40x128xi32, #tpu.memory_space<vmem>> -> memref<1x128xi32, #tpu.memory_space<vmem>>
          %dma_start3A_100 = tpu.memref_squeeze %dma_start3A_99 : memref<1x128xi32, #tpu.memory_space<vmem>> -> memref<128xi32, #tpu.memory_space<vmem>>
          %dma_start3A_101 = arith.constant 0 : i32
          %dma_start3A_102 = arith.constant 0 : i32
          %dma_start3A_103 = tpu.memref_slice %arg10[%dma_start3A_101, %dma_start3A_102] : memref<10112x128xf32, #tpu.memory_space<vmem_shared>> -> memref<10112x128xf32, #tpu.memory_space<vmem_shared>>
          tpu.enqueue_indirect_dma source(%arg8 : memref<128x128xf32, #tpu.memory_space<vmem>>) target(%dma_start3A_103 : memref<10112x128xf32, #tpu.memory_space<vmem_shared>>) offsets(%dma_start3A_100 : memref<128xi32, #tpu.memory_space<vmem>>) semaphore(%run_scoped3A : memref<!tpu.dma_semaphore, #tpu.memory_space<semaphore_mem>>) {add = true}
          %dma_wait3A_104 = arith.constant 0 : i32
          %dma_wait3A_105 = tpu.memref_slice %arg7[%mul3A_69, %dma_wait3A_104] : memref<40x128xi32, #tpu.memory_space<vmem>> -> memref<1x128xi32, #tpu.memory_space<vmem>>
          %dma_wait3A_106 = tpu.memref_squeeze %dma_wait3A_105 : memref<1x128xi32, #tpu.memory_space<vmem>> -> memref<128xi32, #tpu.memory_space<vmem>>
          %dma_wait3A_107 = arith.constant 0 : i32
          %dma_wait3A_108 = arith.constant 0 : i32
          %dma_wait3A_109 = tpu.memref_slice %arg10[%dma_wait3A_107, %dma_wait3A_108] : memref<10112x128xf32, #tpu.memory_space<vmem_shared>> -> memref<10112x128xf32, #tpu.memory_space<vmem_shared>>
          tpu.wait_indirect_dma semaphore(%run_scoped3A : memref<!tpu.dma_semaphore, #tpu.memory_space<semaphore_mem>>) src(%arg8 : memref<128x128xf32, #tpu.memory_space<vmem>>) dst(%dma_wait3A_109 : memref<10112x128xf32, #tpu.memory_space<vmem_shared>>)
          tpu.yield
        }) : () -> ()
        %lt3A_83 = arith.constant 19 : i32
        %lt3A_84 = arith.cmpi slt, %scan3A_67, %lt3A_83 : i32
        %convert_element_type3A_85 = arith.extui %lt3A_84 : i1 to i32
        %cond3A_86 = arith.constant 0 : i32
        %cond3A_87 = arith.cmpi ne, %convert_element_type3A_85, %cond3A_86 : i32
        scf.if %cond3A_87 {
          %add3A_98 = arith.constant 2 : i32
          %add3A_99 = arith.addi %mul3A_69, %add3A_98 : i32
          %dma_start3A_100 = arith.constant 0 : i32
          %dma_start3A_101 = tpu.memref_slice %arg6[%add3A_99, %dma_start3A_100] : memref<40x128xi32, #tpu.memory_space<vmem>> -> memref<1x128xi32, #tpu.memory_space<vmem>>
          %dma_start3A_102 = tpu.memref_squeeze %dma_start3A_101 : memref<1x128xi32, #tpu.memory_space<vmem>> -> memref<128xi32, #tpu.memory_space<vmem>>
          %dma_start3A_103 = arith.constant 0 : i32
          %dma_start3A_104 = arith.constant 0 : i32
          %dma_start3A_105 = tpu.memref_slice %arg2[%dma_start3A_103, %dma_start3A_104] : memref<10000x128xf32, #tpu.memory_space<hbm>> -> memref<10000x128xf32, #tpu.memory_space<hbm>>
          tpu.enqueue_indirect_dma source(%dma_start3A_105 : memref<10000x128xf32, #tpu.memory_space<hbm>>) target(%arg8 : memref<128x128xf32, #tpu.memory_space<vmem>>) offsets(%dma_start3A_102 : memref<128xi32, #tpu.memory_space<vmem>>) semaphore(%arg11 : memref<!tpu.dma_semaphore, #tpu.memory_space<semaphore_mem>>)
        } else {
        }
        %add3A_88 = arith.constant 1 : i32
        %add3A_89 = arith.addi %mul3A_69, %add3A_88 : i32
        %dma_wait3A_90 = arith.constant 0 : i32
        %dma_wait3A_91 = tpu.memref_slice %arg6[%add3A_89, %dma_wait3A_90] : memref<40x128xi32, #tpu.memory_space<vmem>> -> memref<1x128xi32, #tpu.memory_space<vmem>>
        %dma_wait3A_92 = tpu.memref_squeeze %dma_wait3A_91 : memref<1x128xi32, #tpu.memory_space<vmem>> -> memref<128xi32, #tpu.memory_space<vmem>>
        %dma_wait3A_93 = arith.constant 0 : i32
        %dma_wait3A_94 = arith.constant 0 : i32
        %dma_wait3A_95 = tpu.memref_slice %arg2[%dma_wait3A_93, %dma_wait3A_94] : memref<10000x128xf32, #tpu.memory_space<hbm>> -> memref<10000x128xf32, #tpu.memory_space<hbm>>
        tpu.wait_indirect_dma semaphore(%arg12 : memref<!tpu.dma_semaphore, #tpu.memory_space<semaphore_mem>>) src(%dma_wait3A_95 : memref<10000x128xf32, #tpu.memory_space<hbm>>) dst(%arg9 : memref<128x128xf32, #tpu.memory_space<vmem>>)
        %add3A_96 = arith.constant 1 : i32
        %add3A_97 = arith.addi %mul3A_69, %add3A_96 : i32
        "tpu.region"() ({
          %run_scoped3A = tpu.sem_alloc : memref<!tpu.dma_semaphore, #tpu.memory_space<semaphore_mem>>
          %dma_start3A_98 = arith.constant 0 : i32
          %dma_start3A_99 = tpu.memref_slice %arg7[%add3A_97, %dma_start3A_98] : memref<40x128xi32, #tpu.memory_space<vmem>> -> memref<1x128xi32, #tpu.memory_space<vmem>>
          %dma_start3A_100 = tpu.memref_squeeze %dma_start3A_99 : memref<1x128xi32, #tpu.memory_space<vmem>> -> memref<128xi32, #tpu.memory_space<vmem>>
          %dma_start3A_101 = arith.constant 0 : i32
          %dma_start3A_102 = arith.constant 0 : i32
          %dma_start3A_103 = tpu.memref_slice %arg10[%dma_start3A_101, %dma_start3A_102] : memref<10112x128xf32, #tpu.memory_space<vmem_shared>> -> memref<10112x128xf32, #tpu.memory_space<vmem_shared>>
          tpu.enqueue_indirect_dma source(%arg9 : memref<128x128xf32, #tpu.memory_space<vmem>>) target(%dma_start3A_103 : memref<10112x128xf32, #tpu.memory_space<vmem_shared>>) offsets(%dma_start3A_100 : memref<128xi32, #tpu.memory_space<vmem>>) semaphore(%run_scoped3A : memref<!tpu.dma_semaphore, #tpu.memory_space<semaphore_mem>>) {add = true}
          %dma_wait3A_104 = arith.constant 0 : i32
          %dma_wait3A_105 = tpu.memref_slice %arg7[%add3A_97, %dma_wait3A_104] : memref<40x128xi32, #tpu.memory_space<vmem>> -> memref<1x128xi32, #tpu.memory_space<vmem>>
          %dma_wait3A_106 = tpu.memref_squeeze %dma_wait3A_105 : memref<1x128xi32, #tpu.memory_space<vmem>> -> memref<128xi32, #tpu.memory_space<vmem>>
          %dma_wait3A_107 = arith.constant 0 : i32
          %dma_wait3A_108 = arith.constant 0 : i32
          %dma_wait3A_109 = tpu.memref_slice %arg10[%dma_wait3A_107, %dma_wait3A_108] : memref<10112x128xf32, #tpu.memory_space<vmem_shared>> -> memref<10112x128xf32, #tpu.memory_space<vmem_shared>>
          tpu.wait_indirect_dma semaphore(%run_scoped3A : memref<!tpu.dma_semaphore, #tpu.memory_space<semaphore_mem>>) src(%arg9 : memref<128x128xf32, #tpu.memory_space<vmem>>) dst(%dma_wait3A_109 : memref<10112x128xf32, #tpu.memory_space<vmem_shared>>)
          tpu.yield
        }) : () -> ()
      }
      %scan3A_66 = arith.constant 20 : i32
    }
    %scan3A_25 = arith.constant 2 : i32
    %barrier3A_26 = arith.constant 0 : index
    tpu.barrier barrier_id(%barrier3A_26)
    %mul3A_27 = arith.constant 632 : i32
    %mul3A_28 = arith.muli %arg1, %mul3A_27 : i32
    %add3A_29 = arith.constant 0 : i32
    %add3A_30 = arith.addi %mul3A_28, %add3A_29 : i32
    %add3A_31 = arith.constant 0 : i32
    %add3A_32 = arith.addi %mul3A_28, %add3A_31 : i32
    "tpu.region"() ({
      %run_scoped3A = tpu.sem_alloc : memref<!tpu.dma_semaphore, #tpu.memory_space<semaphore_mem>>
      %dma_start3A = arith.constant 0 : i32
      %dma_start3A_51 = tpu.memref_slice %arg5[%arg0, %add3A_32, %dma_start3A] : memref<2x10000x128xf32, #tpu.memory_space<hbm>> -> memref<1x128x128xf32, #tpu.memory_space<hbm>>
      %dma_start3A_52 = tpu.memref_squeeze %dma_start3A_51 : memref<1x128x128xf32, #tpu.memory_space<hbm>> -> memref<128x128xf32, #tpu.memory_space<hbm>>
      %dma_start3A_53 = arith.constant 0 : i32
      %dma_start3A_54 = tpu.memref_slice %arg10[%add3A_30, %dma_start3A_53] : memref<10112x128xf32, #tpu.memory_space<vmem_shared>> -> memref<128x128xf32, #tpu.memory_space<vmem_shared>>
      tpu.enqueue_dma source(%dma_start3A_54 : memref<128x128xf32, #tpu.memory_space<vmem_shared>>) target(%dma_start3A_52 : memref<128x128xf32, #tpu.memory_space<hbm>>) target_semaphore(%run_scoped3A : memref<!tpu.dma_semaphore, #tpu.memory_space<semaphore_mem>>)
      %dma_wait3A = arith.constant 0 : i32
      %dma_wait3A_55 = tpu.memref_slice %arg5[%arg0, %add3A_32, %dma_wait3A] : memref<2x10000x128xf32, #tpu.memory_space<hbm>> -> memref<1x128x128xf32, #tpu.memory_space<hbm>>
      %dma_wait3A_56 = tpu.memref_squeeze %dma_wait3A_55 : memref<1x128x128xf32, #tpu.memory_space<hbm>> -> memref<128x128xf32, #tpu.memory_space<hbm>>
      %dma_wait3A_57 = arith.constant 0 : i32
      %dma_wait3A_58 = tpu.memref_slice %arg10[%add3A_30, %dma_wait3A_57] : memref<10112x128xf32, #tpu.memory_space<vmem_shared>> -> memref<128x128xf32, #tpu.memory_space<vmem_shared>>
      tpu.wait_dma2 semaphore(%run_scoped3A : memref<!tpu.dma_semaphore, #tpu.memory_space<semaphore_mem>>) src(%dma_wait3A_58 : memref<128x128xf32, #tpu.memory_space<vmem_shared>>) dst(%dma_wait3A_56 : memref<128x128xf32, #tpu.memory_space<hbm>>)
      tpu.yield
    }) : () -> ()
    %add3A_33 = arith.constant 128 : i32
    %add3A_34 = arith.addi %mul3A_28, %add3A_33 : i32
    %add3A_35 = arith.constant 128 : i32
    %add3A_36 = arith.addi %mul3A_28, %add3A_35 : i32
    "tpu.region"() ({
      %run_scoped3A = tpu.sem_alloc : memref<!tpu.dma_semaphore, #tpu.memory_space<semaphore_mem>>
      %dma_start3A = arith.constant 0 : i32
      %dma_start3A_51 = tpu.memref_slice %arg5[%arg0, %add3A_36, %dma_start3A] : memref<2x10000x128xf32, #tpu.memory_space<hbm>> -> memref<1x128x128xf32, #tpu.memory_space<hbm>>
      %dma_start3A_52 = tpu.memref_squeeze %dma_start3A_51 : memref<1x128x128xf32, #tpu.memory_space<hbm>> -> memref<128x128xf32, #tpu.memory_space<hbm>>
      %dma_start3A_53 = arith.constant 0 : i32
      %dma_start3A_54 = tpu.memref_slice %arg10[%add3A_34, %dma_start3A_53] : memref<10112x128xf32, #tpu.memory_space<vmem_shared>> -> memref<128x128xf32, #tpu.memory_space<vmem_shared>>
      tpu.enqueue_dma source(%dma_start3A_54 : memref<128x128xf32, #tpu.memory_space<vmem_shared>>) target(%dma_start3A_52 : memref<128x128xf32, #tpu.memory_space<hbm>>) target_semaphore(%run_scoped3A : memref<!tpu.dma_semaphore, #tpu.memory_space<semaphore_mem>>)
      %dma_wait3A = arith.constant 0 : i32
      %dma_wait3A_55 = tpu.memref_slice %arg5[%arg0, %add3A_36, %dma_wait3A] : memref<2x10000x128xf32, #tpu.memory_space<hbm>> -> memref<1x128x128xf32, #tpu.memory_space<hbm>>
      %dma_wait3A_56 = tpu.memref_squeeze %dma_wait3A_55 : memref<1x128x128xf32, #tpu.memory_space<hbm>> -> memref<128x128xf32, #tpu.memory_space<hbm>>
      %dma_wait3A_57 = arith.constant 0 : i32
      %dma_wait3A_58 = tpu.memref_slice %arg10[%add3A_34, %dma_wait3A_57] : memref<10112x128xf32, #tpu.memory_space<vmem_shared>> -> memref<128x128xf32, #tpu.memory_space<vmem_shared>>
      tpu.wait_dma2 semaphore(%run_scoped3A : memref<!tpu.dma_semaphore, #tpu.memory_space<semaphore_mem>>) src(%dma_wait3A_58 : memref<128x128xf32, #tpu.memory_space<vmem_shared>>) dst(%dma_wait3A_56 : memref<128x128xf32, #tpu.memory_space<hbm>>)
      tpu.yield
    }) : () -> ()
    %add3A_37 = arith.constant 256 : i32
    %add3A_38 = arith.addi %mul3A_28, %add3A_37 : i32
    %add3A_39 = arith.constant 256 : i32
    %add3A_40 = arith.addi %mul3A_28, %add3A_39 : i32
    "tpu.region"() ({
      %run_scoped3A = tpu.sem_alloc : memref<!tpu.dma_semaphore, #tpu.memory_space<semaphore_mem>>
      %dma_start3A = arith.constant 0 : i32
      %dma_start3A_51 = tpu.memref_slice %arg5[%arg0, %add3A_40, %dma_start3A] : memref<2x10000x128xf32, #tpu.memory_space<hbm>> -> memref<1x128x128xf32, #tpu.memory_space<hbm>>
      %dma_start3A_52 = tpu.memref_squeeze %dma_start3A_51 : memref<1x128x128xf32, #tpu.memory_space<hbm>> -> memref<128x128xf32, #tpu.memory_space<hbm>>
      %dma_start3A_53 = arith.constant 0 : i32
      %dma_start3A_54 = tpu.memref_slice %arg10[%add3A_38, %dma_start3A_53] : memref<10112x128xf32, #tpu.memory_space<vmem_shared>> -> memref<128x128xf32, #tpu.memory_space<vmem_shared>>
      tpu.enqueue_dma source(%dma_start3A_54 : memref<128x128xf32, #tpu.memory_space<vmem_shared>>) target(%dma_start3A_52 : memref<128x128xf32, #tpu.memory_space<hbm>>) target_semaphore(%run_scoped3A : memref<!tpu.dma_semaphore, #tpu.memory_space<semaphore_mem>>)
      %dma_wait3A = arith.constant 0 : i32
      %dma_wait3A_55 = tpu.memref_slice %arg5[%arg0, %add3A_40, %dma_wait3A] : memref<2x10000x128xf32, #tpu.memory_space<hbm>> -> memref<1x128x128xf32, #tpu.memory_space<hbm>>
      %dma_wait3A_56 = tpu.memref_squeeze %dma_wait3A_55 : memref<1x128x128xf32, #tpu.memory_space<hbm>> -> memref<128x128xf32, #tpu.memory_space<hbm>>
      %dma_wait3A_57 = arith.constant 0 : i32
      %dma_wait3A_58 = tpu.memref_slice %arg10[%add3A_38, %dma_wait3A_57] : memref<10112x128xf32, #tpu.memory_space<vmem_shared>> -> memref<128x128xf32, #tpu.memory_space<vmem_shared>>
      tpu.wait_dma2 semaphore(%run_scoped3A : memref<!tpu.dma_semaphore, #tpu.memory_space<semaphore_mem>>) src(%dma_wait3A_58 : memref<128x128xf32, #tpu.memory_space<vmem_shared>>) dst(%dma_wait3A_56 : memref<128x128xf32, #tpu.memory_space<hbm>>)
      tpu.yield
    }) : () -> ()
    %add3A_41 = arith.constant 384 : i32
    %add3A_42 = arith.addi %mul3A_28, %add3A_41 : i32
    %add3A_43 = arith.constant 384 : i32
    %add3A_44 = arith.addi %mul3A_28, %add3A_43 : i32
    "tpu.region"() ({
      %run_scoped3A = tpu.sem_alloc : memref<!tpu.dma_semaphore, #tpu.memory_space<semaphore_mem>>
      %dma_start3A = arith.constant 0 : i32
      %dma_start3A_51 = tpu.memref_slice %arg5[%arg0, %add3A_44, %dma_start3A] : memref<2x10000x128xf32, #tpu.memory_space<hbm>> -> memref<1x128x128xf32, #tpu.memory_space<hbm>>
      %dma_start3A_52 = tpu.memref_squeeze %dma_start3A_51 : memref<1x128x128xf32, #tpu.memory_space<hbm>> -> memref<128x128xf32, #tpu.memory_space<hbm>>
      %dma_start3A_53 = arith.constant 0 : i32
      %dma_start3A_54 = tpu.memref_slice %arg10[%add3A_42, %dma_start3A_53] : memref<10112x128xf32, #tpu.memory_space<vmem_shared>> -> memref<128x128xf32, #tpu.memory_space<vmem_shared>>
      tpu.enqueue_dma source(%dma_start3A_54 : memref<128x128xf32, #tpu.memory_space<vmem_shared>>) target(%dma_start3A_52 : memref<128x128xf32, #tpu.memory_space<hbm>>) target_semaphore(%run_scoped3A : memref<!tpu.dma_semaphore, #tpu.memory_space<semaphore_mem>>)
      %dma_wait3A = arith.constant 0 : i32
      %dma_wait3A_55 = tpu.memref_slice %arg5[%arg0, %add3A_44, %dma_wait3A] : memref<2x10000x128xf32, #tpu.memory_space<hbm>> -> memref<1x128x128xf32, #tpu.memory_space<hbm>>
      %dma_wait3A_56 = tpu.memref_squeeze %dma_wait3A_55 : memref<1x128x128xf32, #tpu.memory_space<hbm>> -> memref<128x128xf32, #tpu.memory_space<hbm>>
      %dma_wait3A_57 = arith.constant 0 : i32
      %dma_wait3A_58 = tpu.memref_slice %arg10[%add3A_42, %dma_wait3A_57] : memref<10112x128xf32, #tpu.memory_space<vmem_shared>> -> memref<128x128xf32, #tpu.memory_space<vmem_shared>>
      tpu.wait_dma2 semaphore(%run_scoped3A : memref<!tpu.dma_semaphore, #tpu.memory_space<semaphore_mem>>) src(%dma_wait3A_58 : memref<128x128xf32, #tpu.memory_space<vmem_shared>>) dst(%dma_wait3A_56 : memref<128x128xf32, #tpu.memory_space<hbm>>)
      tpu.yield
    }) : () -> ()
    %lt3A = arith.constant 15 : i32
    %lt3A_45 = arith.cmpi slt, %arg1, %lt3A : i32
    %convert_element_type3A = arith.extui %lt3A_45 : i1 to i32
    %cond3A = arith.constant 0 : i32
    %cond3A_46 = arith.cmpi ne, %convert_element_type3A, %cond3A : i32
    scf.if %cond3A_46 {
      %add3A_51 = arith.constant 512 : i32
      %add3A_52 = arith.addi %mul3A_28, %add3A_51 : i32
      %add3A_53 = arith.constant 512 : i32
      %add3A_54 = arith.addi %mul3A_28, %add3A_53 : i32
      "tpu.region"() ({
        %run_scoped3A = tpu.sem_alloc : memref<!tpu.dma_semaphore, #tpu.memory_space<semaphore_mem>>
        %dma_start3A = arith.constant 0 : i32
        %dma_start3A_55 = tpu.memref_slice %arg5[%arg0, %add3A_54, %dma_start3A] : memref<2x10000x128xf32, #tpu.memory_space<hbm>> -> memref<1x120x128xf32, #tpu.memory_space<hbm>>
        %dma_start3A_56 = tpu.memref_squeeze %dma_start3A_55 : memref<1x120x128xf32, #tpu.memory_space<hbm>> -> memref<120x128xf32, #tpu.memory_space<hbm>>
        %dma_start3A_57 = arith.constant 0 : i32
        %dma_start3A_58 = tpu.memref_slice %arg10[%add3A_52, %dma_start3A_57] : memref<10112x128xf32, #tpu.memory_space<vmem_shared>> -> memref<120x128xf32, #tpu.memory_space<vmem_shared>>
        tpu.enqueue_dma source(%dma_start3A_58 : memref<120x128xf32, #tpu.memory_space<vmem_shared>>) target(%dma_start3A_56 : memref<120x128xf32, #tpu.memory_space<hbm>>) target_semaphore(%run_scoped3A : memref<!tpu.dma_semaphore, #tpu.memory_space<semaphore_mem>>)
        %dma_wait3A = arith.constant 0 : i32
        %dma_wait3A_59 = tpu.memref_slice %arg5[%arg0, %add3A_54, %dma_wait3A] : memref<2x10000x128xf32, #tpu.memory_space<hbm>> -> memref<1x120x128xf32, #tpu.memory_space<hbm>>
        %dma_wait3A_60 = tpu.memref_squeeze %dma_wait3A_59 : memref<1x120x128xf32, #tpu.memory_space<hbm>> -> memref<120x128xf32, #tpu.memory_space<hbm>>
        %dma_wait3A_61 = arith.constant 0 : i32
        %dma_wait3A_62 = tpu.memref_slice %arg10[%add3A_52, %dma_wait3A_61] : memref<10112x128xf32, #tpu.memory_space<vmem_shared>> -> memref<120x128xf32, #tpu.memory_space<vmem_shared>>
        tpu.wait_dma2 semaphore(%run_scoped3A : memref<!tpu.dma_semaphore, #tpu.memory_space<semaphore_mem>>) src(%dma_wait3A_62 : memref<120x128xf32, #tpu.memory_space<vmem_shared>>) dst(%dma_wait3A_60 : memref<120x128xf32, #tpu.memory_space<hbm>>)
        tpu.yield
      }) : () -> ()
    } else {
    }
    %eq3A = arith.constant 15 : i32
    %eq3A_47 = arith.cmpi eq, %arg1, %eq3A : i32
    %convert_element_type3A_48 = arith.extui %eq3A_47 : i1 to i32
    %cond3A_49 = arith.constant 0 : i32
    %cond3A_50 = arith.cmpi ne, %convert_element_type3A_48, %cond3A_49 : i32
    scf.if %cond3A_50 {
      %add3A_51 = arith.constant 512 : i32
      %add3A_52 = arith.addi %mul3A_28, %add3A_51 : i32
      %add3A_53 = arith.constant 512 : i32
      %add3A_54 = arith.addi %mul3A_28, %add3A_53 : i32
      "tpu.region"() ({
        %run_scoped3A = tpu.sem_alloc : memref<!tpu.dma_semaphore, #tpu.memory_space<semaphore_mem>>
        %dma_start3A = arith.constant 0 : i32
        %dma_start3A_55 = tpu.memref_slice %arg5[%arg0, %add3A_54, %dma_start3A] : memref<2x10000x128xf32, #tpu.memory_space<hbm>> -> memref<1x8x128xf32, #tpu.memory_space<hbm>>
        %dma_start3A_56 = tpu.memref_squeeze %dma_start3A_55 : memref<1x8x128xf32, #tpu.memory_space<hbm>> -> memref<8x128xf32, #tpu.memory_space<hbm>>
        %dma_start3A_57 = arith.constant 0 : i32
        %dma_start3A_58 = tpu.memref_slice %arg10[%add3A_52, %dma_start3A_57] : memref<10112x128xf32, #tpu.memory_space<vmem_shared>> -> memref<8x128xf32, #tpu.memory_space<vmem_shared>>
        tpu.enqueue_dma source(%dma_start3A_58 : memref<8x128xf32, #tpu.memory_space<vmem_shared>>) target(%dma_start3A_56 : memref<8x128xf32, #tpu.memory_space<hbm>>) target_semaphore(%run_scoped3A : memref<!tpu.dma_semaphore, #tpu.memory_space<semaphore_mem>>)
        %dma_wait3A = arith.constant 0 : i32
        %dma_wait3A_59 = tpu.memref_slice %arg5[%arg0, %add3A_54, %dma_wait3A] : memref<2x10000x128xf32, #tpu.memory_space<hbm>> -> memref<1x8x128xf32, #tpu.memory_space<hbm>>
        %dma_wait3A_60 = tpu.memref_squeeze %dma_wait3A_59 : memref<1x8x128xf32, #tpu.memory_space<hbm>> -> memref<8x128xf32, #tpu.memory_space<hbm>>
        %dma_wait3A_61 = arith.constant 0 : i32
        %dma_wait3A_62 = tpu.memref_slice %arg10[%add3A_52, %dma_wait3A_61] : memref<10112x128xf32, #tpu.memory_space<vmem_shared>> -> memref<8x128xf32, #tpu.memory_space<vmem_shared>>
        tpu.wait_dma2 semaphore(%run_scoped3A : memref<!tpu.dma_semaphore, #tpu.memory_space<semaphore_mem>>) src(%dma_wait3A_62 : memref<8x128xf32, #tpu.memory_space<vmem_shared>>) dst(%dma_wait3A_60 : memref<8x128xf32, #tpu.memory_space<hbm>>)
        tpu.yield
      }) : () -> ()
    } else {
    }
    return
  }
}

#map = affine_map<(d0, d1) -> (0, 0)>
#map1 = affine_map<(d0, d1) -> (0, 0, 0)>
module attributes {stable_mosaic.version = 14 : i64} {
  func.func @sc_agg(%arg0: i32, %arg1: i32, %arg2: memref<20000x128xf32, #tpu.memory_space<hbm>>, %arg3: memref<2x2560x128xi32, #tpu.memory_space<hbm>>, %arg4: memref<2560x128xi32, #tpu.memory_space<hbm>>, %arg5: memref<2x10000x128xf32, #tpu.memory_space<hbm>>, %arg6: memref<40x128xi32, #tpu.memory_space<vmem>>, %arg7: memref<40x128xi32, #tpu.memory_space<vmem>>, %arg8: memref<128x128xf32, #tpu.memory_space<vmem>>, %arg9: memref<128x128xf32, #tpu.memory_space<vmem>>, %arg10: memref<10112x128xf32, #tpu.memory_space<vmem_shared>>, %arg11: memref<!tpu.dma_semaphore, #tpu.memory_space<semaphore_mem>>, %arg12: memref<!tpu.dma_semaphore, #tpu.memory_space<semaphore_mem>>) attributes {dimension_semantics = [#tpu.dimension_semantics<core_parallel>, #tpu.dimension_semantics<subcore_parallel>], iteration_bounds = array<i64: 2, 16>, scalar_prefetch = 0 : i64, scratch_operands = 7 : i64, tpu.core_type = #tpu.core_type<sc_vector_subcore>, window_params = [{transform_indices = #map}, {transform_indices = #map1}, {transform_indices = #map}, {transform_indices = #map1}]} {
    %mul3A = arith.constant 160 : i32
    %mul3A_0 = arith.muli %arg1, %mul3A : i32
    %scan3A = arith.constant 0 : i32
    %scan3A_1 = arith.constant 0 : i32
    %scan3A_2 = arith.constant 128 : i32
    %scan3A_3 = arith.addi %scan3A_1, %scan3A_2 : i32
    %scan3A_4 = arith.constant 1 : i32
    scf.for %scan3A_48 = %scan3A_1 to %scan3A_3 step %scan3A_4  : i32 {
      %broadcast_in_dim3A = arith.constant 0.000000e+00 : f32
      %broadcast_in_dim3A_49 = vector.broadcast %broadcast_in_dim3A : f32 to vector<16xf32>
      %swap3A = arith.index_cast %scan3A_48 : i32 to index
      %swap3A_50 = arith.constant 0 : index
      %swap3A_51 = tpu.vector_load %arg8[%swap3A, %swap3A_50] {strides = array<i32>} : memref<128x128xf32, #tpu.memory_space<vmem>>, vector<1x16xf32>,
      %swap3A_52 = vector.shape_cast %swap3A_51 : vector<1x16xf32> to vector<16xf32>
      %swap3A_53 = vector.shape_cast %broadcast_in_dim3A_49 : vector<16xf32> to vector<1x16xf32>
      tpu.vector_store %arg8[%swap3A, %swap3A_50], %swap3A_53 {strides = array<i32>} : memref<128x128xf32, #tpu.memory_space<vmem>>, vector<1x16xf32>,
      %broadcast_in_dim3A_54 = arith.constant 0.000000e+00 : f32
      %broadcast_in_dim3A_55 = vector.broadcast %broadcast_in_dim3A_54 : f32 to vector<16xf32>
      %swap3A_56 = arith.index_cast %scan3A_48 : i32 to index
      %swap3A_57 = arith.constant 16 : index
      %swap3A_58 = tpu.vector_load %arg8[%swap3A_56, %swap3A_57] {strides = array<i32>} : memref<128x128xf32, #tpu.memory_space<vmem>>, vector<1x16xf32>,
      %swap3A_59 = vector.shape_cast %swap3A_58 : vector<1x16xf32> to vector<16xf32>
      %swap3A_60 = vector.shape_cast %broadcast_in_dim3A_55 : vector<16xf32> to vector<1x16xf32>
      tpu.vector_store %arg8[%swap3A_56, %swap3A_57], %swap3A_60 {strides = array<i32>} : memref<128x128xf32, #tpu.memory_space<vmem>>, vector<1x16xf32>,
      %broadcast_in_dim3A_61 = arith.constant 0.000000e+00 : f32
      %broadcast_in_dim3A_62 = vector.broadcast %broadcast_in_dim3A_61 : f32 to vector<16xf32>
      %swap3A_63 = arith.index_cast %scan3A_48 : i32 to index
      %swap3A_64 = arith.constant 32 : index
      %swap3A_65 = tpu.vector_load %arg8[%swap3A_63, %swap3A_64] {strides = array<i32>} : memref<128x128xf32, #tpu.memory_space<vmem>>, vector<1x16xf32>,
      %swap3A_66 = vector.shape_cast %swap3A_65 : vector<1x16xf32> to vector<16xf32>
      %swap3A_67 = vector.shape_cast %broadcast_in_dim3A_62 : vector<16xf32> to vector<1x16xf32>
      tpu.vector_store %arg8[%swap3A_63, %swap3A_64], %swap3A_67 {strides = array<i32>} : memref<128x128xf32, #tpu.memory_space<vmem>>, vector<1x16xf32>,
      %broadcast_in_dim3A_68 = arith.constant 0.000000e+00 : f32
      %broadcast_in_dim3A_69 = vector.broadcast %broadcast_in_dim3A_68 : f32 to vector<16xf32>
      %swap3A_70 = arith.index_cast %scan3A_48 : i32 to index
      %swap3A_71 = arith.constant 48 : index
      %swap3A_72 = tpu.vector_load %arg8[%swap3A_70, %swap3A_71] {strides = array<i32>} : memref<128x128xf32, #tpu.memory_space<vmem>>, vector<1x16xf32>,
      %swap3A_73 = vector.shape_cast %swap3A_72 : vector<1x16xf32> to vector<16xf32>
      %swap3A_74 = vector.shape_cast %broadcast_in_dim3A_69 : vector<16xf32> to vector<1x16xf32>
      tpu.vector_store %arg8[%swap3A_70, %swap3A_71], %swap3A_74 {strides = array<i32>} : memref<128x128xf32, #tpu.memory_space<vmem>>, vector<1x16xf32>,
      %broadcast_in_dim3A_75 = arith.constant 0.000000e+00 : f32
      %broadcast_in_dim3A_76 = vector.broadcast %broadcast_in_dim3A_75 : f32 to vector<16xf32>
      %swap3A_77 = arith.index_cast %scan3A_48 : i32 to index
      %swap3A_78 = arith.constant 64 : index
      %swap3A_79 = tpu.vector_load %arg8[%swap3A_77, %swap3A_78] {strides = array<i32>} : memref<128x128xf32, #tpu.memory_space<vmem>>, vector<1x16xf32>,
      %swap3A_80 = vector.shape_cast %swap3A_79 : vector<1x16xf32> to vector<16xf32>
      %swap3A_81 = vector.shape_cast %broadcast_in_dim3A_76 : vector<16xf32> to vector<1x16xf32>
      tpu.vector_store %arg8[%swap3A_77, %swap3A_78], %swap3A_81 {strides = array<i32>} : memref<128x128xf32, #tpu.memory_space<vmem>>, vector<1x16xf32>,
      %broadcast_in_dim3A_82 = arith.constant 0.000000e+00 : f32
      %broadcast_in_dim3A_83 = vector.broadcast %broadcast_in_dim3A_82 : f32 to vector<16xf32>
      %swap3A_84 = arith.index_cast %scan3A_48 : i32 to index
      %swap3A_85 = arith.constant 80 : index
      %swap3A_86 = tpu.vector_load %arg8[%swap3A_84, %swap3A_85] {strides = array<i32>} : memref<128x128xf32, #tpu.memory_space<vmem>>, vector<1x16xf32>,
      %swap3A_87 = vector.shape_cast %swap3A_86 : vector<1x16xf32> to vector<16xf32>
      %swap3A_88 = vector.shape_cast %broadcast_in_dim3A_83 : vector<16xf32> to vector<1x16xf32>
      tpu.vector_store %arg8[%swap3A_84, %swap3A_85], %swap3A_88 {strides = array<i32>} : memref<128x128xf32, #tpu.memory_space<vmem>>, vector<1x16xf32>,
      %broadcast_in_dim3A_89 = arith.constant 0.000000e+00 : f32
      %broadcast_in_dim3A_90 = vector.broadcast %broadcast_in_dim3A_89 : f32 to vector<16xf32>
      %swap3A_91 = arith.index_cast %scan3A_48 : i32 to index
      %swap3A_92 = arith.constant 96 : index
      %swap3A_93 = tpu.vector_load %arg8[%swap3A_91, %swap3A_92] {strides = array<i32>} : memref<128x128xf32, #tpu.memory_space<vmem>>, vector<1x16xf32>,
      %swap3A_94 = vector.shape_cast %swap3A_93 : vector<1x16xf32> to vector<16xf32>
      %swap3A_95 = vector.shape_cast %broadcast_in_dim3A_90 : vector<16xf32> to vector<1x16xf32>
      tpu.vector_store %arg8[%swap3A_91, %swap3A_92], %swap3A_95 {strides = array<i32>} : memref<128x128xf32, #tpu.memory_space<vmem>>, vector<1x16xf32>,
      %broadcast_in_dim3A_96 = arith.constant 0.000000e+00 : f32
      %broadcast_in_dim3A_97 = vector.broadcast %broadcast_in_dim3A_96 : f32 to vector<16xf32>
      %swap3A_98 = arith.index_cast %scan3A_48 : i32 to index
      %swap3A_99 = arith.constant 112 : index
      %swap3A_100 = tpu.vector_load %arg8[%swap3A_98, %swap3A_99] {strides = array<i32>} : memref<128x128xf32, #tpu.memory_space<vmem>>, vector<1x16xf32>,
      %swap3A_101 = vector.shape_cast %swap3A_100 : vector<1x16xf32> to vector<16xf32>
      %swap3A_102 = vector.shape_cast %broadcast_in_dim3A_97 : vector<16xf32> to vector<1x16xf32>
      tpu.vector_store %arg8[%swap3A_98, %swap3A_99], %swap3A_102 {strides = array<i32>} : memref<128x128xf32, #tpu.memory_space<vmem>>, vector<1x16xf32>,
    }
    %scan3A_5 = arith.constant 128 : i32
    %mul3A_6 = arith.constant 632 : i32
    %mul3A_7 = arith.muli %arg1, %mul3A_6 : i32
    %add3A = arith.constant 0 : i32
    %add3A_8 = arith.addi %mul3A_7, %add3A : i32
    "tpu.region"() ({
      %run_scoped3A = tpu.sem_alloc : memref<!tpu.dma_semaphore, #tpu.memory_space<semaphore_mem>>
      %dma_start3A = arith.constant 0 : i32
      %dma_start3A_48 = arith.constant 0 : i32
      %dma_start3A_49 = tpu.memref_slice %arg8[%dma_start3A, %dma_start3A_48] : memref<128x128xf32, #tpu.memory_space<vmem>> -> memref<128x128xf32, #tpu.memory_space<vmem>>
      %dma_start3A_50 = arith.constant 0 : i32
      %dma_start3A_51 = tpu.memref_slice %arg10[%add3A_8, %dma_start3A_50] : memref<10112x128xf32, #tpu.memory_space<vmem_shared>> -> memref<128x128xf32, #tpu.memory_space<vmem_shared>>
      %dma_start3A_52 = arith.constant 0 : i32
      %dma_start3A_53 = tpu.memref_slice %arg10[%add3A_8, %dma_start3A_52] : memref<10112x128xf32, #tpu.memory_space<vmem_shared>> -> memref<128x128xf32, #tpu.memory_space<vmem_shared>>
      %dma_start3A_54 = arith.constant 0 : i32
      %dma_start3A_55 = arith.constant 0 : i32
      %dma_start3A_56 = tpu.memref_slice %arg8[%dma_start3A_54, %dma_start3A_55] : memref<128x128xf32, #tpu.memory_space<vmem>> -> memref<128x128xf32, #tpu.memory_space<vmem>>
      tpu.enqueue_dma source(%dma_start3A_56 : memref<128x128xf32, #tpu.memory_space<vmem>>) target(%dma_start3A_53 : memref<128x128xf32, #tpu.memory_space<vmem_shared>>) target_semaphore(%run_scoped3A : memref<!tpu.dma_semaphore, #tpu.memory_space<semaphore_mem>>)
      %dma_wait3A = arith.constant 0 : i32
      %dma_wait3A_57 = arith.constant 0 : i32
      %dma_wait3A_58 = tpu.memref_slice %arg8[%dma_wait3A, %dma_wait3A_57] : memref<128x128xf32, #tpu.memory_space<vmem>> -> memref<128x128xf32, #tpu.memory_space<vmem>>
      %dma_wait3A_59 = arith.constant 0 : i32
      %dma_wait3A_60 = tpu.memref_slice %arg10[%add3A_8, %dma_wait3A_59] : memref<10112x128xf32, #tpu.memory_space<vmem_shared>> -> memref<128x128xf32, #tpu.memory_space<vmem_shared>>
      %dma_wait3A_61 = arith.constant 0 : i32
      %dma_wait3A_62 = tpu.memref_slice %arg10[%add3A_8, %dma_wait3A_61] : memref<10112x128xf32, #tpu.memory_space<vmem_shared>> -> memref<128x128xf32, #tpu.memory_space<vmem_shared>>
      %dma_wait3A_63 = arith.constant 0 : i32
      %dma_wait3A_64 = arith.constant 0 : i32
      %dma_wait3A_65 = tpu.memref_slice %arg8[%dma_wait3A_63, %dma_wait3A_64] : memref<128x128xf32, #tpu.memory_space<vmem>> -> memref<128x128xf32, #tpu.memory_space<vmem>>
      tpu.wait_dma2 semaphore(%run_scoped3A : memref<!tpu.dma_semaphore, #tpu.memory_space<semaphore_mem>>) src(%dma_wait3A_65 : memref<128x128xf32, #tpu.memory_space<vmem>>) dst(%dma_wait3A_62 : memref<128x128xf32, #tpu.memory_space<vmem_shared>>)
      tpu.yield
    }) : () -> ()
    %add3A_9 = arith.constant 128 : i32
    %add3A_10 = arith.addi %mul3A_7, %add3A_9 : i32
    "tpu.region"() ({
      %run_scoped3A = tpu.sem_alloc : memref<!tpu.dma_semaphore, #tpu.memory_space<semaphore_mem>>
      %dma_start3A = arith.constant 0 : i32
      %dma_start3A_48 = arith.constant 0 : i32
      %dma_start3A_49 = tpu.memref_slice %arg8[%dma_start3A, %dma_start3A_48] : memref<128x128xf32, #tpu.memory_space<vmem>> -> memref<128x128xf32, #tpu.memory_space<vmem>>
      %dma_start3A_50 = arith.constant 0 : i32
      %dma_start3A_51 = tpu.memref_slice %arg10[%add3A_10, %dma_start3A_50] : memref<10112x128xf32, #tpu.memory_space<vmem_shared>> -> memref<128x128xf32, #tpu.memory_space<vmem_shared>>
      %dma_start3A_52 = arith.constant 0 : i32
      %dma_start3A_53 = tpu.memref_slice %arg10[%add3A_10, %dma_start3A_52] : memref<10112x128xf32, #tpu.memory_space<vmem_shared>> -> memref<128x128xf32, #tpu.memory_space<vmem_shared>>
      %dma_start3A_54 = arith.constant 0 : i32
      %dma_start3A_55 = arith.constant 0 : i32
      %dma_start3A_56 = tpu.memref_slice %arg8[%dma_start3A_54, %dma_start3A_55] : memref<128x128xf32, #tpu.memory_space<vmem>> -> memref<128x128xf32, #tpu.memory_space<vmem>>
      tpu.enqueue_dma source(%dma_start3A_56 : memref<128x128xf32, #tpu.memory_space<vmem>>) target(%dma_start3A_53 : memref<128x128xf32, #tpu.memory_space<vmem_shared>>) target_semaphore(%run_scoped3A : memref<!tpu.dma_semaphore, #tpu.memory_space<semaphore_mem>>)
      %dma_wait3A = arith.constant 0 : i32
      %dma_wait3A_57 = arith.constant 0 : i32
      %dma_wait3A_58 = tpu.memref_slice %arg8[%dma_wait3A, %dma_wait3A_57] : memref<128x128xf32, #tpu.memory_space<vmem>> -> memref<128x128xf32, #tpu.memory_space<vmem>>
      %dma_wait3A_59 = arith.constant 0 : i32
      %dma_wait3A_60 = tpu.memref_slice %arg10[%add3A_10, %dma_wait3A_59] : memref<10112x128xf32, #tpu.memory_space<vmem_shared>> -> memref<128x128xf32, #tpu.memory_space<vmem_shared>>
      %dma_wait3A_61 = arith.constant 0 : i32
      %dma_wait3A_62 = tpu.memref_slice %arg10[%add3A_10, %dma_wait3A_61] : memref<10112x128xf32, #tpu.memory_space<vmem_shared>> -> memref<128x128xf32, #tpu.memory_space<vmem_shared>>
      %dma_wait3A_63 = arith.constant 0 : i32
      %dma_wait3A_64 = arith.constant 0 : i32
      %dma_wait3A_65 = tpu.memref_slice %arg8[%dma_wait3A_63, %dma_wait3A_64] : memref<128x128xf32, #tpu.memory_space<vmem>> -> memref<128x128xf32, #tpu.memory_space<vmem>>
      tpu.wait_dma2 semaphore(%run_scoped3A : memref<!tpu.dma_semaphore, #tpu.memory_space<semaphore_mem>>) src(%dma_wait3A_65 : memref<128x128xf32, #tpu.memory_space<vmem>>) dst(%dma_wait3A_62 : memref<128x128xf32, #tpu.memory_space<vmem_shared>>)
      tpu.yield
    }) : () -> ()
    %add3A_11 = arith.constant 256 : i32
    %add3A_12 = arith.addi %mul3A_7, %add3A_11 : i32
    "tpu.region"() ({
      %run_scoped3A = tpu.sem_alloc : memref<!tpu.dma_semaphore, #tpu.memory_space<semaphore_mem>>
      %dma_start3A = arith.constant 0 : i32
      %dma_start3A_48 = arith.constant 0 : i32
      %dma_start3A_49 = tpu.memref_slice %arg8[%dma_start3A, %dma_start3A_48] : memref<128x128xf32, #tpu.memory_space<vmem>> -> memref<128x128xf32, #tpu.memory_space<vmem>>
      %dma_start3A_50 = arith.constant 0 : i32
      %dma_start3A_51 = tpu.memref_slice %arg10[%add3A_12, %dma_start3A_50] : memref<10112x128xf32, #tpu.memory_space<vmem_shared>> -> memref<128x128xf32, #tpu.memory_space<vmem_shared>>
      %dma_start3A_52 = arith.constant 0 : i32
      %dma_start3A_53 = tpu.memref_slice %arg10[%add3A_12, %dma_start3A_52] : memref<10112x128xf32, #tpu.memory_space<vmem_shared>> -> memref<128x128xf32, #tpu.memory_space<vmem_shared>>
      %dma_start3A_54 = arith.constant 0 : i32
      %dma_start3A_55 = arith.constant 0 : i32
      %dma_start3A_56 = tpu.memref_slice %arg8[%dma_start3A_54, %dma_start3A_55] : memref<128x128xf32, #tpu.memory_space<vmem>> -> memref<128x128xf32, #tpu.memory_space<vmem>>
      tpu.enqueue_dma source(%dma_start3A_56 : memref<128x128xf32, #tpu.memory_space<vmem>>) target(%dma_start3A_53 : memref<128x128xf32, #tpu.memory_space<vmem_shared>>) target_semaphore(%run_scoped3A : memref<!tpu.dma_semaphore, #tpu.memory_space<semaphore_mem>>)
      %dma_wait3A = arith.constant 0 : i32
      %dma_wait3A_57 = arith.constant 0 : i32
      %dma_wait3A_58 = tpu.memref_slice %arg8[%dma_wait3A, %dma_wait3A_57] : memref<128x128xf32, #tpu.memory_space<vmem>> -> memref<128x128xf32, #tpu.memory_space<vmem>>
      %dma_wait3A_59 = arith.constant 0 : i32
      %dma_wait3A_60 = tpu.memref_slice %arg10[%add3A_12, %dma_wait3A_59] : memref<10112x128xf32, #tpu.memory_space<vmem_shared>> -> memref<128x128xf32, #tpu.memory_space<vmem_shared>>
      %dma_wait3A_61 = arith.constant 0 : i32
      %dma_wait3A_62 = tpu.memref_slice %arg10[%add3A_12, %dma_wait3A_61] : memref<10112x128xf32, #tpu.memory_space<vmem_shared>> -> memref<128x128xf32, #tpu.memory_space<vmem_shared>>
      %dma_wait3A_63 = arith.constant 0 : i32
      %dma_wait3A_64 = arith.constant 0 : i32
      %dma_wait3A_65 = tpu.memref_slice %arg8[%dma_wait3A_63, %dma_wait3A_64] : memref<128x128xf32, #tpu.memory_space<vmem>> -> memref<128x128xf32, #tpu.memory_space<vmem>>
      tpu.wait_dma2 semaphore(%run_scoped3A : memref<!tpu.dma_semaphore, #tpu.memory_space<semaphore_mem>>) src(%dma_wait3A_65 : memref<128x128xf32, #tpu.memory_space<vmem>>) dst(%dma_wait3A_62 : memref<128x128xf32, #tpu.memory_space<vmem_shared>>)
      tpu.yield
    }) : () -> ()
    %add3A_13 = arith.constant 384 : i32
    %add3A_14 = arith.addi %mul3A_7, %add3A_13 : i32
    "tpu.region"() ({
      %run_scoped3A = tpu.sem_alloc : memref<!tpu.dma_semaphore, #tpu.memory_space<semaphore_mem>>
      %dma_start3A = arith.constant 0 : i32
      %dma_start3A_48 = arith.constant 0 : i32
      %dma_start3A_49 = tpu.memref_slice %arg8[%dma_start3A, %dma_start3A_48] : memref<128x128xf32, #tpu.memory_space<vmem>> -> memref<128x128xf32, #tpu.memory_space<vmem>>
      %dma_start3A_50 = arith.constant 0 : i32
      %dma_start3A_51 = tpu.memref_slice %arg10[%add3A_14, %dma_start3A_50] : memref<10112x128xf32, #tpu.memory_space<vmem_shared>> -> memref<128x128xf32, #tpu.memory_space<vmem_shared>>
      %dma_start3A_52 = arith.constant 0 : i32
      %dma_start3A_53 = tpu.memref_slice %arg10[%add3A_14, %dma_start3A_52] : memref<10112x128xf32, #tpu.memory_space<vmem_shared>> -> memref<128x128xf32, #tpu.memory_space<vmem_shared>>
      %dma_start3A_54 = arith.constant 0 : i32
      %dma_start3A_55 = arith.constant 0 : i32
      %dma_start3A_56 = tpu.memref_slice %arg8[%dma_start3A_54, %dma_start3A_55] : memref<128x128xf32, #tpu.memory_space<vmem>> -> memref<128x128xf32, #tpu.memory_space<vmem>>
      tpu.enqueue_dma source(%dma_start3A_56 : memref<128x128xf32, #tpu.memory_space<vmem>>) target(%dma_start3A_53 : memref<128x128xf32, #tpu.memory_space<vmem_shared>>) target_semaphore(%run_scoped3A : memref<!tpu.dma_semaphore, #tpu.memory_space<semaphore_mem>>)
      %dma_wait3A = arith.constant 0 : i32
      %dma_wait3A_57 = arith.constant 0 : i32
      %dma_wait3A_58 = tpu.memref_slice %arg8[%dma_wait3A, %dma_wait3A_57] : memref<128x128xf32, #tpu.memory_space<vmem>> -> memref<128x128xf32, #tpu.memory_space<vmem>>
      %dma_wait3A_59 = arith.constant 0 : i32
      %dma_wait3A_60 = tpu.memref_slice %arg10[%add3A_14, %dma_wait3A_59] : memref<10112x128xf32, #tpu.memory_space<vmem_shared>> -> memref<128x128xf32, #tpu.memory_space<vmem_shared>>
      %dma_wait3A_61 = arith.constant 0 : i32
      %dma_wait3A_62 = tpu.memref_slice %arg10[%add3A_14, %dma_wait3A_61] : memref<10112x128xf32, #tpu.memory_space<vmem_shared>> -> memref<128x128xf32, #tpu.memory_space<vmem_shared>>
      %dma_wait3A_63 = arith.constant 0 : i32
      %dma_wait3A_64 = arith.constant 0 : i32
      %dma_wait3A_65 = tpu.memref_slice %arg8[%dma_wait3A_63, %dma_wait3A_64] : memref<128x128xf32, #tpu.memory_space<vmem>> -> memref<128x128xf32, #tpu.memory_space<vmem>>
      tpu.wait_dma2 semaphore(%run_scoped3A : memref<!tpu.dma_semaphore, #tpu.memory_space<semaphore_mem>>) src(%dma_wait3A_65 : memref<128x128xf32, #tpu.memory_space<vmem>>) dst(%dma_wait3A_62 : memref<128x128xf32, #tpu.memory_space<vmem_shared>>)
      tpu.yield
    }) : () -> ()
    %add3A_15 = arith.constant 512 : i32
    %add3A_16 = arith.addi %mul3A_7, %add3A_15 : i32
    "tpu.region"() ({
      %run_scoped3A = tpu.sem_alloc : memref<!tpu.dma_semaphore, #tpu.memory_space<semaphore_mem>>
      %dma_start3A = arith.constant 0 : i32
      %dma_start3A_48 = arith.constant 0 : i32
      %dma_start3A_49 = tpu.memref_slice %arg8[%dma_start3A, %dma_start3A_48] : memref<128x128xf32, #tpu.memory_space<vmem>> -> memref<120x128xf32, #tpu.memory_space<vmem>>
      %dma_start3A_50 = arith.constant 0 : i32
      %dma_start3A_51 = tpu.memref_slice %arg10[%add3A_16, %dma_start3A_50] : memref<10112x128xf32, #tpu.memory_space<vmem_shared>> -> memref<120x128xf32, #tpu.memory_space<vmem_shared>>
      %dma_start3A_52 = arith.constant 0 : i32
      %dma_start3A_53 = tpu.memref_slice %arg10[%add3A_16, %dma_start3A_52] : memref<10112x128xf32, #tpu.memory_space<vmem_shared>> -> memref<120x128xf32, #tpu.memory_space<vmem_shared>>
      %dma_start3A_54 = arith.constant 0 : i32
      %dma_start3A_55 = arith.constant 0 : i32
      %dma_start3A_56 = tpu.memref_slice %arg8[%dma_start3A_54, %dma_start3A_55] : memref<128x128xf32, #tpu.memory_space<vmem>> -> memref<120x128xf32, #tpu.memory_space<vmem>>
      tpu.enqueue_dma source(%dma_start3A_56 : memref<120x128xf32, #tpu.memory_space<vmem>>) target(%dma_start3A_53 : memref<120x128xf32, #tpu.memory_space<vmem_shared>>) target_semaphore(%run_scoped3A : memref<!tpu.dma_semaphore, #tpu.memory_space<semaphore_mem>>)
      %dma_wait3A = arith.constant 0 : i32
      %dma_wait3A_57 = arith.constant 0 : i32
      %dma_wait3A_58 = tpu.memref_slice %arg8[%dma_wait3A, %dma_wait3A_57] : memref<128x128xf32, #tpu.memory_space<vmem>> -> memref<120x128xf32, #tpu.memory_space<vmem>>
      %dma_wait3A_59 = arith.constant 0 : i32
      %dma_wait3A_60 = tpu.memref_slice %arg10[%add3A_16, %dma_wait3A_59] : memref<10112x128xf32, #tpu.memory_space<vmem_shared>> -> memref<120x128xf32, #tpu.memory_space<vmem_shared>>
      %dma_wait3A_61 = arith.constant 0 : i32
      %dma_wait3A_62 = tpu.memref_slice %arg10[%add3A_16, %dma_wait3A_61] : memref<10112x128xf32, #tpu.memory_space<vmem_shared>> -> memref<120x128xf32, #tpu.memory_space<vmem_shared>>
      %dma_wait3A_63 = arith.constant 0 : i32
      %dma_wait3A_64 = arith.constant 0 : i32
      %dma_wait3A_65 = tpu.memref_slice %arg8[%dma_wait3A_63, %dma_wait3A_64] : memref<128x128xf32, #tpu.memory_space<vmem>> -> memref<120x128xf32, #tpu.memory_space<vmem>>
      tpu.wait_dma2 semaphore(%run_scoped3A : memref<!tpu.dma_semaphore, #tpu.memory_space<semaphore_mem>>) src(%dma_wait3A_65 : memref<120x128xf32, #tpu.memory_space<vmem>>) dst(%dma_wait3A_62 : memref<120x128xf32, #tpu.memory_space<vmem_shared>>)
      tpu.yield
    }) : () -> ()
    %barrier3A = arith.constant 0 : index
    tpu.barrier barrier_id(%barrier3A)
    %scan3A_17 = arith.constant 0 : i32
    %scan3A_18 = arith.constant 0 : i32
    %scan3A_19 = arith.constant 4 : i32
    %scan3A_20 = arith.addi %scan3A_18, %scan3A_19 : i32
    %scan3A_21 = arith.constant 1 : i32
    scf.for %scan3A_48 = %scan3A_18 to %scan3A_20 step %scan3A_21  : i32 {
      %mul3A_49 = arith.constant 40 : i32
      %mul3A_50 = arith.muli %scan3A_48, %mul3A_49 : i32
      %add3A_51 = arith.addi %mul3A_0, %mul3A_50 : i32
      "tpu.region"() ({
        %run_scoped3A = tpu.sem_alloc : memref<!tpu.dma_semaphore, #tpu.memory_space<semaphore_mem>>
        %dma_start3A_64 = arith.constant 0 : i32
        %dma_start3A_65 = tpu.memref_slice %arg3[%arg0, %add3A_51, %dma_start3A_64] : memref<2x2560x128xi32, #tpu.memory_space<hbm>> -> memref<1x40x128xi32, #tpu.memory_space<hbm>>
        %dma_start3A_66 = tpu.memref_squeeze %dma_start3A_65 : memref<1x40x128xi32, #tpu.memory_space<hbm>> -> memref<40x128xi32, #tpu.memory_space<hbm>>
        %dma_start3A_67 = arith.constant 0 : i32
        %dma_start3A_68 = tpu.memref_slice %arg3[%arg0, %add3A_51, %dma_start3A_67] : memref<2x2560x128xi32, #tpu.memory_space<hbm>> -> memref<1x40x128xi32, #tpu.memory_space<hbm>>
        %dma_start3A_69 = tpu.memref_squeeze %dma_start3A_68 : memref<1x40x128xi32, #tpu.memory_space<hbm>> -> memref<40x128xi32, #tpu.memory_space<hbm>>
        tpu.enqueue_dma source(%dma_start3A_69 : memref<40x128xi32, #tpu.memory_space<hbm>>) target(%arg6 : memref<40x128xi32, #tpu.memory_space<vmem>>) target_semaphore(%run_scoped3A : memref<!tpu.dma_semaphore, #tpu.memory_space<semaphore_mem>>)
        %dma_wait3A = arith.constant 0 : i32
        %dma_wait3A_70 = tpu.memref_slice %arg3[%arg0, %add3A_51, %dma_wait3A] : memref<2x2560x128xi32, #tpu.memory_space<hbm>> -> memref<1x40x128xi32, #tpu.memory_space<hbm>>
        %dma_wait3A_71 = tpu.memref_squeeze %dma_wait3A_70 : memref<1x40x128xi32, #tpu.memory_space<hbm>> -> memref<40x128xi32, #tpu.memory_space<hbm>>
        %dma_wait3A_72 = arith.constant 0 : i32
        %dma_wait3A_73 = tpu.memref_slice %arg3[%arg0, %add3A_51, %dma_wait3A_72] : memref<2x2560x128xi32, #tpu.memory_space<hbm>> -> memref<1x40x128xi32, #tpu.memory_space<hbm>>
        %dma_wait3A_74 = tpu.memref_squeeze %dma_wait3A_73 : memref<1x40x128xi32, #tpu.memory_space<hbm>> -> memref<40x128xi32, #tpu.memory_space<hbm>>
        tpu.wait_dma2 semaphore(%run_scoped3A : memref<!tpu.dma_semaphore, #tpu.memory_space<semaphore_mem>>) src(%dma_wait3A_74 : memref<40x128xi32, #tpu.memory_space<hbm>>) dst(%arg6 : memref<40x128xi32, #tpu.memory_space<vmem>>)
        tpu.yield
      }) : () -> ()
      "tpu.region"() ({
        %run_scoped3A = tpu.sem_alloc : memref<!tpu.dma_semaphore, #tpu.memory_space<semaphore_mem>>
        %dma_start3A_64 = arith.constant 0 : i32
        %dma_start3A_65 = tpu.memref_slice %arg4[%add3A_51, %dma_start3A_64] : memref<2560x128xi32, #tpu.memory_space<hbm>> -> memref<40x128xi32, #tpu.memory_space<hbm>>
        %dma_start3A_66 = arith.constant 0 : i32
        %dma_start3A_67 = tpu.memref_slice %arg4[%add3A_51, %dma_start3A_66] : memref<2560x128xi32, #tpu.memory_space<hbm>> -> memref<40x128xi32, #tpu.memory_space<hbm>>
        tpu.enqueue_dma source(%dma_start3A_67 : memref<40x128xi32, #tpu.memory_space<hbm>>) target(%arg7 : memref<40x128xi32, #tpu.memory_space<vmem>>) target_semaphore(%run_scoped3A : memref<!tpu.dma_semaphore, #tpu.memory_space<semaphore_mem>>)
        %dma_wait3A = arith.constant 0 : i32
        %dma_wait3A_68 = tpu.memref_slice %arg4[%add3A_51, %dma_wait3A] : memref<2560x128xi32, #tpu.memory_space<hbm>> -> memref<40x128xi32, #tpu.memory_space<hbm>>
        %dma_wait3A_69 = arith.constant 0 : i32
        %dma_wait3A_70 = tpu.memref_slice %arg4[%add3A_51, %dma_wait3A_69] : memref<2560x128xi32, #tpu.memory_space<hbm>> -> memref<40x128xi32, #tpu.memory_space<hbm>>
        tpu.wait_dma2 semaphore(%run_scoped3A : memref<!tpu.dma_semaphore, #tpu.memory_space<semaphore_mem>>) src(%dma_wait3A_70 : memref<40x128xi32, #tpu.memory_space<hbm>>) dst(%arg7 : memref<40x128xi32, #tpu.memory_space<vmem>>)
        tpu.yield
      }) : () -> ()
      %dma_start3A = arith.constant 0 : i32
      %dma_start3A_52 = arith.constant 0 : i32
      %dma_start3A_53 = tpu.memref_slice %arg6[%dma_start3A, %dma_start3A_52] : memref<40x128xi32, #tpu.memory_space<vmem>> -> memref<1x128xi32, #tpu.memory_space<vmem>>
      %dma_start3A_54 = tpu.memref_squeeze %dma_start3A_53 : memref<1x128xi32, #tpu.memory_space<vmem>> -> memref<128xi32, #tpu.memory_space<vmem>>
      %dma_start3A_55 = arith.constant 0 : i32
      %dma_start3A_56 = arith.constant 0 : i32
      %dma_start3A_57 = tpu.memref_slice %arg2[%dma_start3A_55, %dma_start3A_56] : memref<20000x128xf32, #tpu.memory_space<hbm>> -> memref<20000x128xf32, #tpu.memory_space<hbm>>
      tpu.enqueue_indirect_dma source(%dma_start3A_57 : memref<20000x128xf32, #tpu.memory_space<hbm>>) target(%arg8 : memref<128x128xf32, #tpu.memory_space<vmem>>) offsets(%dma_start3A_54 : memref<128xi32, #tpu.memory_space<vmem>>) semaphore(%arg11 : memref<!tpu.dma_semaphore, #tpu.memory_space<semaphore_mem>>)
      %scan3A_58 = arith.constant 0 : i32
      %scan3A_59 = arith.constant 0 : i32
      %scan3A_60 = arith.constant 20 : i32
      %scan3A_61 = arith.addi %scan3A_59, %scan3A_60 : i32
      %scan3A_62 = arith.constant 1 : i32
      scf.for %scan3A_64 = %scan3A_59 to %scan3A_61 step %scan3A_62  : i32 {
        %mul3A_65 = arith.constant 2 : i32
        %mul3A_66 = arith.muli %mul3A_65, %scan3A_64 : i32
        %add3A_67 = arith.constant 1 : i32
        %add3A_68 = arith.addi %mul3A_66, %add3A_67 : i32
        %dma_start3A_69 = arith.constant 0 : i32
        %dma_start3A_70 = tpu.memref_slice %arg6[%add3A_68, %dma_start3A_69] : memref<40x128xi32, #tpu.memory_space<vmem>> -> memref<1x128xi32, #tpu.memory_space<vmem>>
        %dma_start3A_71 = tpu.memref_squeeze %dma_start3A_70 : memref<1x128xi32, #tpu.memory_space<vmem>> -> memref<128xi32, #tpu.memory_space<vmem>>
        %dma_start3A_72 = arith.constant 0 : i32
        %dma_start3A_73 = arith.constant 0 : i32
        %dma_start3A_74 = tpu.memref_slice %arg2[%dma_start3A_72, %dma_start3A_73] : memref<20000x128xf32, #tpu.memory_space<hbm>> -> memref<20000x128xf32, #tpu.memory_space<hbm>>
        tpu.enqueue_indirect_dma source(%dma_start3A_74 : memref<20000x128xf32, #tpu.memory_space<hbm>>) target(%arg9 : memref<128x128xf32, #tpu.memory_space<vmem>>) offsets(%dma_start3A_71 : memref<128xi32, #tpu.memory_space<vmem>>) semaphore(%arg12 : memref<!tpu.dma_semaphore, #tpu.memory_space<semaphore_mem>>)
        %dma_wait3A = arith.constant 0 : i32
        %dma_wait3A_75 = tpu.memref_slice %arg6[%mul3A_66, %dma_wait3A] : memref<40x128xi32, #tpu.memory_space<vmem>> -> memref<1x128xi32, #tpu.memory_space<vmem>>
        %dma_wait3A_76 = tpu.memref_squeeze %dma_wait3A_75 : memref<1x128xi32, #tpu.memory_space<vmem>> -> memref<128xi32, #tpu.memory_space<vmem>>
        %dma_wait3A_77 = arith.constant 0 : i32
        %dma_wait3A_78 = arith.constant 0 : i32
        %dma_wait3A_79 = tpu.memref_slice %arg2[%dma_wait3A_77, %dma_wait3A_78] : memref<20000x128xf32, #tpu.memory_space<hbm>> -> memref<20000x128xf32, #tpu.memory_space<hbm>>
        tpu.wait_indirect_dma semaphore(%arg11 : memref<!tpu.dma_semaphore, #tpu.memory_space<semaphore_mem>>) src(%dma_wait3A_79 : memref<20000x128xf32, #tpu.memory_space<hbm>>) dst(%arg8 : memref<128x128xf32, #tpu.memory_space<vmem>>)
        "tpu.region"() ({
          %run_scoped3A = tpu.sem_alloc : memref<!tpu.dma_semaphore, #tpu.memory_space<semaphore_mem>>
          %dma_start3A_95 = arith.constant 0 : i32
          %dma_start3A_96 = tpu.memref_slice %arg7[%mul3A_66, %dma_start3A_95] : memref<40x128xi32, #tpu.memory_space<vmem>> -> memref<1x128xi32, #tpu.memory_space<vmem>>
          %dma_start3A_97 = tpu.memref_squeeze %dma_start3A_96 : memref<1x128xi32, #tpu.memory_space<vmem>> -> memref<128xi32, #tpu.memory_space<vmem>>
          %dma_start3A_98 = arith.constant 0 : i32
          %dma_start3A_99 = arith.constant 0 : i32
          %dma_start3A_100 = tpu.memref_slice %arg10[%dma_start3A_98, %dma_start3A_99] : memref<10112x128xf32, #tpu.memory_space<vmem_shared>> -> memref<10112x128xf32, #tpu.memory_space<vmem_shared>>
          tpu.enqueue_indirect_dma source(%arg8 : memref<128x128xf32, #tpu.memory_space<vmem>>) target(%dma_start3A_100 : memref<10112x128xf32, #tpu.memory_space<vmem_shared>>) offsets(%dma_start3A_97 : memref<128xi32, #tpu.memory_space<vmem>>) semaphore(%run_scoped3A : memref<!tpu.dma_semaphore, #tpu.memory_space<semaphore_mem>>) {add = true}
          %dma_wait3A_101 = arith.constant 0 : i32
          %dma_wait3A_102 = tpu.memref_slice %arg7[%mul3A_66, %dma_wait3A_101] : memref<40x128xi32, #tpu.memory_space<vmem>> -> memref<1x128xi32, #tpu.memory_space<vmem>>
          %dma_wait3A_103 = tpu.memref_squeeze %dma_wait3A_102 : memref<1x128xi32, #tpu.memory_space<vmem>> -> memref<128xi32, #tpu.memory_space<vmem>>
          %dma_wait3A_104 = arith.constant 0 : i32
          %dma_wait3A_105 = arith.constant 0 : i32
          %dma_wait3A_106 = tpu.memref_slice %arg10[%dma_wait3A_104, %dma_wait3A_105] : memref<10112x128xf32, #tpu.memory_space<vmem_shared>> -> memref<10112x128xf32, #tpu.memory_space<vmem_shared>>
          tpu.wait_indirect_dma semaphore(%run_scoped3A : memref<!tpu.dma_semaphore, #tpu.memory_space<semaphore_mem>>) src(%arg8 : memref<128x128xf32, #tpu.memory_space<vmem>>) dst(%dma_wait3A_106 : memref<10112x128xf32, #tpu.memory_space<vmem_shared>>)
          tpu.yield
        }) : () -> ()
        %lt3A_80 = arith.constant 19 : i32
        %lt3A_81 = arith.cmpi slt, %scan3A_64, %lt3A_80 : i32
        %convert_element_type3A_82 = arith.extui %lt3A_81 : i1 to i32
        %cond3A_83 = arith.constant 0 : i32
        %cond3A_84 = arith.cmpi ne, %convert_element_type3A_82, %cond3A_83 : i32
        scf.if %cond3A_84 {
          %add3A_95 = arith.constant 2 : i32
          %add3A_96 = arith.addi %mul3A_66, %add3A_95 : i32
          %dma_start3A_97 = arith.constant 0 : i32
          %dma_start3A_98 = tpu.memref_slice %arg6[%add3A_96, %dma_start3A_97] : memref<40x128xi32, #tpu.memory_space<vmem>> -> memref<1x128xi32, #tpu.memory_space<vmem>>
          %dma_start3A_99 = tpu.memref_squeeze %dma_start3A_98 : memref<1x128xi32, #tpu.memory_space<vmem>> -> memref<128xi32, #tpu.memory_space<vmem>>
          %dma_start3A_100 = arith.constant 0 : i32
          %dma_start3A_101 = arith.constant 0 : i32
          %dma_start3A_102 = tpu.memref_slice %arg2[%dma_start3A_100, %dma_start3A_101] : memref<20000x128xf32, #tpu.memory_space<hbm>> -> memref<20000x128xf32, #tpu.memory_space<hbm>>
          tpu.enqueue_indirect_dma source(%dma_start3A_102 : memref<20000x128xf32, #tpu.memory_space<hbm>>) target(%arg8 : memref<128x128xf32, #tpu.memory_space<vmem>>) offsets(%dma_start3A_99 : memref<128xi32, #tpu.memory_space<vmem>>) semaphore(%arg11 : memref<!tpu.dma_semaphore, #tpu.memory_space<semaphore_mem>>)
        } else {
        }
        %add3A_85 = arith.constant 1 : i32
        %add3A_86 = arith.addi %mul3A_66, %add3A_85 : i32
        %dma_wait3A_87 = arith.constant 0 : i32
        %dma_wait3A_88 = tpu.memref_slice %arg6[%add3A_86, %dma_wait3A_87] : memref<40x128xi32, #tpu.memory_space<vmem>> -> memref<1x128xi32, #tpu.memory_space<vmem>>
        %dma_wait3A_89 = tpu.memref_squeeze %dma_wait3A_88 : memref<1x128xi32, #tpu.memory_space<vmem>> -> memref<128xi32, #tpu.memory_space<vmem>>
        %dma_wait3A_90 = arith.constant 0 : i32
        %dma_wait3A_91 = arith.constant 0 : i32
        %dma_wait3A_92 = tpu.memref_slice %arg2[%dma_wait3A_90, %dma_wait3A_91] : memref<20000x128xf32, #tpu.memory_space<hbm>> -> memref<20000x128xf32, #tpu.memory_space<hbm>>
        tpu.wait_indirect_dma semaphore(%arg12 : memref<!tpu.dma_semaphore, #tpu.memory_space<semaphore_mem>>) src(%dma_wait3A_92 : memref<20000x128xf32, #tpu.memory_space<hbm>>) dst(%arg9 : memref<128x128xf32, #tpu.memory_space<vmem>>)
        %add3A_93 = arith.constant 1 : i32
        %add3A_94 = arith.addi %mul3A_66, %add3A_93 : i32
        "tpu.region"() ({
          %run_scoped3A = tpu.sem_alloc : memref<!tpu.dma_semaphore, #tpu.memory_space<semaphore_mem>>
          %dma_start3A_95 = arith.constant 0 : i32
          %dma_start3A_96 = tpu.memref_slice %arg7[%add3A_94, %dma_start3A_95] : memref<40x128xi32, #tpu.memory_space<vmem>> -> memref<1x128xi32, #tpu.memory_space<vmem>>
          %dma_start3A_97 = tpu.memref_squeeze %dma_start3A_96 : memref<1x128xi32, #tpu.memory_space<vmem>> -> memref<128xi32, #tpu.memory_space<vmem>>
          %dma_start3A_98 = arith.constant 0 : i32
          %dma_start3A_99 = arith.constant 0 : i32
          %dma_start3A_100 = tpu.memref_slice %arg10[%dma_start3A_98, %dma_start3A_99] : memref<10112x128xf32, #tpu.memory_space<vmem_shared>> -> memref<10112x128xf32, #tpu.memory_space<vmem_shared>>
          tpu.enqueue_indirect_dma source(%arg9 : memref<128x128xf32, #tpu.memory_space<vmem>>) target(%dma_start3A_100 : memref<10112x128xf32, #tpu.memory_space<vmem_shared>>) offsets(%dma_start3A_97 : memref<128xi32, #tpu.memory_space<vmem>>) semaphore(%run_scoped3A : memref<!tpu.dma_semaphore, #tpu.memory_space<semaphore_mem>>) {add = true}
          %dma_wait3A_101 = arith.constant 0 : i32
          %dma_wait3A_102 = tpu.memref_slice %arg7[%add3A_94, %dma_wait3A_101] : memref<40x128xi32, #tpu.memory_space<vmem>> -> memref<1x128xi32, #tpu.memory_space<vmem>>
          %dma_wait3A_103 = tpu.memref_squeeze %dma_wait3A_102 : memref<1x128xi32, #tpu.memory_space<vmem>> -> memref<128xi32, #tpu.memory_space<vmem>>
          %dma_wait3A_104 = arith.constant 0 : i32
          %dma_wait3A_105 = arith.constant 0 : i32
          %dma_wait3A_106 = tpu.memref_slice %arg10[%dma_wait3A_104, %dma_wait3A_105] : memref<10112x128xf32, #tpu.memory_space<vmem_shared>> -> memref<10112x128xf32, #tpu.memory_space<vmem_shared>>
          tpu.wait_indirect_dma semaphore(%run_scoped3A : memref<!tpu.dma_semaphore, #tpu.memory_space<semaphore_mem>>) src(%arg9 : memref<128x128xf32, #tpu.memory_space<vmem>>) dst(%dma_wait3A_106 : memref<10112x128xf32, #tpu.memory_space<vmem_shared>>)
          tpu.yield
        }) : () -> ()
      }
      %scan3A_63 = arith.constant 20 : i32
    }
    %scan3A_22 = arith.constant 4 : i32
    %barrier3A_23 = arith.constant 0 : index
    tpu.barrier barrier_id(%barrier3A_23)
    %mul3A_24 = arith.constant 632 : i32
    %mul3A_25 = arith.muli %arg1, %mul3A_24 : i32
    %add3A_26 = arith.constant 0 : i32
    %add3A_27 = arith.addi %mul3A_25, %add3A_26 : i32
    %add3A_28 = arith.constant 0 : i32
    %add3A_29 = arith.addi %mul3A_25, %add3A_28 : i32
    "tpu.region"() ({
      %run_scoped3A = tpu.sem_alloc : memref<!tpu.dma_semaphore, #tpu.memory_space<semaphore_mem>>
      %dma_start3A = arith.constant 0 : i32
      %dma_start3A_48 = tpu.memref_slice %arg5[%arg0, %add3A_29, %dma_start3A] : memref<2x10000x128xf32, #tpu.memory_space<hbm>> -> memref<1x128x128xf32, #tpu.memory_space<hbm>>
      %dma_start3A_49 = tpu.memref_squeeze %dma_start3A_48 : memref<1x128x128xf32, #tpu.memory_space<hbm>> -> memref<128x128xf32, #tpu.memory_space<hbm>>
      %dma_start3A_50 = arith.constant 0 : i32
      %dma_start3A_51 = tpu.memref_slice %arg10[%add3A_27, %dma_start3A_50] : memref<10112x128xf32, #tpu.memory_space<vmem_shared>> -> memref<128x128xf32, #tpu.memory_space<vmem_shared>>
      tpu.enqueue_dma source(%dma_start3A_51 : memref<128x128xf32, #tpu.memory_space<vmem_shared>>) target(%dma_start3A_49 : memref<128x128xf32, #tpu.memory_space<hbm>>) target_semaphore(%run_scoped3A : memref<!tpu.dma_semaphore, #tpu.memory_space<semaphore_mem>>)
      %dma_wait3A = arith.constant 0 : i32
      %dma_wait3A_52 = tpu.memref_slice %arg5[%arg0, %add3A_29, %dma_wait3A] : memref<2x10000x128xf32, #tpu.memory_space<hbm>> -> memref<1x128x128xf32, #tpu.memory_space<hbm>>
      %dma_wait3A_53 = tpu.memref_squeeze %dma_wait3A_52 : memref<1x128x128xf32, #tpu.memory_space<hbm>> -> memref<128x128xf32, #tpu.memory_space<hbm>>
      %dma_wait3A_54 = arith.constant 0 : i32
      %dma_wait3A_55 = tpu.memref_slice %arg10[%add3A_27, %dma_wait3A_54] : memref<10112x128xf32, #tpu.memory_space<vmem_shared>> -> memref<128x128xf32, #tpu.memory_space<vmem_shared>>
      tpu.wait_dma2 semaphore(%run_scoped3A : memref<!tpu.dma_semaphore, #tpu.memory_space<semaphore_mem>>) src(%dma_wait3A_55 : memref<128x128xf32, #tpu.memory_space<vmem_shared>>) dst(%dma_wait3A_53 : memref<128x128xf32, #tpu.memory_space<hbm>>)
      tpu.yield
    }) : () -> ()
    %add3A_30 = arith.constant 128 : i32
    %add3A_31 = arith.addi %mul3A_25, %add3A_30 : i32
    %add3A_32 = arith.constant 128 : i32
    %add3A_33 = arith.addi %mul3A_25, %add3A_32 : i32
    "tpu.region"() ({
      %run_scoped3A = tpu.sem_alloc : memref<!tpu.dma_semaphore, #tpu.memory_space<semaphore_mem>>
      %dma_start3A = arith.constant 0 : i32
      %dma_start3A_48 = tpu.memref_slice %arg5[%arg0, %add3A_33, %dma_start3A] : memref<2x10000x128xf32, #tpu.memory_space<hbm>> -> memref<1x128x128xf32, #tpu.memory_space<hbm>>
      %dma_start3A_49 = tpu.memref_squeeze %dma_start3A_48 : memref<1x128x128xf32, #tpu.memory_space<hbm>> -> memref<128x128xf32, #tpu.memory_space<hbm>>
      %dma_start3A_50 = arith.constant 0 : i32
      %dma_start3A_51 = tpu.memref_slice %arg10[%add3A_31, %dma_start3A_50] : memref<10112x128xf32, #tpu.memory_space<vmem_shared>> -> memref<128x128xf32, #tpu.memory_space<vmem_shared>>
      tpu.enqueue_dma source(%dma_start3A_51 : memref<128x128xf32, #tpu.memory_space<vmem_shared>>) target(%dma_start3A_49 : memref<128x128xf32, #tpu.memory_space<hbm>>) target_semaphore(%run_scoped3A : memref<!tpu.dma_semaphore, #tpu.memory_space<semaphore_mem>>)
      %dma_wait3A = arith.constant 0 : i32
      %dma_wait3A_52 = tpu.memref_slice %arg5[%arg0, %add3A_33, %dma_wait3A] : memref<2x10000x128xf32, #tpu.memory_space<hbm>> -> memref<1x128x128xf32, #tpu.memory_space<hbm>>
      %dma_wait3A_53 = tpu.memref_squeeze %dma_wait3A_52 : memref<1x128x128xf32, #tpu.memory_space<hbm>> -> memref<128x128xf32, #tpu.memory_space<hbm>>
      %dma_wait3A_54 = arith.constant 0 : i32
      %dma_wait3A_55 = tpu.memref_slice %arg10[%add3A_31, %dma_wait3A_54] : memref<10112x128xf32, #tpu.memory_space<vmem_shared>> -> memref<128x128xf32, #tpu.memory_space<vmem_shared>>
      tpu.wait_dma2 semaphore(%run_scoped3A : memref<!tpu.dma_semaphore, #tpu.memory_space<semaphore_mem>>) src(%dma_wait3A_55 : memref<128x128xf32, #tpu.memory_space<vmem_shared>>) dst(%dma_wait3A_53 : memref<128x128xf32, #tpu.memory_space<hbm>>)
      tpu.yield
    }) : () -> ()
    %add3A_34 = arith.constant 256 : i32
    %add3A_35 = arith.addi %mul3A_25, %add3A_34 : i32
    %add3A_36 = arith.constant 256 : i32
    %add3A_37 = arith.addi %mul3A_25, %add3A_36 : i32
    "tpu.region"() ({
      %run_scoped3A = tpu.sem_alloc : memref<!tpu.dma_semaphore, #tpu.memory_space<semaphore_mem>>
      %dma_start3A = arith.constant 0 : i32
      %dma_start3A_48 = tpu.memref_slice %arg5[%arg0, %add3A_37, %dma_start3A] : memref<2x10000x128xf32, #tpu.memory_space<hbm>> -> memref<1x128x128xf32, #tpu.memory_space<hbm>>
      %dma_start3A_49 = tpu.memref_squeeze %dma_start3A_48 : memref<1x128x128xf32, #tpu.memory_space<hbm>> -> memref<128x128xf32, #tpu.memory_space<hbm>>
      %dma_start3A_50 = arith.constant 0 : i32
      %dma_start3A_51 = tpu.memref_slice %arg10[%add3A_35, %dma_start3A_50] : memref<10112x128xf32, #tpu.memory_space<vmem_shared>> -> memref<128x128xf32, #tpu.memory_space<vmem_shared>>
      tpu.enqueue_dma source(%dma_start3A_51 : memref<128x128xf32, #tpu.memory_space<vmem_shared>>) target(%dma_start3A_49 : memref<128x128xf32, #tpu.memory_space<hbm>>) target_semaphore(%run_scoped3A : memref<!tpu.dma_semaphore, #tpu.memory_space<semaphore_mem>>)
      %dma_wait3A = arith.constant 0 : i32
      %dma_wait3A_52 = tpu.memref_slice %arg5[%arg0, %add3A_37, %dma_wait3A] : memref<2x10000x128xf32, #tpu.memory_space<hbm>> -> memref<1x128x128xf32, #tpu.memory_space<hbm>>
      %dma_wait3A_53 = tpu.memref_squeeze %dma_wait3A_52 : memref<1x128x128xf32, #tpu.memory_space<hbm>> -> memref<128x128xf32, #tpu.memory_space<hbm>>
      %dma_wait3A_54 = arith.constant 0 : i32
      %dma_wait3A_55 = tpu.memref_slice %arg10[%add3A_35, %dma_wait3A_54] : memref<10112x128xf32, #tpu.memory_space<vmem_shared>> -> memref<128x128xf32, #tpu.memory_space<vmem_shared>>
      tpu.wait_dma2 semaphore(%run_scoped3A : memref<!tpu.dma_semaphore, #tpu.memory_space<semaphore_mem>>) src(%dma_wait3A_55 : memref<128x128xf32, #tpu.memory_space<vmem_shared>>) dst(%dma_wait3A_53 : memref<128x128xf32, #tpu.memory_space<hbm>>)
      tpu.yield
    }) : () -> ()
    %add3A_38 = arith.constant 384 : i32
    %add3A_39 = arith.addi %mul3A_25, %add3A_38 : i32
    %add3A_40 = arith.constant 384 : i32
    %add3A_41 = arith.addi %mul3A_25, %add3A_40 : i32
    "tpu.region"() ({
      %run_scoped3A = tpu.sem_alloc : memref<!tpu.dma_semaphore, #tpu.memory_space<semaphore_mem>>
      %dma_start3A = arith.constant 0 : i32
      %dma_start3A_48 = tpu.memref_slice %arg5[%arg0, %add3A_41, %dma_start3A] : memref<2x10000x128xf32, #tpu.memory_space<hbm>> -> memref<1x128x128xf32, #tpu.memory_space<hbm>>
      %dma_start3A_49 = tpu.memref_squeeze %dma_start3A_48 : memref<1x128x128xf32, #tpu.memory_space<hbm>> -> memref<128x128xf32, #tpu.memory_space<hbm>>
      %dma_start3A_50 = arith.constant 0 : i32
      %dma_start3A_51 = tpu.memref_slice %arg10[%add3A_39, %dma_start3A_50] : memref<10112x128xf32, #tpu.memory_space<vmem_shared>> -> memref<128x128xf32, #tpu.memory_space<vmem_shared>>
      tpu.enqueue_dma source(%dma_start3A_51 : memref<128x128xf32, #tpu.memory_space<vmem_shared>>) target(%dma_start3A_49 : memref<128x128xf32, #tpu.memory_space<hbm>>) target_semaphore(%run_scoped3A : memref<!tpu.dma_semaphore, #tpu.memory_space<semaphore_mem>>)
      %dma_wait3A = arith.constant 0 : i32
      %dma_wait3A_52 = tpu.memref_slice %arg5[%arg0, %add3A_41, %dma_wait3A] : memref<2x10000x128xf32, #tpu.memory_space<hbm>> -> memref<1x128x128xf32, #tpu.memory_space<hbm>>
      %dma_wait3A_53 = tpu.memref_squeeze %dma_wait3A_52 : memref<1x128x128xf32, #tpu.memory_space<hbm>> -> memref<128x128xf32, #tpu.memory_space<hbm>>
      %dma_wait3A_54 = arith.constant 0 : i32
      %dma_wait3A_55 = tpu.memref_slice %arg10[%add3A_39, %dma_wait3A_54] : memref<10112x128xf32, #tpu.memory_space<vmem_shared>> -> memref<128x128xf32, #tpu.memory_space<vmem_shared>>
      tpu.wait_dma2 semaphore(%run_scoped3A : memref<!tpu.dma_semaphore, #tpu.memory_space<semaphore_mem>>) src(%dma_wait3A_55 : memref<128x128xf32, #tpu.memory_space<vmem_shared>>) dst(%dma_wait3A_53 : memref<128x128xf32, #tpu.memory_space<hbm>>)
      tpu.yield
    }) : () -> ()
    %lt3A = arith.constant 15 : i32
    %lt3A_42 = arith.cmpi slt, %arg1, %lt3A : i32
    %convert_element_type3A = arith.extui %lt3A_42 : i1 to i32
    %cond3A = arith.constant 0 : i32
    %cond3A_43 = arith.cmpi ne, %convert_element_type3A, %cond3A : i32
    scf.if %cond3A_43 {
      %add3A_48 = arith.constant 512 : i32
      %add3A_49 = arith.addi %mul3A_25, %add3A_48 : i32
      %add3A_50 = arith.constant 512 : i32
      %add3A_51 = arith.addi %mul3A_25, %add3A_50 : i32
      "tpu.region"() ({
        %run_scoped3A = tpu.sem_alloc : memref<!tpu.dma_semaphore, #tpu.memory_space<semaphore_mem>>
        %dma_start3A = arith.constant 0 : i32
        %dma_start3A_52 = tpu.memref_slice %arg5[%arg0, %add3A_51, %dma_start3A] : memref<2x10000x128xf32, #tpu.memory_space<hbm>> -> memref<1x120x128xf32, #tpu.memory_space<hbm>>
        %dma_start3A_53 = tpu.memref_squeeze %dma_start3A_52 : memref<1x120x128xf32, #tpu.memory_space<hbm>> -> memref<120x128xf32, #tpu.memory_space<hbm>>
        %dma_start3A_54 = arith.constant 0 : i32
        %dma_start3A_55 = tpu.memref_slice %arg10[%add3A_49, %dma_start3A_54] : memref<10112x128xf32, #tpu.memory_space<vmem_shared>> -> memref<120x128xf32, #tpu.memory_space<vmem_shared>>
        tpu.enqueue_dma source(%dma_start3A_55 : memref<120x128xf32, #tpu.memory_space<vmem_shared>>) target(%dma_start3A_53 : memref<120x128xf32, #tpu.memory_space<hbm>>) target_semaphore(%run_scoped3A : memref<!tpu.dma_semaphore, #tpu.memory_space<semaphore_mem>>)
        %dma_wait3A = arith.constant 0 : i32
        %dma_wait3A_56 = tpu.memref_slice %arg5[%arg0, %add3A_51, %dma_wait3A] : memref<2x10000x128xf32, #tpu.memory_space<hbm>> -> memref<1x120x128xf32, #tpu.memory_space<hbm>>
        %dma_wait3A_57 = tpu.memref_squeeze %dma_wait3A_56 : memref<1x120x128xf32, #tpu.memory_space<hbm>> -> memref<120x128xf32, #tpu.memory_space<hbm>>
        %dma_wait3A_58 = arith.constant 0 : i32
        %dma_wait3A_59 = tpu.memref_slice %arg10[%add3A_49, %dma_wait3A_58] : memref<10112x128xf32, #tpu.memory_space<vmem_shared>> -> memref<120x128xf32, #tpu.memory_space<vmem_shared>>
        tpu.wait_dma2 semaphore(%run_scoped3A : memref<!tpu.dma_semaphore, #tpu.memory_space<semaphore_mem>>) src(%dma_wait3A_59 : memref<120x128xf32, #tpu.memory_space<vmem_shared>>) dst(%dma_wait3A_57 : memref<120x128xf32, #tpu.memory_space<hbm>>)
        tpu.yield
      }) : () -> ()
    } else {
    }
    %eq3A = arith.constant 15 : i32
    %eq3A_44 = arith.cmpi eq, %arg1, %eq3A : i32
    %convert_element_type3A_45 = arith.extui %eq3A_44 : i1 to i32
    %cond3A_46 = arith.constant 0 : i32
    %cond3A_47 = arith.cmpi ne, %convert_element_type3A_45, %cond3A_46 : i32
    scf.if %cond3A_47 {
      %add3A_48 = arith.constant 512 : i32
      %add3A_49 = arith.addi %mul3A_25, %add3A_48 : i32
      %add3A_50 = arith.constant 512 : i32
      %add3A_51 = arith.addi %mul3A_25, %add3A_50 : i32
      "tpu.region"() ({
        %run_scoped3A = tpu.sem_alloc : memref<!tpu.dma_semaphore, #tpu.memory_space<semaphore_mem>>
        %dma_start3A = arith.constant 0 : i32
        %dma_start3A_52 = tpu.memref_slice %arg5[%arg0, %add3A_51, %dma_start3A] : memref<2x10000x128xf32, #tpu.memory_space<hbm>> -> memref<1x8x128xf32, #tpu.memory_space<hbm>>
        %dma_start3A_53 = tpu.memref_squeeze %dma_start3A_52 : memref<1x8x128xf32, #tpu.memory_space<hbm>> -> memref<8x128xf32, #tpu.memory_space<hbm>>
        %dma_start3A_54 = arith.constant 0 : i32
        %dma_start3A_55 = tpu.memref_slice %arg10[%add3A_49, %dma_start3A_54] : memref<10112x128xf32, #tpu.memory_space<vmem_shared>> -> memref<8x128xf32, #tpu.memory_space<vmem_shared>>
        tpu.enqueue_dma source(%dma_start3A_55 : memref<8x128xf32, #tpu.memory_space<vmem_shared>>) target(%dma_start3A_53 : memref<8x128xf32, #tpu.memory_space<hbm>>) target_semaphore(%run_scoped3A : memref<!tpu.dma_semaphore, #tpu.memory_space<semaphore_mem>>)
        %dma_wait3A = arith.constant 0 : i32
        %dma_wait3A_56 = tpu.memref_slice %arg5[%arg0, %add3A_51, %dma_wait3A] : memref<2x10000x128xf32, #tpu.memory_space<hbm>> -> memref<1x8x128xf32, #tpu.memory_space<hbm>>
        %dma_wait3A_57 = tpu.memref_squeeze %dma_wait3A_56 : memref<1x8x128xf32, #tpu.memory_space<hbm>> -> memref<8x128xf32, #tpu.memory_space<hbm>>
        %dma_wait3A_58 = arith.constant 0 : i32
        %dma_wait3A_59 = tpu.memref_slice %arg10[%add3A_49, %dma_wait3A_58] : memref<10112x128xf32, #tpu.memory_space<vmem_shared>> -> memref<8x128xf32, #tpu.memory_space<vmem_shared>>
        tpu.wait_dma2 semaphore(%run_scoped3A : memref<!tpu.dma_semaphore, #tpu.memory_space<semaphore_mem>>) src(%dma_wait3A_59 : memref<8x128xf32, #tpu.memory_space<vmem_shared>>) dst(%dma_wait3A_57 : memref<8x128xf32, #tpu.memory_space<hbm>>)
        tpu.yield
      }) : () -> ()
    } else {
    }
    return
  }
}

#map = affine_map<(d0, d1) -> (0, 0)>
#map1 = affine_map<(d0, d1) -> (0, 0, 0)>
module attributes {stable_mosaic.version = 14 : i64} {
  func.func @sc_agg(%arg0: i32, %arg1: i32, %arg2: memref<20000x128xf32, #tpu.memory_space<hbm>>, %arg3: memref<2x2560x128xi32, #tpu.memory_space<hbm>>, %arg4: memref<2560x128xi32, #tpu.memory_space<hbm>>, %arg5: memref<2x10000x128xf32, #tpu.memory_space<hbm>>, %arg6: memref<40x128xi32, #tpu.memory_space<vmem>>, %arg7: memref<40x128xi32, #tpu.memory_space<vmem>>, %arg8: memref<128x128xf32, #tpu.memory_space<vmem>>, %arg9: memref<128x128xf32, #tpu.memory_space<vmem>>, %arg10: memref<10112x128xf32, #tpu.memory_space<vmem_shared>>, %arg11: memref<!tpu.dma_semaphore, #tpu.memory_space<semaphore_mem>>, %arg12: memref<!tpu.dma_semaphore, #tpu.memory_space<semaphore_mem>>) attributes {dimension_semantics = [#tpu.dimension_semantics<core_parallel>, #tpu.dimension_semantics<subcore_parallel>], iteration_bounds = array<i64: 2, 16>, scalar_prefetch = 0 : i64, scratch_operands = 7 : i64, tpu.core_type = #tpu.core_type<sc_vector_subcore>, window_params = [{transform_indices = #map}, {transform_indices = #map1}, {transform_indices = #map}, {transform_indices = #map1}]} {
    %mul3A = arith.constant 160 : i32
    %mul3A_0 = arith.muli %arg1, %mul3A : i32
    %scan3A = arith.constant 0 : i32
    %scan3A_1 = arith.constant 0 : i32
    %scan3A_2 = arith.constant 128 : i32
    %scan3A_3 = arith.addi %scan3A_1, %scan3A_2 : i32
    %scan3A_4 = arith.constant 1 : i32
    scf.for %scan3A_48 = %scan3A_1 to %scan3A_3 step %scan3A_4  : i32 {
      %broadcast_in_dim3A = arith.constant 0.000000e+00 : f32
      %broadcast_in_dim3A_49 = vector.broadcast %broadcast_in_dim3A : f32 to vector<16xf32>
      %swap3A = arith.index_cast %scan3A_48 : i32 to index
      %swap3A_50 = arith.constant 0 : index
      %swap3A_51 = tpu.vector_load %arg8[%swap3A, %swap3A_50] {strides = array<i32>} : memref<128x128xf32, #tpu.memory_space<vmem>>, vector<1x16xf32>,
      %swap3A_52 = vector.shape_cast %swap3A_51 : vector<1x16xf32> to vector<16xf32>
      %swap3A_53 = vector.shape_cast %broadcast_in_dim3A_49 : vector<16xf32> to vector<1x16xf32>
      tpu.vector_store %arg8[%swap3A, %swap3A_50], %swap3A_53 {strides = array<i32>} : memref<128x128xf32, #tpu.memory_space<vmem>>, vector<1x16xf32>,
      %broadcast_in_dim3A_54 = arith.constant 0.000000e+00 : f32
      %broadcast_in_dim3A_55 = vector.broadcast %broadcast_in_dim3A_54 : f32 to vector<16xf32>
      %swap3A_56 = arith.index_cast %scan3A_48 : i32 to index
      %swap3A_57 = arith.constant 16 : index
      %swap3A_58 = tpu.vector_load %arg8[%swap3A_56, %swap3A_57] {strides = array<i32>} : memref<128x128xf32, #tpu.memory_space<vmem>>, vector<1x16xf32>,
      %swap3A_59 = vector.shape_cast %swap3A_58 : vector<1x16xf32> to vector<16xf32>
      %swap3A_60 = vector.shape_cast %broadcast_in_dim3A_55 : vector<16xf32> to vector<1x16xf32>
      tpu.vector_store %arg8[%swap3A_56, %swap3A_57], %swap3A_60 {strides = array<i32>} : memref<128x128xf32, #tpu.memory_space<vmem>>, vector<1x16xf32>,
      %broadcast_in_dim3A_61 = arith.constant 0.000000e+00 : f32
      %broadcast_in_dim3A_62 = vector.broadcast %broadcast_in_dim3A_61 : f32 to vector<16xf32>
      %swap3A_63 = arith.index_cast %scan3A_48 : i32 to index
      %swap3A_64 = arith.constant 32 : index
      %swap3A_65 = tpu.vector_load %arg8[%swap3A_63, %swap3A_64] {strides = array<i32>} : memref<128x128xf32, #tpu.memory_space<vmem>>, vector<1x16xf32>,
      %swap3A_66 = vector.shape_cast %swap3A_65 : vector<1x16xf32> to vector<16xf32>
      %swap3A_67 = vector.shape_cast %broadcast_in_dim3A_62 : vector<16xf32> to vector<1x16xf32>
      tpu.vector_store %arg8[%swap3A_63, %swap3A_64], %swap3A_67 {strides = array<i32>} : memref<128x128xf32, #tpu.memory_space<vmem>>, vector<1x16xf32>,
      %broadcast_in_dim3A_68 = arith.constant 0.000000e+00 : f32
      %broadcast_in_dim3A_69 = vector.broadcast %broadcast_in_dim3A_68 : f32 to vector<16xf32>
      %swap3A_70 = arith.index_cast %scan3A_48 : i32 to index
      %swap3A_71 = arith.constant 48 : index
      %swap3A_72 = tpu.vector_load %arg8[%swap3A_70, %swap3A_71] {strides = array<i32>} : memref<128x128xf32, #tpu.memory_space<vmem>>, vector<1x16xf32>,
      %swap3A_73 = vector.shape_cast %swap3A_72 : vector<1x16xf32> to vector<16xf32>
      %swap3A_74 = vector.shape_cast %broadcast_in_dim3A_69 : vector<16xf32> to vector<1x16xf32>
      tpu.vector_store %arg8[%swap3A_70, %swap3A_71], %swap3A_74 {strides = array<i32>} : memref<128x128xf32, #tpu.memory_space<vmem>>, vector<1x16xf32>,
      %broadcast_in_dim3A_75 = arith.constant 0.000000e+00 : f32
      %broadcast_in_dim3A_76 = vector.broadcast %broadcast_in_dim3A_75 : f32 to vector<16xf32>
      %swap3A_77 = arith.index_cast %scan3A_48 : i32 to index
      %swap3A_78 = arith.constant 64 : index
      %swap3A_79 = tpu.vector_load %arg8[%swap3A_77, %swap3A_78] {strides = array<i32>} : memref<128x128xf32, #tpu.memory_space<vmem>>, vector<1x16xf32>,
      %swap3A_80 = vector.shape_cast %swap3A_79 : vector<1x16xf32> to vector<16xf32>
      %swap3A_81 = vector.shape_cast %broadcast_in_dim3A_76 : vector<16xf32> to vector<1x16xf32>
      tpu.vector_store %arg8[%swap3A_77, %swap3A_78], %swap3A_81 {strides = array<i32>} : memref<128x128xf32, #tpu.memory_space<vmem>>, vector<1x16xf32>,
      %broadcast_in_dim3A_82 = arith.constant 0.000000e+00 : f32
      %broadcast_in_dim3A_83 = vector.broadcast %broadcast_in_dim3A_82 : f32 to vector<16xf32>
      %swap3A_84 = arith.index_cast %scan3A_48 : i32 to index
      %swap3A_85 = arith.constant 80 : index
      %swap3A_86 = tpu.vector_load %arg8[%swap3A_84, %swap3A_85] {strides = array<i32>} : memref<128x128xf32, #tpu.memory_space<vmem>>, vector<1x16xf32>,
      %swap3A_87 = vector.shape_cast %swap3A_86 : vector<1x16xf32> to vector<16xf32>
      %swap3A_88 = vector.shape_cast %broadcast_in_dim3A_83 : vector<16xf32> to vector<1x16xf32>
      tpu.vector_store %arg8[%swap3A_84, %swap3A_85], %swap3A_88 {strides = array<i32>} : memref<128x128xf32, #tpu.memory_space<vmem>>, vector<1x16xf32>,
      %broadcast_in_dim3A_89 = arith.constant 0.000000e+00 : f32
      %broadcast_in_dim3A_90 = vector.broadcast %broadcast_in_dim3A_89 : f32 to vector<16xf32>
      %swap3A_91 = arith.index_cast %scan3A_48 : i32 to index
      %swap3A_92 = arith.constant 96 : index
      %swap3A_93 = tpu.vector_load %arg8[%swap3A_91, %swap3A_92] {strides = array<i32>} : memref<128x128xf32, #tpu.memory_space<vmem>>, vector<1x16xf32>,
      %swap3A_94 = vector.shape_cast %swap3A_93 : vector<1x16xf32> to vector<16xf32>
      %swap3A_95 = vector.shape_cast %broadcast_in_dim3A_90 : vector<16xf32> to vector<1x16xf32>
      tpu.vector_store %arg8[%swap3A_91, %swap3A_92], %swap3A_95 {strides = array<i32>} : memref<128x128xf32, #tpu.memory_space<vmem>>, vector<1x16xf32>,
      %broadcast_in_dim3A_96 = arith.constant 0.000000e+00 : f32
      %broadcast_in_dim3A_97 = vector.broadcast %broadcast_in_dim3A_96 : f32 to vector<16xf32>
      %swap3A_98 = arith.index_cast %scan3A_48 : i32 to index
      %swap3A_99 = arith.constant 112 : index
      %swap3A_100 = tpu.vector_load %arg8[%swap3A_98, %swap3A_99] {strides = array<i32>} : memref<128x128xf32, #tpu.memory_space<vmem>>, vector<1x16xf32>,
      %swap3A_101 = vector.shape_cast %swap3A_100 : vector<1x16xf32> to vector<16xf32>
      %swap3A_102 = vector.shape_cast %broadcast_in_dim3A_97 : vector<16xf32> to vector<1x16xf32>
      tpu.vector_store %arg8[%swap3A_98, %swap3A_99], %swap3A_102 {strides = array<i32>} : memref<128x128xf32, #tpu.memory_space<vmem>>, vector<1x16xf32>,
    }
    %scan3A_5 = arith.constant 128 : i32
    %mul3A_6 = arith.constant 632 : i32
    %mul3A_7 = arith.muli %arg1, %mul3A_6 : i32
    %add3A = arith.constant 0 : i32
    %add3A_8 = arith.addi %mul3A_7, %add3A : i32
    "tpu.region"() ({
      %run_scoped3A = tpu.sem_alloc : memref<!tpu.dma_semaphore, #tpu.memory_space<semaphore_mem>>
      %dma_start3A = arith.constant 0 : i32
      %dma_start3A_48 = arith.constant 0 : i32
      %dma_start3A_49 = tpu.memref_slice %arg8[%dma_start3A, %dma_start3A_48] : memref<128x128xf32, #tpu.memory_space<vmem>> -> memref<128x128xf32, #tpu.memory_space<vmem>>
      %dma_start3A_50 = arith.constant 0 : i32
      %dma_start3A_51 = tpu.memref_slice %arg10[%add3A_8, %dma_start3A_50] : memref<10112x128xf32, #tpu.memory_space<vmem_shared>> -> memref<128x128xf32, #tpu.memory_space<vmem_shared>>
      %dma_start3A_52 = arith.constant 0 : i32
      %dma_start3A_53 = tpu.memref_slice %arg10[%add3A_8, %dma_start3A_52] : memref<10112x128xf32, #tpu.memory_space<vmem_shared>> -> memref<128x128xf32, #tpu.memory_space<vmem_shared>>
      %dma_start3A_54 = arith.constant 0 : i32
      %dma_start3A_55 = arith.constant 0 : i32
      %dma_start3A_56 = tpu.memref_slice %arg8[%dma_start3A_54, %dma_start3A_55] : memref<128x128xf32, #tpu.memory_space<vmem>> -> memref<128x128xf32, #tpu.memory_space<vmem>>
      tpu.enqueue_dma source(%dma_start3A_56 : memref<128x128xf32, #tpu.memory_space<vmem>>) target(%dma_start3A_53 : memref<128x128xf32, #tpu.memory_space<vmem_shared>>) target_semaphore(%run_scoped3A : memref<!tpu.dma_semaphore, #tpu.memory_space<semaphore_mem>>)
      %dma_wait3A = arith.constant 0 : i32
      %dma_wait3A_57 = arith.constant 0 : i32
      %dma_wait3A_58 = tpu.memref_slice %arg8[%dma_wait3A, %dma_wait3A_57] : memref<128x128xf32, #tpu.memory_space<vmem>> -> memref<128x128xf32, #tpu.memory_space<vmem>>
      %dma_wait3A_59 = arith.constant 0 : i32
      %dma_wait3A_60 = tpu.memref_slice %arg10[%add3A_8, %dma_wait3A_59] : memref<10112x128xf32, #tpu.memory_space<vmem_shared>> -> memref<128x128xf32, #tpu.memory_space<vmem_shared>>
      %dma_wait3A_61 = arith.constant 0 : i32
      %dma_wait3A_62 = tpu.memref_slice %arg10[%add3A_8, %dma_wait3A_61] : memref<10112x128xf32, #tpu.memory_space<vmem_shared>> -> memref<128x128xf32, #tpu.memory_space<vmem_shared>>
      %dma_wait3A_63 = arith.constant 0 : i32
      %dma_wait3A_64 = arith.constant 0 : i32
      %dma_wait3A_65 = tpu.memref_slice %arg8[%dma_wait3A_63, %dma_wait3A_64] : memref<128x128xf32, #tpu.memory_space<vmem>> -> memref<128x128xf32, #tpu.memory_space<vmem>>
      tpu.wait_dma2 semaphore(%run_scoped3A : memref<!tpu.dma_semaphore, #tpu.memory_space<semaphore_mem>>) src(%dma_wait3A_65 : memref<128x128xf32, #tpu.memory_space<vmem>>) dst(%dma_wait3A_62 : memref<128x128xf32, #tpu.memory_space<vmem_shared>>)
      tpu.yield
    }) : () -> ()
    %add3A_9 = arith.constant 128 : i32
    %add3A_10 = arith.addi %mul3A_7, %add3A_9 : i32
    "tpu.region"() ({
      %run_scoped3A = tpu.sem_alloc : memref<!tpu.dma_semaphore, #tpu.memory_space<semaphore_mem>>
      %dma_start3A = arith.constant 0 : i32
      %dma_start3A_48 = arith.constant 0 : i32
      %dma_start3A_49 = tpu.memref_slice %arg8[%dma_start3A, %dma_start3A_48] : memref<128x128xf32, #tpu.memory_space<vmem>> -> memref<128x128xf32, #tpu.memory_space<vmem>>
      %dma_start3A_50 = arith.constant 0 : i32
      %dma_start3A_51 = tpu.memref_slice %arg10[%add3A_10, %dma_start3A_50] : memref<10112x128xf32, #tpu.memory_space<vmem_shared>> -> memref<128x128xf32, #tpu.memory_space<vmem_shared>>
      %dma_start3A_52 = arith.constant 0 : i32
      %dma_start3A_53 = tpu.memref_slice %arg10[%add3A_10, %dma_start3A_52] : memref<10112x128xf32, #tpu.memory_space<vmem_shared>> -> memref<128x128xf32, #tpu.memory_space<vmem_shared>>
      %dma_start3A_54 = arith.constant 0 : i32
      %dma_start3A_55 = arith.constant 0 : i32
      %dma_start3A_56 = tpu.memref_slice %arg8[%dma_start3A_54, %dma_start3A_55] : memref<128x128xf32, #tpu.memory_space<vmem>> -> memref<128x128xf32, #tpu.memory_space<vmem>>
      tpu.enqueue_dma source(%dma_start3A_56 : memref<128x128xf32, #tpu.memory_space<vmem>>) target(%dma_start3A_53 : memref<128x128xf32, #tpu.memory_space<vmem_shared>>) target_semaphore(%run_scoped3A : memref<!tpu.dma_semaphore, #tpu.memory_space<semaphore_mem>>)
      %dma_wait3A = arith.constant 0 : i32
      %dma_wait3A_57 = arith.constant 0 : i32
      %dma_wait3A_58 = tpu.memref_slice %arg8[%dma_wait3A, %dma_wait3A_57] : memref<128x128xf32, #tpu.memory_space<vmem>> -> memref<128x128xf32, #tpu.memory_space<vmem>>
      %dma_wait3A_59 = arith.constant 0 : i32
      %dma_wait3A_60 = tpu.memref_slice %arg10[%add3A_10, %dma_wait3A_59] : memref<10112x128xf32, #tpu.memory_space<vmem_shared>> -> memref<128x128xf32, #tpu.memory_space<vmem_shared>>
      %dma_wait3A_61 = arith.constant 0 : i32
      %dma_wait3A_62 = tpu.memref_slice %arg10[%add3A_10, %dma_wait3A_61] : memref<10112x128xf32, #tpu.memory_space<vmem_shared>> -> memref<128x128xf32, #tpu.memory_space<vmem_shared>>
      %dma_wait3A_63 = arith.constant 0 : i32
      %dma_wait3A_64 = arith.constant 0 : i32
      %dma_wait3A_65 = tpu.memref_slice %arg8[%dma_wait3A_63, %dma_wait3A_64] : memref<128x128xf32, #tpu.memory_space<vmem>> -> memref<128x128xf32, #tpu.memory_space<vmem>>
      tpu.wait_dma2 semaphore(%run_scoped3A : memref<!tpu.dma_semaphore, #tpu.memory_space<semaphore_mem>>) src(%dma_wait3A_65 : memref<128x128xf32, #tpu.memory_space<vmem>>) dst(%dma_wait3A_62 : memref<128x128xf32, #tpu.memory_space<vmem_shared>>)
      tpu.yield
    }) : () -> ()
    %add3A_11 = arith.constant 256 : i32
    %add3A_12 = arith.addi %mul3A_7, %add3A_11 : i32
    "tpu.region"() ({
      %run_scoped3A = tpu.sem_alloc : memref<!tpu.dma_semaphore, #tpu.memory_space<semaphore_mem>>
      %dma_start3A = arith.constant 0 : i32
      %dma_start3A_48 = arith.constant 0 : i32
      %dma_start3A_49 = tpu.memref_slice %arg8[%dma_start3A, %dma_start3A_48] : memref<128x128xf32, #tpu.memory_space<vmem>> -> memref<128x128xf32, #tpu.memory_space<vmem>>
      %dma_start3A_50 = arith.constant 0 : i32
      %dma_start3A_51 = tpu.memref_slice %arg10[%add3A_12, %dma_start3A_50] : memref<10112x128xf32, #tpu.memory_space<vmem_shared>> -> memref<128x128xf32, #tpu.memory_space<vmem_shared>>
      %dma_start3A_52 = arith.constant 0 : i32
      %dma_start3A_53 = tpu.memref_slice %arg10[%add3A_12, %dma_start3A_52] : memref<10112x128xf32, #tpu.memory_space<vmem_shared>> -> memref<128x128xf32, #tpu.memory_space<vmem_shared>>
      %dma_start3A_54 = arith.constant 0 : i32
      %dma_start3A_55 = arith.constant 0 : i32
      %dma_start3A_56 = tpu.memref_slice %arg8[%dma_start3A_54, %dma_start3A_55] : memref<128x128xf32, #tpu.memory_space<vmem>> -> memref<128x128xf32, #tpu.memory_space<vmem>>
      tpu.enqueue_dma source(%dma_start3A_56 : memref<128x128xf32, #tpu.memory_space<vmem>>) target(%dma_start3A_53 : memref<128x128xf32, #tpu.memory_space<vmem_shared>>) target_semaphore(%run_scoped3A : memref<!tpu.dma_semaphore, #tpu.memory_space<semaphore_mem>>)
      %dma_wait3A = arith.constant 0 : i32
      %dma_wait3A_57 = arith.constant 0 : i32
      %dma_wait3A_58 = tpu.memref_slice %arg8[%dma_wait3A, %dma_wait3A_57] : memref<128x128xf32, #tpu.memory_space<vmem>> -> memref<128x128xf32, #tpu.memory_space<vmem>>
      %dma_wait3A_59 = arith.constant 0 : i32
      %dma_wait3A_60 = tpu.memref_slice %arg10[%add3A_12, %dma_wait3A_59] : memref<10112x128xf32, #tpu.memory_space<vmem_shared>> -> memref<128x128xf32, #tpu.memory_space<vmem_shared>>
      %dma_wait3A_61 = arith.constant 0 : i32
      %dma_wait3A_62 = tpu.memref_slice %arg10[%add3A_12, %dma_wait3A_61] : memref<10112x128xf32, #tpu.memory_space<vmem_shared>> -> memref<128x128xf32, #tpu.memory_space<vmem_shared>>
      %dma_wait3A_63 = arith.constant 0 : i32
      %dma_wait3A_64 = arith.constant 0 : i32
      %dma_wait3A_65 = tpu.memref_slice %arg8[%dma_wait3A_63, %dma_wait3A_64] : memref<128x128xf32, #tpu.memory_space<vmem>> -> memref<128x128xf32, #tpu.memory_space<vmem>>
      tpu.wait_dma2 semaphore(%run_scoped3A : memref<!tpu.dma_semaphore, #tpu.memory_space<semaphore_mem>>) src(%dma_wait3A_65 : memref<128x128xf32, #tpu.memory_space<vmem>>) dst(%dma_wait3A_62 : memref<128x128xf32, #tpu.memory_space<vmem_shared>>)
      tpu.yield
    }) : () -> ()
    %add3A_13 = arith.constant 384 : i32
    %add3A_14 = arith.addi %mul3A_7, %add3A_13 : i32
    "tpu.region"() ({
      %run_scoped3A = tpu.sem_alloc : memref<!tpu.dma_semaphore, #tpu.memory_space<semaphore_mem>>
      %dma_start3A = arith.constant 0 : i32
      %dma_start3A_48 = arith.constant 0 : i32
      %dma_start3A_49 = tpu.memref_slice %arg8[%dma_start3A, %dma_start3A_48] : memref<128x128xf32, #tpu.memory_space<vmem>> -> memref<128x128xf32, #tpu.memory_space<vmem>>
      %dma_start3A_50 = arith.constant 0 : i32
      %dma_start3A_51 = tpu.memref_slice %arg10[%add3A_14, %dma_start3A_50] : memref<10112x128xf32, #tpu.memory_space<vmem_shared>> -> memref<128x128xf32, #tpu.memory_space<vmem_shared>>
      %dma_start3A_52 = arith.constant 0 : i32
      %dma_start3A_53 = tpu.memref_slice %arg10[%add3A_14, %dma_start3A_52] : memref<10112x128xf32, #tpu.memory_space<vmem_shared>> -> memref<128x128xf32, #tpu.memory_space<vmem_shared>>
      %dma_start3A_54 = arith.constant 0 : i32
      %dma_start3A_55 = arith.constant 0 : i32
      %dma_start3A_56 = tpu.memref_slice %arg8[%dma_start3A_54, %dma_start3A_55] : memref<128x128xf32, #tpu.memory_space<vmem>> -> memref<128x128xf32, #tpu.memory_space<vmem>>
      tpu.enqueue_dma source(%dma_start3A_56 : memref<128x128xf32, #tpu.memory_space<vmem>>) target(%dma_start3A_53 : memref<128x128xf32, #tpu.memory_space<vmem_shared>>) target_semaphore(%run_scoped3A : memref<!tpu.dma_semaphore, #tpu.memory_space<semaphore_mem>>)
      %dma_wait3A = arith.constant 0 : i32
      %dma_wait3A_57 = arith.constant 0 : i32
      %dma_wait3A_58 = tpu.memref_slice %arg8[%dma_wait3A, %dma_wait3A_57] : memref<128x128xf32, #tpu.memory_space<vmem>> -> memref<128x128xf32, #tpu.memory_space<vmem>>
      %dma_wait3A_59 = arith.constant 0 : i32
      %dma_wait3A_60 = tpu.memref_slice %arg10[%add3A_14, %dma_wait3A_59] : memref<10112x128xf32, #tpu.memory_space<vmem_shared>> -> memref<128x128xf32, #tpu.memory_space<vmem_shared>>
      %dma_wait3A_61 = arith.constant 0 : i32
      %dma_wait3A_62 = tpu.memref_slice %arg10[%add3A_14, %dma_wait3A_61] : memref<10112x128xf32, #tpu.memory_space<vmem_shared>> -> memref<128x128xf32, #tpu.memory_space<vmem_shared>>
      %dma_wait3A_63 = arith.constant 0 : i32
      %dma_wait3A_64 = arith.constant 0 : i32
      %dma_wait3A_65 = tpu.memref_slice %arg8[%dma_wait3A_63, %dma_wait3A_64] : memref<128x128xf32, #tpu.memory_space<vmem>> -> memref<128x128xf32, #tpu.memory_space<vmem>>
      tpu.wait_dma2 semaphore(%run_scoped3A : memref<!tpu.dma_semaphore, #tpu.memory_space<semaphore_mem>>) src(%dma_wait3A_65 : memref<128x128xf32, #tpu.memory_space<vmem>>) dst(%dma_wait3A_62 : memref<128x128xf32, #tpu.memory_space<vmem_shared>>)
      tpu.yield
    }) : () -> ()
    %add3A_15 = arith.constant 512 : i32
    %add3A_16 = arith.addi %mul3A_7, %add3A_15 : i32
    "tpu.region"() ({
      %run_scoped3A = tpu.sem_alloc : memref<!tpu.dma_semaphore, #tpu.memory_space<semaphore_mem>>
      %dma_start3A = arith.constant 0 : i32
      %dma_start3A_48 = arith.constant 0 : i32
      %dma_start3A_49 = tpu.memref_slice %arg8[%dma_start3A, %dma_start3A_48] : memref<128x128xf32, #tpu.memory_space<vmem>> -> memref<120x128xf32, #tpu.memory_space<vmem>>
      %dma_start3A_50 = arith.constant 0 : i32
      %dma_start3A_51 = tpu.memref_slice %arg10[%add3A_16, %dma_start3A_50] : memref<10112x128xf32, #tpu.memory_space<vmem_shared>> -> memref<120x128xf32, #tpu.memory_space<vmem_shared>>
      %dma_start3A_52 = arith.constant 0 : i32
      %dma_start3A_53 = tpu.memref_slice %arg10[%add3A_16, %dma_start3A_52] : memref<10112x128xf32, #tpu.memory_space<vmem_shared>> -> memref<120x128xf32, #tpu.memory_space<vmem_shared>>
      %dma_start3A_54 = arith.constant 0 : i32
      %dma_start3A_55 = arith.constant 0 : i32
      %dma_start3A_56 = tpu.memref_slice %arg8[%dma_start3A_54, %dma_start3A_55] : memref<128x128xf32, #tpu.memory_space<vmem>> -> memref<120x128xf32, #tpu.memory_space<vmem>>
      tpu.enqueue_dma source(%dma_start3A_56 : memref<120x128xf32, #tpu.memory_space<vmem>>) target(%dma_start3A_53 : memref<120x128xf32, #tpu.memory_space<vmem_shared>>) target_semaphore(%run_scoped3A : memref<!tpu.dma_semaphore, #tpu.memory_space<semaphore_mem>>)
      %dma_wait3A = arith.constant 0 : i32
      %dma_wait3A_57 = arith.constant 0 : i32
      %dma_wait3A_58 = tpu.memref_slice %arg8[%dma_wait3A, %dma_wait3A_57] : memref<128x128xf32, #tpu.memory_space<vmem>> -> memref<120x128xf32, #tpu.memory_space<vmem>>
      %dma_wait3A_59 = arith.constant 0 : i32
      %dma_wait3A_60 = tpu.memref_slice %arg10[%add3A_16, %dma_wait3A_59] : memref<10112x128xf32, #tpu.memory_space<vmem_shared>> -> memref<120x128xf32, #tpu.memory_space<vmem_shared>>
      %dma_wait3A_61 = arith.constant 0 : i32
      %dma_wait3A_62 = tpu.memref_slice %arg10[%add3A_16, %dma_wait3A_61] : memref<10112x128xf32, #tpu.memory_space<vmem_shared>> -> memref<120x128xf32, #tpu.memory_space<vmem_shared>>
      %dma_wait3A_63 = arith.constant 0 : i32
      %dma_wait3A_64 = arith.constant 0 : i32
      %dma_wait3A_65 = tpu.memref_slice %arg8[%dma_wait3A_63, %dma_wait3A_64] : memref<128x128xf32, #tpu.memory_space<vmem>> -> memref<120x128xf32, #tpu.memory_space<vmem>>
      tpu.wait_dma2 semaphore(%run_scoped3A : memref<!tpu.dma_semaphore, #tpu.memory_space<semaphore_mem>>) src(%dma_wait3A_65 : memref<120x128xf32, #tpu.memory_space<vmem>>) dst(%dma_wait3A_62 : memref<120x128xf32, #tpu.memory_space<vmem_shared>>)
      tpu.yield
    }) : () -> ()
    %barrier3A = arith.constant 0 : index
    tpu.barrier barrier_id(%barrier3A)
    %scan3A_17 = arith.constant 0 : i32
    %scan3A_18 = arith.constant 0 : i32
    %scan3A_19 = arith.constant 4 : i32
    %scan3A_20 = arith.addi %scan3A_18, %scan3A_19 : i32
    %scan3A_21 = arith.constant 1 : i32
    scf.for %scan3A_48 = %scan3A_18 to %scan3A_20 step %scan3A_21  : i32 {
      %mul3A_49 = arith.constant 40 : i32
      %mul3A_50 = arith.muli %scan3A_48, %mul3A_49 : i32
      %add3A_51 = arith.addi %mul3A_0, %mul3A_50 : i32
      "tpu.region"() ({
        %run_scoped3A = tpu.sem_alloc : memref<!tpu.dma_semaphore, #tpu.memory_space<semaphore_mem>>
        %dma_start3A_64 = arith.constant 0 : i32
        %dma_start3A_65 = tpu.memref_slice %arg3[%arg0, %add3A_51, %dma_start3A_64] : memref<2x2560x128xi32, #tpu.memory_space<hbm>> -> memref<1x40x128xi32, #tpu.memory_space<hbm>>
        %dma_start3A_66 = tpu.memref_squeeze %dma_start3A_65 : memref<1x40x128xi32, #tpu.memory_space<hbm>> -> memref<40x128xi32, #tpu.memory_space<hbm>>
        %dma_start3A_67 = arith.constant 0 : i32
        %dma_start3A_68 = tpu.memref_slice %arg3[%arg0, %add3A_51, %dma_start3A_67] : memref<2x2560x128xi32, #tpu.memory_space<hbm>> -> memref<1x40x128xi32, #tpu.memory_space<hbm>>
        %dma_start3A_69 = tpu.memref_squeeze %dma_start3A_68 : memref<1x40x128xi32, #tpu.memory_space<hbm>> -> memref<40x128xi32, #tpu.memory_space<hbm>>
        tpu.enqueue_dma source(%dma_start3A_69 : memref<40x128xi32, #tpu.memory_space<hbm>>) target(%arg6 : memref<40x128xi32, #tpu.memory_space<vmem>>) target_semaphore(%run_scoped3A : memref<!tpu.dma_semaphore, #tpu.memory_space<semaphore_mem>>)
        %dma_wait3A = arith.constant 0 : i32
        %dma_wait3A_70 = tpu.memref_slice %arg3[%arg0, %add3A_51, %dma_wait3A] : memref<2x2560x128xi32, #tpu.memory_space<hbm>> -> memref<1x40x128xi32, #tpu.memory_space<hbm>>
        %dma_wait3A_71 = tpu.memref_squeeze %dma_wait3A_70 : memref<1x40x128xi32, #tpu.memory_space<hbm>> -> memref<40x128xi32, #tpu.memory_space<hbm>>
        %dma_wait3A_72 = arith.constant 0 : i32
        %dma_wait3A_73 = tpu.memref_slice %arg3[%arg0, %add3A_51, %dma_wait3A_72] : memref<2x2560x128xi32, #tpu.memory_space<hbm>> -> memref<1x40x128xi32, #tpu.memory_space<hbm>>
        %dma_wait3A_74 = tpu.memref_squeeze %dma_wait3A_73 : memref<1x40x128xi32, #tpu.memory_space<hbm>> -> memref<40x128xi32, #tpu.memory_space<hbm>>
        tpu.wait_dma2 semaphore(%run_scoped3A : memref<!tpu.dma_semaphore, #tpu.memory_space<semaphore_mem>>) src(%dma_wait3A_74 : memref<40x128xi32, #tpu.memory_space<hbm>>) dst(%arg6 : memref<40x128xi32, #tpu.memory_space<vmem>>)
        tpu.yield
      }) : () -> ()
      "tpu.region"() ({
        %run_scoped3A = tpu.sem_alloc : memref<!tpu.dma_semaphore, #tpu.memory_space<semaphore_mem>>
        %dma_start3A_64 = arith.constant 0 : i32
        %dma_start3A_65 = tpu.memref_slice %arg4[%add3A_51, %dma_start3A_64] : memref<2560x128xi32, #tpu.memory_space<hbm>> -> memref<40x128xi32, #tpu.memory_space<hbm>>
        %dma_start3A_66 = arith.constant 0 : i32
        %dma_start3A_67 = tpu.memref_slice %arg4[%add3A_51, %dma_start3A_66] : memref<2560x128xi32, #tpu.memory_space<hbm>> -> memref<40x128xi32, #tpu.memory_space<hbm>>
        tpu.enqueue_dma source(%dma_start3A_67 : memref<40x128xi32, #tpu.memory_space<hbm>>) target(%arg7 : memref<40x128xi32, #tpu.memory_space<vmem>>) target_semaphore(%run_scoped3A : memref<!tpu.dma_semaphore, #tpu.memory_space<semaphore_mem>>)
        %dma_wait3A = arith.constant 0 : i32
        %dma_wait3A_68 = tpu.memref_slice %arg4[%add3A_51, %dma_wait3A] : memref<2560x128xi32, #tpu.memory_space<hbm>> -> memref<40x128xi32, #tpu.memory_space<hbm>>
        %dma_wait3A_69 = arith.constant 0 : i32
        %dma_wait3A_70 = tpu.memref_slice %arg4[%add3A_51, %dma_wait3A_69] : memref<2560x128xi32, #tpu.memory_space<hbm>> -> memref<40x128xi32, #tpu.memory_space<hbm>>
        tpu.wait_dma2 semaphore(%run_scoped3A : memref<!tpu.dma_semaphore, #tpu.memory_space<semaphore_mem>>) src(%dma_wait3A_70 : memref<40x128xi32, #tpu.memory_space<hbm>>) dst(%arg7 : memref<40x128xi32, #tpu.memory_space<vmem>>)
        tpu.yield
      }) : () -> ()
      %dma_start3A = arith.constant 0 : i32
      %dma_start3A_52 = arith.constant 0 : i32
      %dma_start3A_53 = tpu.memref_slice %arg6[%dma_start3A, %dma_start3A_52] : memref<40x128xi32, #tpu.memory_space<vmem>> -> memref<1x128xi32, #tpu.memory_space<vmem>>
      %dma_start3A_54 = tpu.memref_squeeze %dma_start3A_53 : memref<1x128xi32, #tpu.memory_space<vmem>> -> memref<128xi32, #tpu.memory_space<vmem>>
      %dma_start3A_55 = arith.constant 0 : i32
      %dma_start3A_56 = arith.constant 0 : i32
      %dma_start3A_57 = tpu.memref_slice %arg2[%dma_start3A_55, %dma_start3A_56] : memref<20000x128xf32, #tpu.memory_space<hbm>> -> memref<20000x128xf32, #tpu.memory_space<hbm>>
      tpu.enqueue_indirect_dma source(%dma_start3A_57 : memref<20000x128xf32, #tpu.memory_space<hbm>>) target(%arg8 : memref<128x128xf32, #tpu.memory_space<vmem>>) offsets(%dma_start3A_54 : memref<128xi32, #tpu.memory_space<vmem>>) semaphore(%arg11 : memref<!tpu.dma_semaphore, #tpu.memory_space<semaphore_mem>>)
      %scan3A_58 = arith.constant 0 : i32
      %scan3A_59 = arith.constant 0 : i32
      %scan3A_60 = arith.constant 20 : i32
      %scan3A_61 = arith.addi %scan3A_59, %scan3A_60 : i32
      %scan3A_62 = arith.constant 1 : i32
      scf.for %scan3A_64 = %scan3A_59 to %scan3A_61 step %scan3A_62  : i32 {
        %mul3A_65 = arith.constant 2 : i32
        %mul3A_66 = arith.muli %mul3A_65, %scan3A_64 : i32
        %add3A_67 = arith.constant 1 : i32
        %add3A_68 = arith.addi %mul3A_66, %add3A_67 : i32
        %dma_start3A_69 = arith.constant 0 : i32
        %dma_start3A_70 = tpu.memref_slice %arg6[%add3A_68, %dma_start3A_69] : memref<40x128xi32, #tpu.memory_space<vmem>> -> memref<1x128xi32, #tpu.memory_space<vmem>>
        %dma_start3A_71 = tpu.memref_squeeze %dma_start3A_70 : memref<1x128xi32, #tpu.memory_space<vmem>> -> memref<128xi32, #tpu.memory_space<vmem>>
        %dma_start3A_72 = arith.constant 0 : i32
        %dma_start3A_73 = arith.constant 0 : i32
        %dma_start3A_74 = tpu.memref_slice %arg2[%dma_start3A_72, %dma_start3A_73] : memref<20000x128xf32, #tpu.memory_space<hbm>> -> memref<20000x128xf32, #tpu.memory_space<hbm>>
        tpu.enqueue_indirect_dma source(%dma_start3A_74 : memref<20000x128xf32, #tpu.memory_space<hbm>>) target(%arg9 : memref<128x128xf32, #tpu.memory_space<vmem>>) offsets(%dma_start3A_71 : memref<128xi32, #tpu.memory_space<vmem>>) semaphore(%arg12 : memref<!tpu.dma_semaphore, #tpu.memory_space<semaphore_mem>>)
        %dma_wait3A = arith.constant 0 : i32
        %dma_wait3A_75 = tpu.memref_slice %arg6[%mul3A_66, %dma_wait3A] : memref<40x128xi32, #tpu.memory_space<vmem>> -> memref<1x128xi32, #tpu.memory_space<vmem>>
        %dma_wait3A_76 = tpu.memref_squeeze %dma_wait3A_75 : memref<1x128xi32, #tpu.memory_space<vmem>> -> memref<128xi32, #tpu.memory_space<vmem>>
        %dma_wait3A_77 = arith.constant 0 : i32
        %dma_wait3A_78 = arith.constant 0 : i32
        %dma_wait3A_79 = tpu.memref_slice %arg2[%dma_wait3A_77, %dma_wait3A_78] : memref<20000x128xf32, #tpu.memory_space<hbm>> -> memref<20000x128xf32, #tpu.memory_space<hbm>>
        tpu.wait_indirect_dma semaphore(%arg11 : memref<!tpu.dma_semaphore, #tpu.memory_space<semaphore_mem>>) src(%dma_wait3A_79 : memref<20000x128xf32, #tpu.memory_space<hbm>>) dst(%arg8 : memref<128x128xf32, #tpu.memory_space<vmem>>)
        "tpu.region"() ({
          %run_scoped3A = tpu.sem_alloc : memref<!tpu.dma_semaphore, #tpu.memory_space<semaphore_mem>>
          %dma_start3A_95 = arith.constant 0 : i32
          %dma_start3A_96 = tpu.memref_slice %arg7[%mul3A_66, %dma_start3A_95] : memref<40x128xi32, #tpu.memory_space<vmem>> -> memref<1x128xi32, #tpu.memory_space<vmem>>
          %dma_start3A_97 = tpu.memref_squeeze %dma_start3A_96 : memref<1x128xi32, #tpu.memory_space<vmem>> -> memref<128xi32, #tpu.memory_space<vmem>>
          %dma_start3A_98 = arith.constant 0 : i32
          %dma_start3A_99 = arith.constant 0 : i32
          %dma_start3A_100 = tpu.memref_slice %arg10[%dma_start3A_98, %dma_start3A_99] : memref<10112x128xf32, #tpu.memory_space<vmem_shared>> -> memref<10112x128xf32, #tpu.memory_space<vmem_shared>>
          tpu.enqueue_indirect_dma source(%arg8 : memref<128x128xf32, #tpu.memory_space<vmem>>) target(%dma_start3A_100 : memref<10112x128xf32, #tpu.memory_space<vmem_shared>>) offsets(%dma_start3A_97 : memref<128xi32, #tpu.memory_space<vmem>>) semaphore(%run_scoped3A : memref<!tpu.dma_semaphore, #tpu.memory_space<semaphore_mem>>) {add = true}
          %dma_wait3A_101 = arith.constant 0 : i32
          %dma_wait3A_102 = tpu.memref_slice %arg7[%mul3A_66, %dma_wait3A_101] : memref<40x128xi32, #tpu.memory_space<vmem>> -> memref<1x128xi32, #tpu.memory_space<vmem>>
          %dma_wait3A_103 = tpu.memref_squeeze %dma_wait3A_102 : memref<1x128xi32, #tpu.memory_space<vmem>> -> memref<128xi32, #tpu.memory_space<vmem>>
          %dma_wait3A_104 = arith.constant 0 : i32
          %dma_wait3A_105 = arith.constant 0 : i32
          %dma_wait3A_106 = tpu.memref_slice %arg10[%dma_wait3A_104, %dma_wait3A_105] : memref<10112x128xf32, #tpu.memory_space<vmem_shared>> -> memref<10112x128xf32, #tpu.memory_space<vmem_shared>>
          tpu.wait_indirect_dma semaphore(%run_scoped3A : memref<!tpu.dma_semaphore, #tpu.memory_space<semaphore_mem>>) src(%arg8 : memref<128x128xf32, #tpu.memory_space<vmem>>) dst(%dma_wait3A_106 : memref<10112x128xf32, #tpu.memory_space<vmem_shared>>)
          tpu.yield
        }) : () -> ()
        %lt3A_80 = arith.constant 19 : i32
        %lt3A_81 = arith.cmpi slt, %scan3A_64, %lt3A_80 : i32
        %convert_element_type3A_82 = arith.extui %lt3A_81 : i1 to i32
        %cond3A_83 = arith.constant 0 : i32
        %cond3A_84 = arith.cmpi ne, %convert_element_type3A_82, %cond3A_83 : i32
        scf.if %cond3A_84 {
          %add3A_95 = arith.constant 2 : i32
          %add3A_96 = arith.addi %mul3A_66, %add3A_95 : i32
          %dma_start3A_97 = arith.constant 0 : i32
          %dma_start3A_98 = tpu.memref_slice %arg6[%add3A_96, %dma_start3A_97] : memref<40x128xi32, #tpu.memory_space<vmem>> -> memref<1x128xi32, #tpu.memory_space<vmem>>
          %dma_start3A_99 = tpu.memref_squeeze %dma_start3A_98 : memref<1x128xi32, #tpu.memory_space<vmem>> -> memref<128xi32, #tpu.memory_space<vmem>>
          %dma_start3A_100 = arith.constant 0 : i32
          %dma_start3A_101 = arith.constant 0 : i32
          %dma_start3A_102 = tpu.memref_slice %arg2[%dma_start3A_100, %dma_start3A_101] : memref<20000x128xf32, #tpu.memory_space<hbm>> -> memref<20000x128xf32, #tpu.memory_space<hbm>>
          tpu.enqueue_indirect_dma source(%dma_start3A_102 : memref<20000x128xf32, #tpu.memory_space<hbm>>) target(%arg8 : memref<128x128xf32, #tpu.memory_space<vmem>>) offsets(%dma_start3A_99 : memref<128xi32, #tpu.memory_space<vmem>>) semaphore(%arg11 : memref<!tpu.dma_semaphore, #tpu.memory_space<semaphore_mem>>)
        } else {
        }
        %add3A_85 = arith.constant 1 : i32
        %add3A_86 = arith.addi %mul3A_66, %add3A_85 : i32
        %dma_wait3A_87 = arith.constant 0 : i32
        %dma_wait3A_88 = tpu.memref_slice %arg6[%add3A_86, %dma_wait3A_87] : memref<40x128xi32, #tpu.memory_space<vmem>> -> memref<1x128xi32, #tpu.memory_space<vmem>>
        %dma_wait3A_89 = tpu.memref_squeeze %dma_wait3A_88 : memref<1x128xi32, #tpu.memory_space<vmem>> -> memref<128xi32, #tpu.memory_space<vmem>>
        %dma_wait3A_90 = arith.constant 0 : i32
        %dma_wait3A_91 = arith.constant 0 : i32
        %dma_wait3A_92 = tpu.memref_slice %arg2[%dma_wait3A_90, %dma_wait3A_91] : memref<20000x128xf32, #tpu.memory_space<hbm>> -> memref<20000x128xf32, #tpu.memory_space<hbm>>
        tpu.wait_indirect_dma semaphore(%arg12 : memref<!tpu.dma_semaphore, #tpu.memory_space<semaphore_mem>>) src(%dma_wait3A_92 : memref<20000x128xf32, #tpu.memory_space<hbm>>) dst(%arg9 : memref<128x128xf32, #tpu.memory_space<vmem>>)
        %add3A_93 = arith.constant 1 : i32
        %add3A_94 = arith.addi %mul3A_66, %add3A_93 : i32
        "tpu.region"() ({
          %run_scoped3A = tpu.sem_alloc : memref<!tpu.dma_semaphore, #tpu.memory_space<semaphore_mem>>
          %dma_start3A_95 = arith.constant 0 : i32
          %dma_start3A_96 = tpu.memref_slice %arg7[%add3A_94, %dma_start3A_95] : memref<40x128xi32, #tpu.memory_space<vmem>> -> memref<1x128xi32, #tpu.memory_space<vmem>>
          %dma_start3A_97 = tpu.memref_squeeze %dma_start3A_96 : memref<1x128xi32, #tpu.memory_space<vmem>> -> memref<128xi32, #tpu.memory_space<vmem>>
          %dma_start3A_98 = arith.constant 0 : i32
          %dma_start3A_99 = arith.constant 0 : i32
          %dma_start3A_100 = tpu.memref_slice %arg10[%dma_start3A_98, %dma_start3A_99] : memref<10112x128xf32, #tpu.memory_space<vmem_shared>> -> memref<10112x128xf32, #tpu.memory_space<vmem_shared>>
          tpu.enqueue_indirect_dma source(%arg9 : memref<128x128xf32, #tpu.memory_space<vmem>>) target(%dma_start3A_100 : memref<10112x128xf32, #tpu.memory_space<vmem_shared>>) offsets(%dma_start3A_97 : memref<128xi32, #tpu.memory_space<vmem>>) semaphore(%run_scoped3A : memref<!tpu.dma_semaphore, #tpu.memory_space<semaphore_mem>>) {add = true}
          %dma_wait3A_101 = arith.constant 0 : i32
          %dma_wait3A_102 = tpu.memref_slice %arg7[%add3A_94, %dma_wait3A_101] : memref<40x128xi32, #tpu.memory_space<vmem>> -> memref<1x128xi32, #tpu.memory_space<vmem>>
          %dma_wait3A_103 = tpu.memref_squeeze %dma_wait3A_102 : memref<1x128xi32, #tpu.memory_space<vmem>> -> memref<128xi32, #tpu.memory_space<vmem>>
          %dma_wait3A_104 = arith.constant 0 : i32
          %dma_wait3A_105 = arith.constant 0 : i32
          %dma_wait3A_106 = tpu.memref_slice %arg10[%dma_wait3A_104, %dma_wait3A_105] : memref<10112x128xf32, #tpu.memory_space<vmem_shared>> -> memref<10112x128xf32, #tpu.memory_space<vmem_shared>>
          tpu.wait_indirect_dma semaphore(%run_scoped3A : memref<!tpu.dma_semaphore, #tpu.memory_space<semaphore_mem>>) src(%arg9 : memref<128x128xf32, #tpu.memory_space<vmem>>) dst(%dma_wait3A_106 : memref<10112x128xf32, #tpu.memory_space<vmem_shared>>)
          tpu.yield
        }) : () -> ()
      }
      %scan3A_63 = arith.constant 20 : i32
    }
    %scan3A_22 = arith.constant 4 : i32
    %barrier3A_23 = arith.constant 0 : index
    tpu.barrier barrier_id(%barrier3A_23)
    %mul3A_24 = arith.constant 632 : i32
    %mul3A_25 = arith.muli %arg1, %mul3A_24 : i32
    %add3A_26 = arith.constant 0 : i32
    %add3A_27 = arith.addi %mul3A_25, %add3A_26 : i32
    %add3A_28 = arith.constant 0 : i32
    %add3A_29 = arith.addi %mul3A_25, %add3A_28 : i32
    "tpu.region"() ({
      %run_scoped3A = tpu.sem_alloc : memref<!tpu.dma_semaphore, #tpu.memory_space<semaphore_mem>>
      %dma_start3A = arith.constant 0 : i32
      %dma_start3A_48 = tpu.memref_slice %arg5[%arg0, %add3A_29, %dma_start3A] : memref<2x10000x128xf32, #tpu.memory_space<hbm>> -> memref<1x128x128xf32, #tpu.memory_space<hbm>>
      %dma_start3A_49 = tpu.memref_squeeze %dma_start3A_48 : memref<1x128x128xf32, #tpu.memory_space<hbm>> -> memref<128x128xf32, #tpu.memory_space<hbm>>
      %dma_start3A_50 = arith.constant 0 : i32
      %dma_start3A_51 = tpu.memref_slice %arg10[%add3A_27, %dma_start3A_50] : memref<10112x128xf32, #tpu.memory_space<vmem_shared>> -> memref<128x128xf32, #tpu.memory_space<vmem_shared>>
      tpu.enqueue_dma source(%dma_start3A_51 : memref<128x128xf32, #tpu.memory_space<vmem_shared>>) target(%dma_start3A_49 : memref<128x128xf32, #tpu.memory_space<hbm>>) target_semaphore(%run_scoped3A : memref<!tpu.dma_semaphore, #tpu.memory_space<semaphore_mem>>)
      %dma_wait3A = arith.constant 0 : i32
      %dma_wait3A_52 = tpu.memref_slice %arg5[%arg0, %add3A_29, %dma_wait3A] : memref<2x10000x128xf32, #tpu.memory_space<hbm>> -> memref<1x128x128xf32, #tpu.memory_space<hbm>>
      %dma_wait3A_53 = tpu.memref_squeeze %dma_wait3A_52 : memref<1x128x128xf32, #tpu.memory_space<hbm>> -> memref<128x128xf32, #tpu.memory_space<hbm>>
      %dma_wait3A_54 = arith.constant 0 : i32
      %dma_wait3A_55 = tpu.memref_slice %arg10[%add3A_27, %dma_wait3A_54] : memref<10112x128xf32, #tpu.memory_space<vmem_shared>> -> memref<128x128xf32, #tpu.memory_space<vmem_shared>>
      tpu.wait_dma2 semaphore(%run_scoped3A : memref<!tpu.dma_semaphore, #tpu.memory_space<semaphore_mem>>) src(%dma_wait3A_55 : memref<128x128xf32, #tpu.memory_space<vmem_shared>>) dst(%dma_wait3A_53 : memref<128x128xf32, #tpu.memory_space<hbm>>)
      tpu.yield
    }) : () -> ()
    %add3A_30 = arith.constant 128 : i32
    %add3A_31 = arith.addi %mul3A_25, %add3A_30 : i32
    %add3A_32 = arith.constant 128 : i32
    %add3A_33 = arith.addi %mul3A_25, %add3A_32 : i32
    "tpu.region"() ({
      %run_scoped3A = tpu.sem_alloc : memref<!tpu.dma_semaphore, #tpu.memory_space<semaphore_mem>>
      %dma_start3A = arith.constant 0 : i32
      %dma_start3A_48 = tpu.memref_slice %arg5[%arg0, %add3A_33, %dma_start3A] : memref<2x10000x128xf32, #tpu.memory_space<hbm>> -> memref<1x128x128xf32, #tpu.memory_space<hbm>>
      %dma_start3A_49 = tpu.memref_squeeze %dma_start3A_48 : memref<1x128x128xf32, #tpu.memory_space<hbm>> -> memref<128x128xf32, #tpu.memory_space<hbm>>
      %dma_start3A_50 = arith.constant 0 : i32
      %dma_start3A_51 = tpu.memref_slice %arg10[%add3A_31, %dma_start3A_50] : memref<10112x128xf32, #tpu.memory_space<vmem_shared>> -> memref<128x128xf32, #tpu.memory_space<vmem_shared>>
      tpu.enqueue_dma source(%dma_start3A_51 : memref<128x128xf32, #tpu.memory_space<vmem_shared>>) target(%dma_start3A_49 : memref<128x128xf32, #tpu.memory_space<hbm>>) target_semaphore(%run_scoped3A : memref<!tpu.dma_semaphore, #tpu.memory_space<semaphore_mem>>)
      %dma_wait3A = arith.constant 0 : i32
      %dma_wait3A_52 = tpu.memref_slice %arg5[%arg0, %add3A_33, %dma_wait3A] : memref<2x10000x128xf32, #tpu.memory_space<hbm>> -> memref<1x128x128xf32, #tpu.memory_space<hbm>>
      %dma_wait3A_53 = tpu.memref_squeeze %dma_wait3A_52 : memref<1x128x128xf32, #tpu.memory_space<hbm>> -> memref<128x128xf32, #tpu.memory_space<hbm>>
      %dma_wait3A_54 = arith.constant 0 : i32
      %dma_wait3A_55 = tpu.memref_slice %arg10[%add3A_31, %dma_wait3A_54] : memref<10112x128xf32, #tpu.memory_space<vmem_shared>> -> memref<128x128xf32, #tpu.memory_space<vmem_shared>>
      tpu.wait_dma2 semaphore(%run_scoped3A : memref<!tpu.dma_semaphore, #tpu.memory_space<semaphore_mem>>) src(%dma_wait3A_55 : memref<128x128xf32, #tpu.memory_space<vmem_shared>>) dst(%dma_wait3A_53 : memref<128x128xf32, #tpu.memory_space<hbm>>)
      tpu.yield
    }) : () -> ()
    %add3A_34 = arith.constant 256 : i32
    %add3A_35 = arith.addi %mul3A_25, %add3A_34 : i32
    %add3A_36 = arith.constant 256 : i32
    %add3A_37 = arith.addi %mul3A_25, %add3A_36 : i32
    "tpu.region"() ({
      %run_scoped3A = tpu.sem_alloc : memref<!tpu.dma_semaphore, #tpu.memory_space<semaphore_mem>>
      %dma_start3A = arith.constant 0 : i32
      %dma_start3A_48 = tpu.memref_slice %arg5[%arg0, %add3A_37, %dma_start3A] : memref<2x10000x128xf32, #tpu.memory_space<hbm>> -> memref<1x128x128xf32, #tpu.memory_space<hbm>>
      %dma_start3A_49 = tpu.memref_squeeze %dma_start3A_48 : memref<1x128x128xf32, #tpu.memory_space<hbm>> -> memref<128x128xf32, #tpu.memory_space<hbm>>
      %dma_start3A_50 = arith.constant 0 : i32
      %dma_start3A_51 = tpu.memref_slice %arg10[%add3A_35, %dma_start3A_50] : memref<10112x128xf32, #tpu.memory_space<vmem_shared>> -> memref<128x128xf32, #tpu.memory_space<vmem_shared>>
      tpu.enqueue_dma source(%dma_start3A_51 : memref<128x128xf32, #tpu.memory_space<vmem_shared>>) target(%dma_start3A_49 : memref<128x128xf32, #tpu.memory_space<hbm>>) target_semaphore(%run_scoped3A : memref<!tpu.dma_semaphore, #tpu.memory_space<semaphore_mem>>)
      %dma_wait3A = arith.constant 0 : i32
      %dma_wait3A_52 = tpu.memref_slice %arg5[%arg0, %add3A_37, %dma_wait3A] : memref<2x10000x128xf32, #tpu.memory_space<hbm>> -> memref<1x128x128xf32, #tpu.memory_space<hbm>>
      %dma_wait3A_53 = tpu.memref_squeeze %dma_wait3A_52 : memref<1x128x128xf32, #tpu.memory_space<hbm>> -> memref<128x128xf32, #tpu.memory_space<hbm>>
      %dma_wait3A_54 = arith.constant 0 : i32
      %dma_wait3A_55 = tpu.memref_slice %arg10[%add3A_35, %dma_wait3A_54] : memref<10112x128xf32, #tpu.memory_space<vmem_shared>> -> memref<128x128xf32, #tpu.memory_space<vmem_shared>>
      tpu.wait_dma2 semaphore(%run_scoped3A : memref<!tpu.dma_semaphore, #tpu.memory_space<semaphore_mem>>) src(%dma_wait3A_55 : memref<128x128xf32, #tpu.memory_space<vmem_shared>>) dst(%dma_wait3A_53 : memref<128x128xf32, #tpu.memory_space<hbm>>)
      tpu.yield
    }) : () -> ()
    %add3A_38 = arith.constant 384 : i32
    %add3A_39 = arith.addi %mul3A_25, %add3A_38 : i32
    %add3A_40 = arith.constant 384 : i32
    %add3A_41 = arith.addi %mul3A_25, %add3A_40 : i32
    "tpu.region"() ({
      %run_scoped3A = tpu.sem_alloc : memref<!tpu.dma_semaphore, #tpu.memory_space<semaphore_mem>>
      %dma_start3A = arith.constant 0 : i32
      %dma_start3A_48 = tpu.memref_slice %arg5[%arg0, %add3A_41, %dma_start3A] : memref<2x10000x128xf32, #tpu.memory_space<hbm>> -> memref<1x128x128xf32, #tpu.memory_space<hbm>>
      %dma_start3A_49 = tpu.memref_squeeze %dma_start3A_48 : memref<1x128x128xf32, #tpu.memory_space<hbm>> -> memref<128x128xf32, #tpu.memory_space<hbm>>
      %dma_start3A_50 = arith.constant 0 : i32
      %dma_start3A_51 = tpu.memref_slice %arg10[%add3A_39, %dma_start3A_50] : memref<10112x128xf32, #tpu.memory_space<vmem_shared>> -> memref<128x128xf32, #tpu.memory_space<vmem_shared>>
      tpu.enqueue_dma source(%dma_start3A_51 : memref<128x128xf32, #tpu.memory_space<vmem_shared>>) target(%dma_start3A_49 : memref<128x128xf32, #tpu.memory_space<hbm>>) target_semaphore(%run_scoped3A : memref<!tpu.dma_semaphore, #tpu.memory_space<semaphore_mem>>)
      %dma_wait3A = arith.constant 0 : i32
      %dma_wait3A_52 = tpu.memref_slice %arg5[%arg0, %add3A_41, %dma_wait3A] : memref<2x10000x128xf32, #tpu.memory_space<hbm>> -> memref<1x128x128xf32, #tpu.memory_space<hbm>>
      %dma_wait3A_53 = tpu.memref_squeeze %dma_wait3A_52 : memref<1x128x128xf32, #tpu.memory_space<hbm>> -> memref<128x128xf32, #tpu.memory_space<hbm>>
      %dma_wait3A_54 = arith.constant 0 : i32
      %dma_wait3A_55 = tpu.memref_slice %arg10[%add3A_39, %dma_wait3A_54] : memref<10112x128xf32, #tpu.memory_space<vmem_shared>> -> memref<128x128xf32, #tpu.memory_space<vmem_shared>>
      tpu.wait_dma2 semaphore(%run_scoped3A : memref<!tpu.dma_semaphore, #tpu.memory_space<semaphore_mem>>) src(%dma_wait3A_55 : memref<128x128xf32, #tpu.memory_space<vmem_shared>>) dst(%dma_wait3A_53 : memref<128x128xf32, #tpu.memory_space<hbm>>)
      tpu.yield
    }) : () -> ()
    %lt3A = arith.constant 15 : i32
    %lt3A_42 = arith.cmpi slt, %arg1, %lt3A : i32
    %convert_element_type3A = arith.extui %lt3A_42 : i1 to i32
    %cond3A = arith.constant 0 : i32
    %cond3A_43 = arith.cmpi ne, %convert_element_type3A, %cond3A : i32
    scf.if %cond3A_43 {
      %add3A_48 = arith.constant 512 : i32
      %add3A_49 = arith.addi %mul3A_25, %add3A_48 : i32
      %add3A_50 = arith.constant 512 : i32
      %add3A_51 = arith.addi %mul3A_25, %add3A_50 : i32
      "tpu.region"() ({
        %run_scoped3A = tpu.sem_alloc : memref<!tpu.dma_semaphore, #tpu.memory_space<semaphore_mem>>
        %dma_start3A = arith.constant 0 : i32
        %dma_start3A_52 = tpu.memref_slice %arg5[%arg0, %add3A_51, %dma_start3A] : memref<2x10000x128xf32, #tpu.memory_space<hbm>> -> memref<1x120x128xf32, #tpu.memory_space<hbm>>
        %dma_start3A_53 = tpu.memref_squeeze %dma_start3A_52 : memref<1x120x128xf32, #tpu.memory_space<hbm>> -> memref<120x128xf32, #tpu.memory_space<hbm>>
        %dma_start3A_54 = arith.constant 0 : i32
        %dma_start3A_55 = tpu.memref_slice %arg10[%add3A_49, %dma_start3A_54] : memref<10112x128xf32, #tpu.memory_space<vmem_shared>> -> memref<120x128xf32, #tpu.memory_space<vmem_shared>>
        tpu.enqueue_dma source(%dma_start3A_55 : memref<120x128xf32, #tpu.memory_space<vmem_shared>>) target(%dma_start3A_53 : memref<120x128xf32, #tpu.memory_space<hbm>>) target_semaphore(%run_scoped3A : memref<!tpu.dma_semaphore, #tpu.memory_space<semaphore_mem>>)
        %dma_wait3A = arith.constant 0 : i32
        %dma_wait3A_56 = tpu.memref_slice %arg5[%arg0, %add3A_51, %dma_wait3A] : memref<2x10000x128xf32, #tpu.memory_space<hbm>> -> memref<1x120x128xf32, #tpu.memory_space<hbm>>
        %dma_wait3A_57 = tpu.memref_squeeze %dma_wait3A_56 : memref<1x120x128xf32, #tpu.memory_space<hbm>> -> memref<120x128xf32, #tpu.memory_space<hbm>>
        %dma_wait3A_58 = arith.constant 0 : i32
        %dma_wait3A_59 = tpu.memref_slice %arg10[%add3A_49, %dma_wait3A_58] : memref<10112x128xf32, #tpu.memory_space<vmem_shared>> -> memref<120x128xf32, #tpu.memory_space<vmem_shared>>
        tpu.wait_dma2 semaphore(%run_scoped3A : memref<!tpu.dma_semaphore, #tpu.memory_space<semaphore_mem>>) src(%dma_wait3A_59 : memref<120x128xf32, #tpu.memory_space<vmem_shared>>) dst(%dma_wait3A_57 : memref<120x128xf32, #tpu.memory_space<hbm>>)
        tpu.yield
      }) : () -> ()
    } else {
    }
    %eq3A = arith.constant 15 : i32
    %eq3A_44 = arith.cmpi eq, %arg1, %eq3A : i32
    %convert_element_type3A_45 = arith.extui %eq3A_44 : i1 to i32
    %cond3A_46 = arith.constant 0 : i32
    %cond3A_47 = arith.cmpi ne, %convert_element_type3A_45, %cond3A_46 : i32
    scf.if %cond3A_47 {
      %add3A_48 = arith.constant 512 : i32
      %add3A_49 = arith.addi %mul3A_25, %add3A_48 : i32
      %add3A_50 = arith.constant 512 : i32
      %add3A_51 = arith.addi %mul3A_25, %add3A_50 : i32
      "tpu.region"() ({
        %run_scoped3A = tpu.sem_alloc : memref<!tpu.dma_semaphore, #tpu.memory_space<semaphore_mem>>
        %dma_start3A = arith.constant 0 : i32
        %dma_start3A_52 = tpu.memref_slice %arg5[%arg0, %add3A_51, %dma_start3A] : memref<2x10000x128xf32, #tpu.memory_space<hbm>> -> memref<1x8x128xf32, #tpu.memory_space<hbm>>
        %dma_start3A_53 = tpu.memref_squeeze %dma_start3A_52 : memref<1x8x128xf32, #tpu.memory_space<hbm>> -> memref<8x128xf32, #tpu.memory_space<hbm>>
        %dma_start3A_54 = arith.constant 0 : i32
        %dma_start3A_55 = tpu.memref_slice %arg10[%add3A_49, %dma_start3A_54] : memref<10112x128xf32, #tpu.memory_space<vmem_shared>> -> memref<8x128xf32, #tpu.memory_space<vmem_shared>>
        tpu.enqueue_dma source(%dma_start3A_55 : memref<8x128xf32, #tpu.memory_space<vmem_shared>>) target(%dma_start3A_53 : memref<8x128xf32, #tpu.memory_space<hbm>>) target_semaphore(%run_scoped3A : memref<!tpu.dma_semaphore, #tpu.memory_space<semaphore_mem>>)
        %dma_wait3A = arith.constant 0 : i32
        %dma_wait3A_56 = tpu.memref_slice %arg5[%arg0, %add3A_51, %dma_wait3A] : memref<2x10000x128xf32, #tpu.memory_space<hbm>> -> memref<1x8x128xf32, #tpu.memory_space<hbm>>
        %dma_wait3A_57 = tpu.memref_squeeze %dma_wait3A_56 : memref<1x8x128xf32, #tpu.memory_space<hbm>> -> memref<8x128xf32, #tpu.memory_space<hbm>>
        %dma_wait3A_58 = arith.constant 0 : i32
        %dma_wait3A_59 = tpu.memref_slice %arg10[%add3A_49, %dma_wait3A_58] : memref<10112x128xf32, #tpu.memory_space<vmem_shared>> -> memref<8x128xf32, #tpu.memory_space<vmem_shared>>
        tpu.wait_dma2 semaphore(%run_scoped3A : memref<!tpu.dma_semaphore, #tpu.memory_space<semaphore_mem>>) src(%dma_wait3A_59 : memref<8x128xf32, #tpu.memory_space<vmem_shared>>) dst(%dma_wait3A_57 : memref<8x128xf32, #tpu.memory_space<hbm>>)
        tpu.yield
      }) : () -> ()
    } else {
    }
    return
  }
}

module attributes {stable_mosaic.version = 14 : i64} {
  func.func @_mlp_body(%arg0: i32, %arg1: memref<1xf32, #tpu.memory_space<smem>>, %arg2: memref<2000x128xf32, #tpu.memory_space<vmem>>, %arg3: memref<2x2000x128xf32, #tpu.memory_space<vmem>>, %arg4: memref<128x256xf32, #tpu.memory_space<vmem>>, %arg5: memref<1x256xf32, #tpu.memory_space<vmem>>, %arg6: memref<256x256xf32, #tpu.memory_space<vmem>>, %arg7: memref<1x256xf32, #tpu.memory_space<vmem>>, %arg8: memref<2000x256xf32, #tpu.memory_space<vmem>>, %arg9: memref<1x256xf32, #tpu.memory_space<vmem>>, %arg10: memref<1x256xf32, #tpu.memory_space<vmem>>) attributes {dimension_semantics = [#tpu.dimension_semantics<arbitrary>], iteration_bounds = array<i64: 5>, scalar_prefetch = 0 : i64, scratch_operands = 0 : i64, tpu.core_type = #tpu.core_type<tc>, window_params = [{transform_indices = @transform_0, window_bounds = array<i64: 1>}, {transform_indices = @transform_1, window_bounds = array<i64: 2000, 128>}, {transform_indices = @transform_2, window_bounds = array<i64: 2, 2000, 128>}, {pipeline_mode = #tpu.pipeline_mode<synchronous>, transform_indices = @transform_3, window_bounds = array<i64: 128, 256>}, {pipeline_mode = #tpu.pipeline_mode<synchronous>, transform_indices = @transform_4, window_bounds = array<i64: 1, 256>}, {pipeline_mode = #tpu.pipeline_mode<synchronous>, transform_indices = @transform_5, window_bounds = array<i64: 256, 256>}, {pipeline_mode = #tpu.pipeline_mode<synchronous>, transform_indices = @transform_6, window_bounds = array<i64: 1, 256>}, {transform_indices = @transform_7, window_bounds = array<i64: 2000, 256>}, {pipeline_mode = #tpu.pipeline_mode<synchronous>, transform_indices = @transform_8, window_bounds = array<i64: 1, 256>}, {pipeline_mode = #tpu.pipeline_mode<synchronous>, transform_indices = @transform_9, window_bounds = array<i64: 1, 256>}]} {
    %get3A = arith.constant 0 : index
    %get3A_0 = arith.constant 0 : index
    %get3A_1 = vector.load %arg2[%get3A, %get3A_0] : memref<2000x128xf32, #tpu.memory_space<vmem>>, vector<2000x128xf32>
    %get3A_2 = arith.constant 0 : index
    %get3A_3 = arith.constant 0 : index
    %get3A_4 = arith.constant 0 : index
    %get3A_5 = vector.load %arg3[%get3A_2, %get3A_3, %get3A_4] : memref<2x2000x128xf32, #tpu.memory_space<vmem>>, vector<1x2000x128xf32>
    %get3A_6 = vector.shape_cast %get3A_5 : vector<1x2000x128xf32> to vector<2000x128xf32>
    %get3A_7 = arith.constant 1 : index
    %get3A_8 = arith.constant 0 : index
    %get3A_9 = arith.constant 0 : index
    %get3A_10 = vector.load %arg3[%get3A_7, %get3A_8, %get3A_9] : memref<2x2000x128xf32, #tpu.memory_space<vmem>>, vector<1x2000x128xf32>
    %get3A_11 = vector.shape_cast %get3A_10 : vector<1x2000x128xf32> to vector<2000x128xf32>
    %add3A = arith.addf %get3A_6, %get3A_11 : vector<2000x128xf32>
    %get3A_12 = arith.constant 0 : index
    %get3A_13 = memref.load %arg1[%get3A_12] : memref<1xf32, #tpu.memory_space<smem>>
    %add3A_14 = arith.constant 1.000000e+00 : f32
    %add3A_15 = arith.addf %add3A_14, %get3A_13 : f32
    %mul3A = vector.broadcast %add3A_15 : f32 to vector<2000x128xf32>
    %mul3A_16 = arith.mulf %mul3A, %get3A_1 : vector<2000x128xf32>
    %add3A_17 = arith.addf %mul3A_16, %add3A : vector<2000x128xf32>
    %get3A_18 = arith.constant 0 : index
    %get3A_19 = arith.constant 0 : index
    %get3A_20 = vector.load %arg4[%get3A_18, %get3A_19] : memref<128x256xf32, #tpu.memory_space<vmem>>, vector<128x256xf32>
    %dot_general3A = arith.constant dense<0.000000e+00> : vector<2000x256xf32>
    %dot_general3A_21 = tpu.matmul %add3A_17, %get3A_20, %dot_general3A {dimension_numbers = #tpu.dot_dimension_numbers<[1], [0], [0], [1], [0, 0, 1, 1], [], []>, transpose_lhs_hint = false} : vector<2000x128xf32>, vector<128x256xf32>, vector<2000x256xf32> -> vector<2000x256xf32>
    %get3A_22 = arith.constant 0 : index
    %get3A_23 = arith.constant 0 : index
    %get3A_24 = vector.load %arg5[%get3A_22, %get3A_23] : memref<1x256xf32, #tpu.memory_space<vmem>>, vector<1x256xf32>
    %add3A_25 = vector.broadcast %get3A_24 : vector<1x256xf32> to vector<2000x256xf32>
    %add3A_26 = arith.addf %dot_general3A_21, %add3A_25 : vector<2000x256xf32>
    %max3A = arith.constant 0.000000e+00 : f32
    %max3A_27 = vector.broadcast %max3A : f32 to vector<2000x256xf32>
    %max3A_28 = arith.maximumf %add3A_26, %max3A_27 : vector<2000x256xf32>
    %get3A_29 = arith.constant 0 : index
    %get3A_30 = arith.constant 0 : index
    %get3A_31 = vector.load %arg6[%get3A_29, %get3A_30] : memref<256x256xf32, #tpu.memory_space<vmem>>, vector<256x256xf32>
    %dot_general3A_32 = arith.constant dense<0.000000e+00> : vector<2000x256xf32>
    %dot_general3A_33 = tpu.matmul %max3A_28, %get3A_31, %dot_general3A_32 {dimension_numbers = #tpu.dot_dimension_numbers<[1], [0], [0], [1], [0, 0, 1, 1], [], []>, transpose_lhs_hint = false} : vector<2000x256xf32>, vector<256x256xf32>, vector<2000x256xf32> -> vector<2000x256xf32>
    %get3A_34 = arith.constant 0 : index
    %get3A_35 = arith.constant 0 : index
    %get3A_36 = vector.load %arg7[%get3A_34, %get3A_35] : memref<1x256xf32, #tpu.memory_space<vmem>>, vector<1x256xf32>
    %add3A_37 = vector.broadcast %get3A_36 : vector<1x256xf32> to vector<2000x256xf32>
    %add3A_38 = arith.addf %dot_general3A_33, %add3A_37 : vector<2000x256xf32>
    %max3A_39 = arith.constant 0.000000e+00 : f32
    %max3A_40 = vector.broadcast %max3A_39 : f32 to vector<2000x256xf32>
    %max3A_41 = arith.maximumf %add3A_38, %max3A_40 : vector<2000x256xf32>
    %swap3A = arith.constant 0 : index
    %swap3A_42 = arith.constant 0 : index
    %swap3A_43 = vector.load %arg8[%swap3A, %swap3A_42] : memref<2000x256xf32, #tpu.memory_space<vmem>>, vector<2000x256xf32>
    tpu.vector_store %arg8[%swap3A, %swap3A_42], %max3A_41 {strides = array<i32>} : memref<2000x256xf32, #tpu.memory_space<vmem>>, vector<2000x256xf32>,
    %reduce_sum3A = arith.constant dense<0.000000e+00> : vector<256xf32>
    %reduce_sum3A_44 = vector.multi_reduction <add>, %max3A_41, %reduce_sum3A [0] : vector<2000x256xf32> to vector<256xf32>
    %broadcast_in_dim3A = vector.shape_cast %reduce_sum3A_44 : vector<256xf32> to vector<1x256xf32>
    %mul3A_45 = arith.mulf %max3A_41, %max3A_41 : vector<2000x256xf32>
    %reduce_sum3A_46 = arith.constant dense<0.000000e+00> : vector<256xf32>
    %reduce_sum3A_47 = vector.multi_reduction <add>, %mul3A_45, %reduce_sum3A_46 [0] : vector<2000x256xf32> to vector<256xf32>
    %broadcast_in_dim3A_48 = vector.shape_cast %reduce_sum3A_47 : vector<256xf32> to vector<1x256xf32>
    %eq3A = arith.constant 0 : i32
    %eq3A_49 = arith.cmpi eq, %arg0, %eq3A : i32
    %convert_element_type3A = arith.extui %eq3A_49 : i1 to i32
    %cond3A = arith.constant 0 : i32
    %cond3A_50 = arith.cmpi ne, %convert_element_type3A, %cond3A : i32
    scf.if %cond3A_50 {
      %swap3A_55 = arith.constant 0 : index
      %swap3A_56 = arith.constant 0 : index
      %swap3A_57 = vector.load %arg9[%swap3A_55, %swap3A_56] : memref<1x256xf32, #tpu.memory_space<vmem>>, vector<1x256xf32>
      tpu.vector_store %arg9[%swap3A_55, %swap3A_56], %broadcast_in_dim3A {strides = array<i32>} : memref<1x256xf32, #tpu.memory_space<vmem>>, vector<1x256xf32>,
      %swap3A_58 = arith.constant 0 : index
      %swap3A_59 = arith.constant 0 : index
      %swap3A_60 = vector.load %arg10[%swap3A_58, %swap3A_59] : memref<1x256xf32, #tpu.memory_space<vmem>>, vector<1x256xf32>
      tpu.vector_store %arg10[%swap3A_58, %swap3A_59], %broadcast_in_dim3A_48 {strides = array<i32>} : memref<1x256xf32, #tpu.memory_space<vmem>>, vector<1x256xf32>,
    } else {
    }
    %gt3A = arith.constant 0 : i32
    %gt3A_51 = arith.cmpi sgt, %arg0, %gt3A : i32
    %convert_element_type3A_52 = arith.extui %gt3A_51 : i1 to i32
    %cond3A_53 = arith.constant 0 : i32
    %cond3A_54 = arith.cmpi ne, %convert_element_type3A_52, %cond3A_53 : i32
    scf.if %cond3A_54 {
      %get3A_55 = arith.constant 0 : index
      %get3A_56 = arith.constant 0 : index
      %get3A_57 = vector.load %arg9[%get3A_55, %get3A_56] : memref<1x256xf32, #tpu.memory_space<vmem>>, vector<1x256xf32>
      %add3A_58 = arith.addf %get3A_57, %broadcast_in_dim3A : vector<1x256xf32>
      %swap3A_59 = arith.constant 0 : index
      %swap3A_60 = arith.constant 0 : index
      %swap3A_61 = vector.load %arg9[%swap3A_59, %swap3A_60] : memref<1x256xf32, #tpu.memory_space<vmem>>, vector<1x256xf32>
      tpu.vector_store %arg9[%swap3A_59, %swap3A_60], %add3A_58 {strides = array<i32>} : memref<1x256xf32, #tpu.memory_space<vmem>>, vector<1x256xf32>,
      %get3A_62 = arith.constant 0 : index
      %get3A_63 = arith.constant 0 : index
      %get3A_64 = vector.load %arg10[%get3A_62, %get3A_63] : memref<1x256xf32, #tpu.memory_space<vmem>>, vector<1x256xf32>
      %add3A_65 = arith.addf %get3A_64, %broadcast_in_dim3A_48 : vector<1x256xf32>
      %swap3A_66 = arith.constant 0 : index
      %swap3A_67 = arith.constant 0 : index
      %swap3A_68 = vector.load %arg10[%swap3A_66, %swap3A_67] : memref<1x256xf32, #tpu.memory_space<vmem>>, vector<1x256xf32>
      tpu.vector_store %arg10[%swap3A_66, %swap3A_67], %add3A_65 {strides = array<i32>} : memref<1x256xf32, #tpu.memory_space<vmem>>, vector<1x256xf32>,
    } else {
    }
    return
  }
  func.func @transform_0(%arg0: i32) -> i32 {
    %c0_i32 = arith.constant 0 : i32
    %c0_i32_0 = arith.constant 0 : i32
    return %c0_i32 : i32
  }
  func.func @transform_1(%arg0: i32) -> (i32, i32) {
    %c0_i32 = arith.constant 0 : i32
    %c0_i32_0 = arith.constant 0 : i32
    return %arg0, %c0_i32 : i32, i32
  }
  func.func @transform_2(%arg0: i32) -> (i32, i32, i32) {
    %c0_i32 = arith.constant 0 : i32
    %c0_i32_0 = arith.constant 0 : i32
    %c0_i32_1 = arith.constant 0 : i32
    return %c0_i32, %arg0, %c0_i32_0 : i32, i32, i32
  }
  func.func @transform_3(%arg0: i32) -> (i32, i32) {
    %c0_i32 = arith.constant 0 : i32
    %c0_i32_0 = arith.constant 0 : i32
    %c0_i32_1 = arith.constant 0 : i32
    return %c0_i32, %c0_i32_0 : i32, i32
  }
  func.func @transform_4(%arg0: i32) -> (i32, i32) {
    %c0_i32 = arith.constant 0 : i32
    %c0_i32_0 = arith.constant 0 : i32
    %c0_i32_1 = arith.constant 0 : i32
    return %c0_i32, %c0_i32_0 : i32, i32
  }
  func.func @transform_5(%arg0: i32) -> (i32, i32) {
    %c0_i32 = arith.constant 0 : i32
    %c0_i32_0 = arith.constant 0 : i32
    %c0_i32_1 = arith.constant 0 : i32
    return %c0_i32, %c0_i32_0 : i32, i32
  }
  func.func @transform_6(%arg0: i32) -> (i32, i32) {
    %c0_i32 = arith.constant 0 : i32
    %c0_i32_0 = arith.constant 0 : i32
    %c0_i32_1 = arith.constant 0 : i32
    return %c0_i32, %c0_i32_0 : i32, i32
  }
  func.func @transform_7(%arg0: i32) -> (i32, i32) {
    %c0_i32 = arith.constant 0 : i32
    %c0_i32_0 = arith.constant 0 : i32
    return %arg0, %c0_i32 : i32, i32
  }
  func.func @transform_8(%arg0: i32) -> (i32, i32) {
    %c0_i32 = arith.constant 0 : i32
    %c0_i32_0 = arith.constant 0 : i32
    %c0_i32_1 = arith.constant 0 : i32
    return %c0_i32, %c0_i32_0 : i32, i32
  }
  func.func @transform_9(%arg0: i32) -> (i32, i32) {
    %c0_i32 = arith.constant 0 : i32
    %c0_i32_0 = arith.constant 0 : i32
    %c0_i32_1 = arith.constant 0 : i32
    return %c0_i32, %c0_i32_0 : i32, i32
  }
}

module attributes {stable_mosaic.version = 14 : i64} {
  func.func @_bn_split_body(%arg0: i32, %arg1: memref<2000x256xf32, #tpu.memory_space<vmem>>, %arg2: memref<1x256xf32, #tpu.memory_space<vmem>>, %arg3: memref<1x256xf32, #tpu.memory_space<vmem>>, %arg4: memref<1x256xf32, #tpu.memory_space<vmem>>, %arg5: memref<1x256xf32, #tpu.memory_space<vmem>>, %arg6: memref<2x2000x128xf32, #tpu.memory_space<vmem>>) attributes {dimension_semantics = [#tpu.dimension_semantics<arbitrary>], iteration_bounds = array<i64: 5>, scalar_prefetch = 0 : i64, scratch_operands = 0 : i64, tpu.core_type = #tpu.core_type<tc>, window_params = [{transform_indices = @transform_0, window_bounds = array<i64: 2000, 256>}, {pipeline_mode = #tpu.pipeline_mode<synchronous>, transform_indices = @transform_1, window_bounds = array<i64: 1, 256>}, {pipeline_mode = #tpu.pipeline_mode<synchronous>, transform_indices = @transform_2, window_bounds = array<i64: 1, 256>}, {pipeline_mode = #tpu.pipeline_mode<synchronous>, transform_indices = @transform_3, window_bounds = array<i64: 1, 256>}, {pipeline_mode = #tpu.pipeline_mode<synchronous>, transform_indices = @transform_4, window_bounds = array<i64: 1, 256>}, {transform_indices = @transform_5, window_bounds = array<i64: 2, 2000, 128>}]} {
    %get3A = arith.constant 0 : index
    %get3A_0 = arith.constant 0 : index
    %get3A_1 = vector.load %arg2[%get3A, %get3A_0] : memref<1x256xf32, #tpu.memory_space<vmem>>, vector<1x256xf32>
    %mul3A = arith.constant 9.99999974E-5 : f32
    %mul3A_2 = vector.broadcast %mul3A : f32 to vector<1x256xf32>
    %mul3A_3 = arith.mulf %get3A_1, %mul3A_2 : vector<1x256xf32>
    %get3A_4 = arith.constant 0 : index
    %get3A_5 = arith.constant 0 : index
    %get3A_6 = vector.load %arg3[%get3A_4, %get3A_5] : memref<1x256xf32, #tpu.memory_space<vmem>>, vector<1x256xf32>
    %mul3A_7 = arith.constant 9.99999974E-5 : f32
    %mul3A_8 = vector.broadcast %mul3A_7 : f32 to vector<1x256xf32>
    %mul3A_9 = arith.mulf %get3A_6, %mul3A_8 : vector<1x256xf32>
    %mul3A_10 = arith.mulf %mul3A_3, %mul3A_3 : vector<1x256xf32>
    %sub3A = arith.subf %mul3A_9, %mul3A_10 : vector<1x256xf32>
    %get3A_11 = arith.constant 0 : index
    %get3A_12 = arith.constant 0 : index
    %get3A_13 = vector.load %arg4[%get3A_11, %get3A_12] : memref<1x256xf32, #tpu.memory_space<vmem>>, vector<1x256xf32>
    %add3A = arith.constant 9.99999974E-6 : f32
    %add3A_14 = vector.broadcast %add3A : f32 to vector<1x256xf32>
    %add3A_15 = arith.addf %sub3A, %add3A_14 : vector<1x256xf32>
    %sqrt3A = math.sqrt %add3A_15 : vector<1x256xf32>
    %div3A = arith.divf %get3A_13, %sqrt3A : vector<1x256xf32>
    %get3A_16 = arith.constant 0 : index
    %get3A_17 = arith.constant 0 : index
    %get3A_18 = vector.load %arg1[%get3A_16, %get3A_17] : memref<2000x256xf32, #tpu.memory_space<vmem>>, vector<2000x256xf32>
    %sub3A_19 = vector.broadcast %mul3A_3 : vector<1x256xf32> to vector<2000x256xf32>
    %sub3A_20 = arith.subf %get3A_18, %sub3A_19 : vector<2000x256xf32>
    %mul3A_21 = vector.broadcast %div3A : vector<1x256xf32> to vector<2000x256xf32>
    %mul3A_22 = arith.mulf %sub3A_20, %mul3A_21 : vector<2000x256xf32>
    %get3A_23 = arith.constant 0 : index
    %get3A_24 = arith.constant 0 : index
    %get3A_25 = vector.load %arg5[%get3A_23, %get3A_24] : memref<1x256xf32, #tpu.memory_space<vmem>>, vector<1x256xf32>
    %add3A_26 = vector.broadcast %get3A_25 : vector<1x256xf32> to vector<2000x256xf32>
    %add3A_27 = arith.addf %mul3A_22, %add3A_26 : vector<2000x256xf32>
    %slice3A = vector.extract_strided_slice %add3A_27 {offsets = [0, 0], sizes = [2000, 128], strides = [1, 1]} : vector<2000x256xf32> to vector<2000x128xf32>
    %swap3A = arith.constant 0 : index
    %swap3A_28 = arith.constant 0 : index
    %swap3A_29 = arith.constant 0 : index
    %swap3A_30 = vector.load %arg6[%swap3A, %swap3A_28, %swap3A_29] : memref<2x2000x128xf32, #tpu.memory_space<vmem>>, vector<1x2000x128xf32>
    %swap3A_31 = vector.shape_cast %swap3A_30 : vector<1x2000x128xf32> to vector<2000x128xf32>
    %swap3A_32 = vector.shape_cast %slice3A : vector<2000x128xf32> to vector<1x2000x128xf32>
    tpu.vector_store %arg6[%swap3A, %swap3A_28, %swap3A_29], %swap3A_32 {strides = array<i32>} : memref<2x2000x128xf32, #tpu.memory_space<vmem>>, vector<1x2000x128xf32>,
    %slice3A_33 = vector.extract_strided_slice %add3A_27 {offsets = [0, 128], sizes = [2000, 128], strides = [1, 1]} : vector<2000x256xf32> to vector<2000x128xf32>
    %swap3A_34 = arith.constant 1 : index
    %swap3A_35 = arith.constant 0 : index
    %swap3A_36 = arith.constant 0 : index
    %swap3A_37 = vector.load %arg6[%swap3A_34, %swap3A_35, %swap3A_36] : memref<2x2000x128xf32, #tpu.memory_space<vmem>>, vector<1x2000x128xf32>
    %swap3A_38 = vector.shape_cast %swap3A_37 : vector<1x2000x128xf32> to vector<2000x128xf32>
    %swap3A_39 = vector.shape_cast %slice3A_33 : vector<2000x128xf32> to vector<1x2000x128xf32>
    tpu.vector_store %arg6[%swap3A_34, %swap3A_35, %swap3A_36], %swap3A_39 {strides = array<i32>} : memref<2x2000x128xf32, #tpu.memory_space<vmem>>, vector<1x2000x128xf32>,
    return
  }
  func.func @transform_0(%arg0: i32) -> (i32, i32) {
    %c0_i32 = arith.constant 0 : i32
    %c0_i32_0 = arith.constant 0 : i32
    return %arg0, %c0_i32 : i32, i32
  }
  func.func @transform_1(%arg0: i32) -> (i32, i32) {
    %c0_i32 = arith.constant 0 : i32
    %c0_i32_0 = arith.constant 0 : i32
    %c0_i32_1 = arith.constant 0 : i32
    return %c0_i32, %c0_i32_0 : i32, i32
  }
  func.func @transform_2(%arg0: i32) -> (i32, i32) {
    %c0_i32 = arith.constant 0 : i32
    %c0_i32_0 = arith.constant 0 : i32
    %c0_i32_1 = arith.constant 0 : i32
    return %c0_i32, %c0_i32_0 : i32, i32
  }
  func.func @transform_3(%arg0: i32) -> (i32, i32) {
    %c0_i32 = arith.constant 0 : i32
    %c0_i32_0 = arith.constant 0 : i32
    %c0_i32_1 = arith.constant 0 : i32
    return %c0_i32, %c0_i32_0 : i32, i32
  }
  func.func @transform_4(%arg0: i32) -> (i32, i32) {
    %c0_i32 = arith.constant 0 : i32
    %c0_i32_0 = arith.constant 0 : i32
    %c0_i32_1 = arith.constant 0 : i32
    return %c0_i32, %c0_i32_0 : i32, i32
  }
  func.func @transform_5(%arg0: i32) -> (i32, i32, i32) {
    %c0_i32 = arith.constant 0 : i32
    %c0_i32_0 = arith.constant 0 : i32
    %c0_i32_1 = arith.constant 0 : i32
    return %c0_i32, %arg0, %c0_i32_0 : i32, i32, i32
  }
}

module attributes {stable_mosaic.version = 14 : i64} {
  func.func @_mlp_body(%arg0: i32, %arg1: memref<1xf32, #tpu.memory_space<smem>>, %arg2: memref<2x2000x128xf32, #tpu.memory_space<vmem>>, %arg3: memref<2x2000x128xf32, #tpu.memory_space<vmem>>, %arg4: memref<256x256xf32, #tpu.memory_space<vmem>>, %arg5: memref<1x256xf32, #tpu.memory_space<vmem>>, %arg6: memref<256x256xf32, #tpu.memory_space<vmem>>, %arg7: memref<1x256xf32, #tpu.memory_space<vmem>>, %arg8: memref<2000x256xf32, #tpu.memory_space<vmem>>, %arg9: memref<1x256xf32, #tpu.memory_space<vmem>>, %arg10: memref<1x256xf32, #tpu.memory_space<vmem>>) attributes {dimension_semantics = [#tpu.dimension_semantics<arbitrary>], iteration_bounds = array<i64: 5>, scalar_prefetch = 0 : i64, scratch_operands = 0 : i64, tpu.core_type = #tpu.core_type<tc>, window_params = [{transform_indices = @transform_0, window_bounds = array<i64: 1>}, {transform_indices = @transform_1, window_bounds = array<i64: 2, 2000, 128>}, {transform_indices = @transform_2, window_bounds = array<i64: 2, 2000, 128>}, {pipeline_mode = #tpu.pipeline_mode<synchronous>, transform_indices = @transform_3, window_bounds = array<i64: 256, 256>}, {pipeline_mode = #tpu.pipeline_mode<synchronous>, transform_indices = @transform_4, window_bounds = array<i64: 1, 256>}, {pipeline_mode = #tpu.pipeline_mode<synchronous>, transform_indices = @transform_5, window_bounds = array<i64: 256, 256>}, {pipeline_mode = #tpu.pipeline_mode<synchronous>, transform_indices = @transform_6, window_bounds = array<i64: 1, 256>}, {transform_indices = @transform_7, window_bounds = array<i64: 2000, 256>}, {pipeline_mode = #tpu.pipeline_mode<synchronous>, transform_indices = @transform_8, window_bounds = array<i64: 1, 256>}, {pipeline_mode = #tpu.pipeline_mode<synchronous>, transform_indices = @transform_9, window_bounds = array<i64: 1, 256>}]} {
    %get3A = arith.constant 0 : index
    %get3A_0 = arith.constant 0 : index
    %get3A_1 = arith.constant 0 : index
    %get3A_2 = vector.load %arg2[%get3A, %get3A_0, %get3A_1] : memref<2x2000x128xf32, #tpu.memory_space<vmem>>, vector<1x2000x128xf32>
    %get3A_3 = vector.shape_cast %get3A_2 : vector<1x2000x128xf32> to vector<2000x128xf32>
    %get3A_4 = arith.constant 1 : index
    %get3A_5 = arith.constant 0 : index
    %get3A_6 = arith.constant 0 : index
    %get3A_7 = vector.load %arg2[%get3A_4, %get3A_5, %get3A_6] : memref<2x2000x128xf32, #tpu.memory_space<vmem>>, vector<1x2000x128xf32>
    %get3A_8 = vector.shape_cast %get3A_7 : vector<1x2000x128xf32> to vector<2000x128xf32>
    %concatenate3A = tpu.concatenate %get3A_3, %get3A_8 in 1 : vector<2000x128xf32>, vector<2000x128xf32> -> vector<2000x256xf32>
    %get3A_9 = arith.constant 0 : index
    %get3A_10 = arith.constant 0 : index
    %get3A_11 = arith.constant 0 : index
    %get3A_12 = vector.load %arg3[%get3A_9, %get3A_10, %get3A_11] : memref<2x2000x128xf32, #tpu.memory_space<vmem>>, vector<1x2000x128xf32>
    %get3A_13 = vector.shape_cast %get3A_12 : vector<1x2000x128xf32> to vector<2000x128xf32>
    %get3A_14 = arith.constant 1 : index
    %get3A_15 = arith.constant 0 : index
    %get3A_16 = arith.constant 0 : index
    %get3A_17 = vector.load %arg3[%get3A_14, %get3A_15, %get3A_16] : memref<2x2000x128xf32, #tpu.memory_space<vmem>>, vector<1x2000x128xf32>
    %get3A_18 = vector.shape_cast %get3A_17 : vector<1x2000x128xf32> to vector<2000x128xf32>
    %concatenate3A_19 = tpu.concatenate %get3A_13, %get3A_18 in 1 : vector<2000x128xf32>, vector<2000x128xf32> -> vector<2000x256xf32>
    %get3A_20 = arith.constant 0 : index
    %get3A_21 = memref.load %arg1[%get3A_20] : memref<1xf32, #tpu.memory_space<smem>>
    %add3A = arith.constant 1.000000e+00 : f32
    %add3A_22 = arith.addf %add3A, %get3A_21 : f32
    %mul3A = vector.broadcast %add3A_22 : f32 to vector<2000x256xf32>
    %mul3A_23 = arith.mulf %mul3A, %concatenate3A : vector<2000x256xf32>
    %add3A_24 = arith.addf %mul3A_23, %concatenate3A_19 : vector<2000x256xf32>
    %get3A_25 = arith.constant 0 : index
    %get3A_26 = arith.constant 0 : index
    %get3A_27 = vector.load %arg4[%get3A_25, %get3A_26] : memref<256x256xf32, #tpu.memory_space<vmem>>, vector<256x256xf32>
    %dot_general3A = arith.constant dense<0.000000e+00> : vector<2000x256xf32>
    %dot_general3A_28 = tpu.matmul %add3A_24, %get3A_27, %dot_general3A {dimension_numbers = #tpu.dot_dimension_numbers<[1], [0], [0], [1], [0, 0, 1, 1], [], []>, transpose_lhs_hint = false} : vector<2000x256xf32>, vector<256x256xf32>, vector<2000x256xf32> -> vector<2000x256xf32>
    %get3A_29 = arith.constant 0 : index
    %get3A_30 = arith.constant 0 : index
    %get3A_31 = vector.load %arg5[%get3A_29, %get3A_30] : memref<1x256xf32, #tpu.memory_space<vmem>>, vector<1x256xf32>
    %add3A_32 = vector.broadcast %get3A_31 : vector<1x256xf32> to vector<2000x256xf32>
    %add3A_33 = arith.addf %dot_general3A_28, %add3A_32 : vector<2000x256xf32>
    %max3A = arith.constant 0.000000e+00 : f32
    %max3A_34 = vector.broadcast %max3A : f32 to vector<2000x256xf32>
    %max3A_35 = arith.maximumf %add3A_33, %max3A_34 : vector<2000x256xf32>
    %get3A_36 = arith.constant 0 : index
    %get3A_37 = arith.constant 0 : index
    %get3A_38 = vector.load %arg6[%get3A_36, %get3A_37] : memref<256x256xf32, #tpu.memory_space<vmem>>, vector<256x256xf32>
    %dot_general3A_39 = arith.constant dense<0.000000e+00> : vector<2000x256xf32>
    %dot_general3A_40 = tpu.matmul %max3A_35, %get3A_38, %dot_general3A_39 {dimension_numbers = #tpu.dot_dimension_numbers<[1], [0], [0], [1], [0, 0, 1, 1], [], []>, transpose_lhs_hint = false} : vector<2000x256xf32>, vector<256x256xf32>, vector<2000x256xf32> -> vector<2000x256xf32>
    %get3A_41 = arith.constant 0 : index
    %get3A_42 = arith.constant 0 : index
    %get3A_43 = vector.load %arg7[%get3A_41, %get3A_42] : memref<1x256xf32, #tpu.memory_space<vmem>>, vector<1x256xf32>
    %add3A_44 = vector.broadcast %get3A_43 : vector<1x256xf32> to vector<2000x256xf32>
    %add3A_45 = arith.addf %dot_general3A_40, %add3A_44 : vector<2000x256xf32>
    %max3A_46 = arith.constant 0.000000e+00 : f32
    %max3A_47 = vector.broadcast %max3A_46 : f32 to vector<2000x256xf32>
    %max3A_48 = arith.maximumf %add3A_45, %max3A_47 : vector<2000x256xf32>
    %swap3A = arith.constant 0 : index
    %swap3A_49 = arith.constant 0 : index
    %swap3A_50 = vector.load %arg8[%swap3A, %swap3A_49] : memref<2000x256xf32, #tpu.memory_space<vmem>>, vector<2000x256xf32>
    tpu.vector_store %arg8[%swap3A, %swap3A_49], %max3A_48 {strides = array<i32>} : memref<2000x256xf32, #tpu.memory_space<vmem>>, vector<2000x256xf32>,
    %reduce_sum3A = arith.constant dense<0.000000e+00> : vector<256xf32>
    %reduce_sum3A_51 = vector.multi_reduction <add>, %max3A_48, %reduce_sum3A [0] : vector<2000x256xf32> to vector<256xf32>
    %broadcast_in_dim3A = vector.shape_cast %reduce_sum3A_51 : vector<256xf32> to vector<1x256xf32>
    %mul3A_52 = arith.mulf %max3A_48, %max3A_48 : vector<2000x256xf32>
    %reduce_sum3A_53 = arith.constant dense<0.000000e+00> : vector<256xf32>
    %reduce_sum3A_54 = vector.multi_reduction <add>, %mul3A_52, %reduce_sum3A_53 [0] : vector<2000x256xf32> to vector<256xf32>
    %broadcast_in_dim3A_55 = vector.shape_cast %reduce_sum3A_54 : vector<256xf32> to vector<1x256xf32>
    %eq3A = arith.constant 0 : i32
    %eq3A_56 = arith.cmpi eq, %arg0, %eq3A : i32
    %convert_element_type3A = arith.extui %eq3A_56 : i1 to i32
    %cond3A = arith.constant 0 : i32
    %cond3A_57 = arith.cmpi ne, %convert_element_type3A, %cond3A : i32
    scf.if %cond3A_57 {
      %swap3A_62 = arith.constant 0 : index
      %swap3A_63 = arith.constant 0 : index
      %swap3A_64 = vector.load %arg9[%swap3A_62, %swap3A_63] : memref<1x256xf32, #tpu.memory_space<vmem>>, vector<1x256xf32>
      tpu.vector_store %arg9[%swap3A_62, %swap3A_63], %broadcast_in_dim3A {strides = array<i32>} : memref<1x256xf32, #tpu.memory_space<vmem>>, vector<1x256xf32>,
      %swap3A_65 = arith.constant 0 : index
      %swap3A_66 = arith.constant 0 : index
      %swap3A_67 = vector.load %arg10[%swap3A_65, %swap3A_66] : memref<1x256xf32, #tpu.memory_space<vmem>>, vector<1x256xf32>
      tpu.vector_store %arg10[%swap3A_65, %swap3A_66], %broadcast_in_dim3A_55 {strides = array<i32>} : memref<1x256xf32, #tpu.memory_space<vmem>>, vector<1x256xf32>,
    } else {
    }
    %gt3A = arith.constant 0 : i32
    %gt3A_58 = arith.cmpi sgt, %arg0, %gt3A : i32
    %convert_element_type3A_59 = arith.extui %gt3A_58 : i1 to i32
    %cond3A_60 = arith.constant 0 : i32
    %cond3A_61 = arith.cmpi ne, %convert_element_type3A_59, %cond3A_60 : i32
    scf.if %cond3A_61 {
      %get3A_62 = arith.constant 0 : index
      %get3A_63 = arith.constant 0 : index
      %get3A_64 = vector.load %arg9[%get3A_62, %get3A_63] : memref<1x256xf32, #tpu.memory_space<vmem>>, vector<1x256xf32>
      %add3A_65 = arith.addf %get3A_64, %broadcast_in_dim3A : vector<1x256xf32>
      %swap3A_66 = arith.constant 0 : index
      %swap3A_67 = arith.constant 0 : index
      %swap3A_68 = vector.load %arg9[%swap3A_66, %swap3A_67] : memref<1x256xf32, #tpu.memory_space<vmem>>, vector<1x256xf32>
      tpu.vector_store %arg9[%swap3A_66, %swap3A_67], %add3A_65 {strides = array<i32>} : memref<1x256xf32, #tpu.memory_space<vmem>>, vector<1x256xf32>,
      %get3A_69 = arith.constant 0 : index
      %get3A_70 = arith.constant 0 : index
      %get3A_71 = vector.load %arg10[%get3A_69, %get3A_70] : memref<1x256xf32, #tpu.memory_space<vmem>>, vector<1x256xf32>
      %add3A_72 = arith.addf %get3A_71, %broadcast_in_dim3A_55 : vector<1x256xf32>
      %swap3A_73 = arith.constant 0 : index
      %swap3A_74 = arith.constant 0 : index
      %swap3A_75 = vector.load %arg10[%swap3A_73, %swap3A_74] : memref<1x256xf32, #tpu.memory_space<vmem>>, vector<1x256xf32>
      tpu.vector_store %arg10[%swap3A_73, %swap3A_74], %add3A_72 {strides = array<i32>} : memref<1x256xf32, #tpu.memory_space<vmem>>, vector<1x256xf32>,
    } else {
    }
    return
  }
  func.func @transform_0(%arg0: i32) -> i32 {
    %c0_i32 = arith.constant 0 : i32
    %c0_i32_0 = arith.constant 0 : i32
    return %c0_i32 : i32
  }
  func.func @transform_1(%arg0: i32) -> (i32, i32, i32) {
    %c0_i32 = arith.constant 0 : i32
    %c0_i32_0 = arith.constant 0 : i32
    %c0_i32_1 = arith.constant 0 : i32
    return %c0_i32, %arg0, %c0_i32_0 : i32, i32, i32
  }
  func.func @transform_2(%arg0: i32) -> (i32, i32, i32) {
    %c0_i32 = arith.constant 0 : i32
    %c0_i32_0 = arith.constant 0 : i32
    %c0_i32_1 = arith.constant 0 : i32
    return %c0_i32, %arg0, %c0_i32_0 : i32, i32, i32
  }
  func.func @transform_3(%arg0: i32) -> (i32, i32) {
    %c0_i32 = arith.constant 0 : i32
    %c0_i32_0 = arith.constant 0 : i32
    %c0_i32_1 = arith.constant 0 : i32
    return %c0_i32, %c0_i32_0 : i32, i32
  }
  func.func @transform_4(%arg0: i32) -> (i32, i32) {
    %c0_i32 = arith.constant 0 : i32
    %c0_i32_0 = arith.constant 0 : i32
    %c0_i32_1 = arith.constant 0 : i32
    return %c0_i32, %c0_i32_0 : i32, i32
  }
  func.func @transform_5(%arg0: i32) -> (i32, i32) {
    %c0_i32 = arith.constant 0 : i32
    %c0_i32_0 = arith.constant 0 : i32
    %c0_i32_1 = arith.constant 0 : i32
    return %c0_i32, %c0_i32_0 : i32, i32
  }
  func.func @transform_6(%arg0: i32) -> (i32, i32) {
    %c0_i32 = arith.constant 0 : i32
    %c0_i32_0 = arith.constant 0 : i32
    %c0_i32_1 = arith.constant 0 : i32
    return %c0_i32, %c0_i32_0 : i32, i32
  }
  func.func @transform_7(%arg0: i32) -> (i32, i32) {
    %c0_i32 = arith.constant 0 : i32
    %c0_i32_0 = arith.constant 0 : i32
    return %arg0, %c0_i32 : i32, i32
  }
  func.func @transform_8(%arg0: i32) -> (i32, i32) {
    %c0_i32 = arith.constant 0 : i32
    %c0_i32_0 = arith.constant 0 : i32
    %c0_i32_1 = arith.constant 0 : i32
    return %c0_i32, %c0_i32_0 : i32, i32
  }
  func.func @transform_9(%arg0: i32) -> (i32, i32) {
    %c0_i32 = arith.constant 0 : i32
    %c0_i32_0 = arith.constant 0 : i32
    %c0_i32_1 = arith.constant 0 : i32
    return %c0_i32, %c0_i32_0 : i32, i32
  }
}

module attributes {stable_mosaic.version = 14 : i64} {
  func.func @_pool_body(%arg0: i32, %arg1: memref<2000x256xf32, #tpu.memory_space<vmem>>, %arg2: memref<1x256xf32, #tpu.memory_space<vmem>>, %arg3: memref<1x256xf32, #tpu.memory_space<vmem>>, %arg4: memref<1x256xf32, #tpu.memory_space<vmem>>, %arg5: memref<1x256xf32, #tpu.memory_space<vmem>>, %arg6: memref<1x2000x1xi32, #tpu.memory_space<vmem>>, %arg7: memref<256x256xf32, #tpu.memory_space<vmem>>, %arg8: memref<1x256xf32, #tpu.memory_space<vmem>>, %arg9: memref<256x10xf32, #tpu.memory_space<vmem>>, %arg10: memref<1x10xf32, #tpu.memory_space<vmem>>, %arg11: memref<64x10xf32, #tpu.memory_space<vmem>>, %arg12: memref<64x256xf32, #tpu.memory_space<vmem>>, %arg13: memref<64x256xf32, #tpu.memory_space<vmem>>) attributes {dimension_semantics = [#tpu.dimension_semantics<arbitrary>], iteration_bounds = array<i64: 5>, scalar_prefetch = 0 : i64, scratch_operands = 2 : i64, tpu.core_type = #tpu.core_type<tc>, window_params = [{transform_indices = @transform_0, window_bounds = array<i64: 2000, 256>}, {pipeline_mode = #tpu.pipeline_mode<synchronous>, transform_indices = @transform_1, window_bounds = array<i64: 1, 256>}, {pipeline_mode = #tpu.pipeline_mode<synchronous>, transform_indices = @transform_2, window_bounds = array<i64: 1, 256>}, {pipeline_mode = #tpu.pipeline_mode<synchronous>, transform_indices = @transform_3, window_bounds = array<i64: 1, 256>}, {pipeline_mode = #tpu.pipeline_mode<synchronous>, transform_indices = @transform_4, window_bounds = array<i64: 1, 256>}, {transform_indices = @transform_5, window_bounds = array<i64: 1, 2000, 1>}, {pipeline_mode = #tpu.pipeline_mode<synchronous>, transform_indices = @transform_6, window_bounds = array<i64: 256, 256>}, {pipeline_mode = #tpu.pipeline_mode<synchronous>, transform_indices = @transform_7, window_bounds = array<i64: 1, 256>}, {pipeline_mode = #tpu.pipeline_mode<synchronous>, transform_indices = @transform_8, window_bounds = array<i64: 256, 10>}, {pipeline_mode = #tpu.pipeline_mode<synchronous>, transform_indices = @transform_9, window_bounds = array<i64: 1, 10>}, {pipeline_mode = #tpu.pipeline_mode<synchronous>, transform_indices = @transform_10, window_bounds = array<i64: 64, 10>}]} {
    %get3A = arith.constant 0 : index
    %get3A_0 = arith.constant 0 : index
    %get3A_1 = vector.load %arg2[%get3A, %get3A_0] : memref<1x256xf32, #tpu.memory_space<vmem>>, vector<1x256xf32>
    %mul3A = arith.constant 9.99999974E-5 : f32
    %mul3A_2 = vector.broadcast %mul3A : f32 to vector<1x256xf32>
    %mul3A_3 = arith.mulf %get3A_1, %mul3A_2 : vector<1x256xf32>
    %get3A_4 = arith.constant 0 : index
    %get3A_5 = arith.constant 0 : index
    %get3A_6 = vector.load %arg3[%get3A_4, %get3A_5] : memref<1x256xf32, #tpu.memory_space<vmem>>, vector<1x256xf32>
    %mul3A_7 = arith.constant 9.99999974E-5 : f32
    %mul3A_8 = vector.broadcast %mul3A_7 : f32 to vector<1x256xf32>
    %mul3A_9 = arith.mulf %get3A_6, %mul3A_8 : vector<1x256xf32>
    %mul3A_10 = arith.mulf %mul3A_3, %mul3A_3 : vector<1x256xf32>
    %sub3A = arith.subf %mul3A_9, %mul3A_10 : vector<1x256xf32>
    %get3A_11 = arith.constant 0 : index
    %get3A_12 = arith.constant 0 : index
    %get3A_13 = vector.load %arg4[%get3A_11, %get3A_12] : memref<1x256xf32, #tpu.memory_space<vmem>>, vector<1x256xf32>
    %add3A = arith.constant 9.99999974E-6 : f32
    %add3A_14 = vector.broadcast %add3A : f32 to vector<1x256xf32>
    %add3A_15 = arith.addf %sub3A, %add3A_14 : vector<1x256xf32>
    %sqrt3A = math.sqrt %add3A_15 : vector<1x256xf32>
    %div3A = arith.divf %get3A_13, %sqrt3A : vector<1x256xf32>
    %get3A_16 = arith.constant 0 : index
    %get3A_17 = arith.constant 0 : index
    %get3A_18 = vector.load %arg1[%get3A_16, %get3A_17] : memref<2000x256xf32, #tpu.memory_space<vmem>>, vector<2000x256xf32>
    %sub3A_19 = vector.broadcast %mul3A_3 : vector<1x256xf32> to vector<2000x256xf32>
    %sub3A_20 = arith.subf %get3A_18, %sub3A_19 : vector<2000x256xf32>
    %mul3A_21 = vector.broadcast %div3A : vector<1x256xf32> to vector<2000x256xf32>
    %mul3A_22 = arith.mulf %sub3A_20, %mul3A_21 : vector<2000x256xf32>
    %get3A_23 = arith.constant 0 : index
    %get3A_24 = arith.constant 0 : index
    %get3A_25 = vector.load %arg5[%get3A_23, %get3A_24] : memref<1x256xf32, #tpu.memory_space<vmem>>, vector<1x256xf32>
    %add3A_26 = vector.broadcast %get3A_25 : vector<1x256xf32> to vector<2000x256xf32>
    %add3A_27 = arith.addf %mul3A_22, %add3A_26 : vector<2000x256xf32>
    %get3A_28 = arith.constant 0 : index
    %get3A_29 = arith.constant 0 : index
    %get3A_30 = arith.constant 0 : index
    %get3A_31 = vector.load %arg6[%get3A_28, %get3A_29, %get3A_30] : memref<1x2000x1xi32, #tpu.memory_space<vmem>>, vector<1x2000x1xi32>
    %get3A_32 = vector.shape_cast %get3A_31 : vector<1x2000x1xi32> to vector<2000x1xi32>
    %iota3A = tpu.iota {dimensions = array<i32: 1>} : vector<2000x64xi32>
    %eq3A = vector.broadcast %get3A_32 : vector<2000x1xi32> to vector<2000x64xi32>
    %eq3A_33 = arith.cmpi eq, %eq3A, %iota3A : vector<2000x64xi32>
    %convert_element_type3A = arith.extui %eq3A_33 : vector<2000x64xi1> to vector<2000x64xi32>
    %convert_element_type3A_34 = arith.sitofp %convert_element_type3A : vector<2000x64xi32> to vector<2000x64xf32>
    %dot_general3A = arith.constant dense<0.000000e+00> : vector<64x256xf32>
    %dot_general3A_35 = tpu.matmul %convert_element_type3A_34, %add3A_27, %dot_general3A {dimension_numbers = #tpu.dot_dimension_numbers<[0], [0], [1], [1], [0, 1, 1, 1], [], []>, precision = #tpu.contract_precision<fp32>, transpose_lhs_hint = false} : vector<2000x64xf32>, vector<2000x256xf32>, vector<64x256xf32> -> vector<64x256xf32>
    %broadcast_in_dim3A = arith.constant 1.000000e+00 : f32
    %broadcast_in_dim3A_36 = vector.broadcast %broadcast_in_dim3A : f32 to vector<2000x256xf32>
    %dot_general3A_37 = arith.constant dense<0.000000e+00> : vector<64x256xf32>
    %dot_general3A_38 = tpu.matmul %convert_element_type3A_34, %broadcast_in_dim3A_36, %dot_general3A_37 {dimension_numbers = #tpu.dot_dimension_numbers<[0], [0], [1], [1], [0, 1, 1, 1], [], []>, precision = #tpu.contract_precision<fp32>, transpose_lhs_hint = false} : vector<2000x64xf32>, vector<2000x256xf32>, vector<64x256xf32> -> vector<64x256xf32>
    %eq3A_39 = arith.constant 0 : i32
    %eq3A_40 = arith.cmpi eq, %arg0, %eq3A_39 : i32
    %convert_element_type3A_41 = arith.extui %eq3A_40 : i1 to i32
    %cond3A = arith.constant 0 : i32
    %cond3A_42 = arith.cmpi ne, %convert_element_type3A_41, %cond3A : i32
    scf.if %cond3A_42 {
      %swap3A = arith.constant 0 : index
      %swap3A_52 = arith.constant 0 : index
      %swap3A_53 = vector.load %arg12[%swap3A, %swap3A_52] : memref<64x256xf32, #tpu.memory_space<vmem>>, vector<64x256xf32>
      tpu.vector_store %arg12[%swap3A, %swap3A_52], %dot_general3A_35 {strides = array<i32>} : memref<64x256xf32, #tpu.memory_space<vmem>>, vector<64x256xf32>,
      %swap3A_54 = arith.constant 0 : index
      %swap3A_55 = arith.constant 0 : index
      %swap3A_56 = vector.load %arg13[%swap3A_54, %swap3A_55] : memref<64x256xf32, #tpu.memory_space<vmem>>, vector<64x256xf32>
      tpu.vector_store %arg13[%swap3A_54, %swap3A_55], %dot_general3A_38 {strides = array<i32>} : memref<64x256xf32, #tpu.memory_space<vmem>>, vector<64x256xf32>,
    } else {
    }
    %gt3A = arith.constant 0 : i32
    %gt3A_43 = arith.cmpi sgt, %arg0, %gt3A : i32
    %convert_element_type3A_44 = arith.extui %gt3A_43 : i1 to i32
    %cond3A_45 = arith.constant 0 : i32
    %cond3A_46 = arith.cmpi ne, %convert_element_type3A_44, %cond3A_45 : i32
    scf.if %cond3A_46 {
      %get3A_52 = arith.constant 0 : index
      %get3A_53 = arith.constant 0 : index
      %get3A_54 = vector.load %arg12[%get3A_52, %get3A_53] : memref<64x256xf32, #tpu.memory_space<vmem>>, vector<64x256xf32>
      %add3A_55 = arith.addf %get3A_54, %dot_general3A_35 : vector<64x256xf32>
      %swap3A = arith.constant 0 : index
      %swap3A_56 = arith.constant 0 : index
      %swap3A_57 = vector.load %arg12[%swap3A, %swap3A_56] : memref<64x256xf32, #tpu.memory_space<vmem>>, vector<64x256xf32>
      tpu.vector_store %arg12[%swap3A, %swap3A_56], %add3A_55 {strides = array<i32>} : memref<64x256xf32, #tpu.memory_space<vmem>>, vector<64x256xf32>,
      %get3A_58 = arith.constant 0 : index
      %get3A_59 = arith.constant 0 : index
      %get3A_60 = vector.load %arg13[%get3A_58, %get3A_59] : memref<64x256xf32, #tpu.memory_space<vmem>>, vector<64x256xf32>
      %add3A_61 = arith.addf %get3A_60, %dot_general3A_38 : vector<64x256xf32>
      %swap3A_62 = arith.constant 0 : index
      %swap3A_63 = arith.constant 0 : index
      %swap3A_64 = vector.load %arg13[%swap3A_62, %swap3A_63] : memref<64x256xf32, #tpu.memory_space<vmem>>, vector<64x256xf32>
      tpu.vector_store %arg13[%swap3A_62, %swap3A_63], %add3A_61 {strides = array<i32>} : memref<64x256xf32, #tpu.memory_space<vmem>>, vector<64x256xf32>,
    } else {
    }
    %eq3A_47 = arith.constant 4 : i32
    %eq3A_48 = arith.cmpi eq, %arg0, %eq3A_47 : i32
    %convert_element_type3A_49 = arith.extui %eq3A_48 : i1 to i32
    %cond3A_50 = arith.constant 0 : i32
    %cond3A_51 = arith.cmpi ne, %convert_element_type3A_49, %cond3A_50 : i32
    scf.if %cond3A_51 {
      %get3A_52 = arith.constant 0 : index
      %get3A_53 = arith.constant 0 : index
      %get3A_54 = vector.load %arg12[%get3A_52, %get3A_53] : memref<64x256xf32, #tpu.memory_space<vmem>>, vector<64x256xf32>
      %get3A_55 = arith.constant 0 : index
      %get3A_56 = arith.constant 0 : index
      %get3A_57 = vector.load %arg13[%get3A_55, %get3A_56] : memref<64x256xf32, #tpu.memory_space<vmem>>, vector<64x256xf32>
      %max3A = arith.constant 1.000000e+00 : f32
      %max3A_58 = vector.broadcast %max3A : f32 to vector<64x256xf32>
      %max3A_59 = arith.maximumf %get3A_57, %max3A_58 : vector<64x256xf32>
      %div3A_60 = arith.divf %get3A_54, %max3A_59 : vector<64x256xf32>
      %get3A_61 = arith.constant 0 : index
      %get3A_62 = arith.constant 0 : index
      %get3A_63 = vector.load %arg7[%get3A_61, %get3A_62] : memref<256x256xf32, #tpu.memory_space<vmem>>, vector<256x256xf32>
      %dot_general3A_64 = arith.constant dense<0.000000e+00> : vector<64x256xf32>
      %dot_general3A_65 = tpu.matmul %div3A_60, %get3A_63, %dot_general3A_64 {dimension_numbers = #tpu.dot_dimension_numbers<[1], [0], [0], [1], [0, 0, 1, 1], [], []>, transpose_lhs_hint = false} : vector<64x256xf32>, vector<256x256xf32>, vector<64x256xf32> -> vector<64x256xf32>
      %get3A_66 = arith.constant 0 : index
      %get3A_67 = arith.constant 0 : index
      %get3A_68 = vector.load %arg8[%get3A_66, %get3A_67] : memref<1x256xf32, #tpu.memory_space<vmem>>, vector<1x256xf32>
      %add3A_69 = vector.broadcast %get3A_68 : vector<1x256xf32> to vector<64x256xf32>
      %add3A_70 = arith.addf %dot_general3A_65, %add3A_69 : vector<64x256xf32>
      %max3A_71 = arith.constant 0.000000e+00 : f32
      %max3A_72 = vector.broadcast %max3A_71 : f32 to vector<64x256xf32>
      %max3A_73 = arith.maximumf %add3A_70, %max3A_72 : vector<64x256xf32>
      %get3A_74 = arith.constant 0 : index
      %get3A_75 = arith.constant 0 : index
      %get3A_76 = vector.load %arg9[%get3A_74, %get3A_75] : memref<256x10xf32, #tpu.memory_space<vmem>>, vector<256x10xf32>
      %dot_general3A_77 = arith.constant dense<0.000000e+00> : vector<64x10xf32>
      %dot_general3A_78 = tpu.matmul %max3A_73, %get3A_76, %dot_general3A_77 {dimension_numbers = #tpu.dot_dimension_numbers<[1], [0], [0], [1], [0, 0, 1, 1], [], []>, transpose_lhs_hint = false} : vector<64x256xf32>, vector<256x10xf32>, vector<64x10xf32> -> vector<64x10xf32>
      %get3A_79 = arith.constant 0 : index
      %get3A_80 = arith.constant 0 : index
      %get3A_81 = vector.load %arg10[%get3A_79, %get3A_80] : memref<1x10xf32, #tpu.memory_space<vmem>>, vector<1x10xf32>
      %add3A_82 = vector.broadcast %get3A_81 : vector<1x10xf32> to vector<64x10xf32>
      %add3A_83 = arith.addf %dot_general3A_78, %add3A_82 : vector<64x10xf32>
      %swap3A = arith.constant 0 : index
      %swap3A_84 = arith.constant 0 : index
      %swap3A_85 = vector.load %arg11[%swap3A, %swap3A_84] : memref<64x10xf32, #tpu.memory_space<vmem>>, vector<64x10xf32>
      tpu.vector_store %arg11[%swap3A, %swap3A_84], %add3A_83 {strides = array<i32>} : memref<64x10xf32, #tpu.memory_space<vmem>>, vector<64x10xf32>,
    } else {
    }
    return
  }
  func.func @transform_0(%arg0: i32) -> (i32, i32) {
    %c0_i32 = arith.constant 0 : i32
    %c0_i32_0 = arith.constant 0 : i32
    return %arg0, %c0_i32 : i32, i32
  }
  func.func @transform_1(%arg0: i32) -> (i32, i32) {
    %c0_i32 = arith.constant 0 : i32
    %c0_i32_0 = arith.constant 0 : i32
    %c0_i32_1 = arith.constant 0 : i32
    return %c0_i32, %c0_i32_0 : i32, i32
  }
  func.func @transform_2(%arg0: i32) -> (i32, i32) {
    %c0_i32 = arith.constant 0 : i32
    %c0_i32_0 = arith.constant 0 : i32
    %c0_i32_1 = arith.constant 0 : i32
    return %c0_i32, %c0_i32_0 : i32, i32
  }
  func.func @transform_3(%arg0: i32) -> (i32, i32) {
    %c0_i32 = arith.constant 0 : i32
    %c0_i32_0 = arith.constant 0 : i32
    %c0_i32_1 = arith.constant 0 : i32
    return %c0_i32, %c0_i32_0 : i32, i32
  }
  func.func @transform_4(%arg0: i32) -> (i32, i32) {
    %c0_i32 = arith.constant 0 : i32
    %c0_i32_0 = arith.constant 0 : i32
    %c0_i32_1 = arith.constant 0 : i32
    return %c0_i32, %c0_i32_0 : i32, i32
  }
  func.func @transform_5(%arg0: i32) -> (i32, i32, i32) {
    %c0_i32 = arith.constant 0 : i32
    %c0_i32_0 = arith.constant 0 : i32
    %c0_i32_1 = arith.constant 0 : i32
    return %arg0, %c0_i32, %c0_i32_0 : i32, i32, i32
  }
  func.func @transform_6(%arg0: i32) -> (i32, i32) {
    %c0_i32 = arith.constant 0 : i32
    %c0_i32_0 = arith.constant 0 : i32
    %c0_i32_1 = arith.constant 0 : i32
    return %c0_i32, %c0_i32_0 : i32, i32
  }
  func.func @transform_7(%arg0: i32) -> (i32, i32) {
    %c0_i32 = arith.constant 0 : i32
    %c0_i32_0 = arith.constant 0 : i32
    %c0_i32_1 = arith.constant 0 : i32
    return %c0_i32, %c0_i32_0 : i32, i32
  }
  func.func @transform_8(%arg0: i32) -> (i32, i32) {
    %c0_i32 = arith.constant 0 : i32
    %c0_i32_0 = arith.constant 0 : i32
    %c0_i32_1 = arith.constant 0 : i32
    return %c0_i32, %c0_i32_0 : i32, i32
  }
  func.func @transform_9(%arg0: i32) -> (i32, i32) {
    %c0_i32 = arith.constant 0 : i32
    %c0_i32_0 = arith.constant 0 : i32
    %c0_i32_1 = arith.constant 0 : i32
    return %c0_i32, %c0_i32_0 : i32, i32
  }
  func.func @transform_10(%arg0: i32) -> (i32, i32) {
    %c0_i32 = arith.constant 0 : i32
    %c0_i32_0 = arith.constant 0 : i32
    %c0_i32_1 = arith.constant 0 : i32
    return %c0_i32, %c0_i32_0 : i32, i32
  }
}

</mosaic_0001>

<sc_bundles>
// kernel: kernel.11.cloned.1.call-start
scs
__scs_entry_jumppad:
0x0: {  	(pc) =	sbr.rel $0x88, $3  }
0x1: {  	(tag) =	ssettag $0x0;
	lr =	simm.s32 $0x1  }
0x2: {  	[smem:$0x3F85] =	sst lr;
	_ =	strace $0xD0000000  }
0x3: {  	_ = 	snop  }
0x4: {  	_ = 	snop  }
0x5: {  	_ = 	snop  }
0x6: {  	_ = 	snop  }
0x7: {  	_ = 	snop  }
__scs_overlays_trampoline_lowered:
0x8: {  	[smem:$0x3F94] =	sst s0  }
0x9: {  	[smem:$0x3F95] =	sst s1  }
0xa: {  	[smem:$0x3F96] =	sst s2  }
0xb: {  	[smem:$0x3F97] =	sst s3  }
0xc: {  	[smem:$0x3F98] =	sst s4  }
0xd: {  	[smem:$0x3F99] =	sst s5  }
0xe: {  	[smem:$0x3F9A] =	sst s6  }
0xf: {  	[smem:$0x3F9B] =	sst s7  }
0x10: {  	[smem:$0x3F9C] =	sst s8  }
0x11: {  	[smem:$0x3F9D] =	sst s9;
	s0 =	simm.s32 @!p0 $0x0  }
0x12: {  	s1 =	sld [smem:$0x3F83];
	s0 =	simm.s32 @p0 $0x1  }
0x13: {  	[smem:$0x3F9E] =	sst s0;
	s0 =	simm.s32 @!p1 $0x0  }
0x14: {  	s2 =	sld [smem:$0x3F82];
	s0 =	simm.s32 @p1 $0x1  }
0x15: {  	[smem:$0x3F9F] =	sst s0;
	s0 =	simm.s32 @!p2 $0x0  }
0x16: {  	s3 =	sld [smem:$0x3FDB];
	s0 =	simm.s32 @p2 $0x1  }
0x17: {  	s4 =	simm.s32 $0x1BF5;
	[smem:$0x3FA1] =	sst s0  }
0x18: {  	s0 =	sld [smem:$0x3F84];
	_ =	swait.ge [sflag:s4], $0x0  }
0x19: {  	s7 =	sld [smem:$0x3F85]  }
0x1a: {  	s8 =	sadd.s32 $0xFFFFE003, lr  }
0x1b: {  	s9 =	sadd.s32 $0xFFFFFEF7, lr;
	s5 =	simm.s32 $0xFFFFFFFF;
	p2 =	slt.u32 s8, $0xFFFFF086  }
0x1c: {  	p1 =	slt.u32 s9, $0xF7A;
	s5 =	simm.s32 @!p2 $0x0  }
0x1d: {  	s5 =	simm.s32 @p1 $0x1;
	p0 =	seq.s32 s7, s2  }
0x1e: {  	s7 =	smul.u32 @!p0 $0xF7A, s2;
	p2 =	seq.s32 @!p0 s5, $0x0  }
0x1f: {  	s9 =	smul.u32 $0xF7A, s1;
	s8 =	simm.s32 @!p0 $0x1BF5;
	p2 =	por !p2, p0  }
0x20: {  	[sflag:s8] =	ssyncset.s32 @!p0 $0xFFFFF086;
	s6 =	sadd.s32 @!p0 s3, s7;
	s7 =	simm.s32 @!p0 $0x108  }
0x21: {  	s3 =	sadd.s32 s3, s9;
	s6 =	sadd.s32 @!p0 $0x88, s6;
	s7 =	simm.s32 @p2 $0x1082  }
0x22: {  	[simem:s7], [sflag:s8] =	dma.local @!p0 [hbm:s6], $0xF7A  }
0x23: {  	s9 =	sor.u32 $0xD0000000, s2;
	s6 =	simm.s32 $0x108;
	_ =	swait.ge @!p0 [sflag:s8], $0x0  }
0x24: {  	s3 =	sadd.s32 $0x88, s3;
	s6 =	simm.s32 @!p1 $0x1082;
	[sflag:s4] =	ssyncset.s32 $0xFFFFF086  }
0x25: {  	[simem:s6], [sflag:s4] =	dma.local [hbm:s3], $0xF7A  }
0x26: {  	[smem:$0x3F85] =	sst s1;
	(tag) =	ssettag s2;
	_ =	strace s9  }
0x27: {  	s1 =	sld [smem:$0x3F95]  }
0x28: {  	s2 =	sld [smem:$0x3F96]  }
0x29: {  	s4 =	sld [smem:$0x3F98]  }
0x2a: {  	p0 =	seq.s32 s5, $0x0;
	s5 =	sld [smem:$0x3F99]  }
0x2b: {  	s6 =	sld [smem:$0x3F9A]  }
0x2c: {  	s7 =	sld [smem:$0x3F9B]  }
0x2d: {  	s3 =	simm.s32 $0x108;
	s8 =	sld [smem:$0x3F9C]  }
0x2e: {  	s3 =	simm.s32 @!p0 $0x1082;
	s9 =	sld [smem:$0x3F9D]  }
0x2f: {  	lr =	sadd.s32 s0, s3;
	s0 =	sld [smem:$0x3F94]  }
0x30: {  	s3 =	sld [smem:$0x3F97]  }
0x31: {  	[smem:$0x3FA0] =	sst s10  }
0x32: {  	s10 =	sld [smem:$0x3F9E];
	_ =	sdelay $0x3  }
0x33: {  	p0 =	seq.s32 s10, $0x1;
	s10 =	sld [smem:$0x3FA0];
	_ =	sdelay $0x3  }
0x34: {  	[smem:$0x3FA0] =	sst s10  }
0x35: {  	s10 =	sld [smem:$0x3F9F];
	_ =	sdelay $0x3  }
0x36: {  	p1 =	seq.s32 s10, $0x1;
	s10 =	sld [smem:$0x3FA0];
	_ =	sdelay $0x3  }
0x37: {  	[smem:$0x3FA0] =	sst s10  }
0x38: {  	s10 =	sld [smem:$0x3FA1]  }
0x39: {  	_ = 	snop;
	(pc) =	sbr.ind lr, $3  }
0x3a: {  	_ = 	snop  }
0x3b: {  	_ = 	snop  }
0x3c: {  	p2 =	seq.s32 s10, $0x1;
	s10 =	sld [smem:$0x3FA0]  }
0x3d: {  	_ =	shalt  }
0x3e: {  	_ =	shalt  }
0x3f: {  	_ =	shalt  }
0x40: {  	_ =	shalt  }
0x41: {  	_ =	shalt  }
0x42: {  	_ =	shalt  }
0x43: {  	_ =	shalt  }
0x44: {  	_ =	shalt  }
0x45: {  	_ =	shalt  }
0x46: {  	_ =	shalt  }
0x47: {  	_ =	shalt  }
0x48: {  	_ =	shalt  }
0x49: {  	_ =	shalt  }
0x4a: {  	_ =	shalt  }
0x4b: {  	_ =	shalt  }
0x4c: {  	_ =	shalt  }
0x4d: {  	_ =	shalt  }
0x4e: {  	_ =	shalt  }
0x4f: {  	_ =	shalt  }
0x50: {  	_ =	shalt  }
0x51: {  	_ =	shalt  }
0x52: {  	_ =	shalt  }
0x53: {  	_ =	shalt  }
0x54: {  	_ =	shalt  }
0x55: {  	_ =	shalt  }
0x56: {  	_ =	shalt  }
0x57: {  	_ =	shalt  }
0x58: {  	_ =	shalt  }
0x59: {  	_ =	shalt  }
0x5a: {  	_ =	shalt  }
0x5b: {  	_ =	shalt  }
0x5c: {  	_ =	shalt  }
0x5d: {  	_ =	shalt  }
0x5e: {  	_ =	shalt  }
0x5f: {  	_ =	shalt  }
0x60: {  	_ =	shalt  }
0x61: {  	_ =	shalt  }
0x62: {  	_ =	shalt  }
0x63: {  	_ =	shalt  }
0x64: {  	_ =	shalt  }
0x65: {  	_ =	shalt  }
0x66: {  	_ =	shalt  }
0x67: {  	_ =	shalt  }
0x68: {  	_ =	shalt  }
0x69: {  	_ =	shalt  }
0x6a: {  	_ =	shalt  }
0x6b: {  	_ =	shalt  }
0x6c: {  	_ =	shalt  }
0x6d: {  	_ =	shalt  }
0x6e: {  	_ =	shalt  }
0x6f: {  	_ =	shalt  }
0x70: {  	_ =	shalt  }
0x71: {  	_ =	shalt  }
0x72: {  	_ =	shalt  }
0x73: {  	_ =	shalt  }
0x74: {  	_ =	shalt  }
0x75: {  	_ =	shalt  }
0x76: {  	_ =	shalt  }
0x77: {  	_ =	shalt  }
0x78: {  	_ =	shalt  }
0x79: {  	_ =	shalt  }
0x7a: {  	_ =	shalt  }
0x7b: {  	_ =	shalt  }
0x7c: {  	_ =	shalt  }
0x7d: {  	_ =	shalt  }
0x7e: {  	_ =	shalt  }
0x7f: {  	_ =	shalt  }
0x80: {  	_ =	shalt  }
0x81: {  	_ =	shalt  }
0x82: {  	_ =	shalt  }
0x83: {  	_ =	shalt  }
0x84: {  	_ =	shalt  }
0x85: {  	_ =	shalt  }
0x86: {  	_ =	shalt  }
0x87: {  	_ =	shalt  }
.Lfunc_end0:
.L_simem_size_0:
called_computation_lowered:
.L_overlay_start_0:
0x88: {  	s2 =	sld [smem:$0x3FD9]  }
0x89: {  	s3 =	sld [smem:$0x3FFE];
	_ =	sdelay $0x1  }
0x8a: {  	s1 =	srdreg.scid  }
0x8b: {  	s0 =	sand.u32 $0x1, s1  }
0x8c: {  	s17 =	sshll.u32 s0, $0xA;
	s2 =	sadd.s32 s3, s2  }
0x8d: {  	s2 =	sadd.s32 s2, s17  }
0x8e: {  	[smem:$0x3FAC] =	sst s2  }
0x8f: {  	_ = 	snop  }
0x90: {  	s2 =	sld [smem:$0x3FC9];
	(tm) =	ssettm $0x1  }
0x91: {  	s18 =	sld [smem:$0x3FFB];
	_ =	sdelay $0x3  }
0x92: {  	_ =	strace s18  }
0x93: {  	s3 =	sld [smem:$0x3FFC];
	_ =	sdelay $0x3  }
0x94: {  	_ =	strace s3  }
0x95: {  	s3 =	sld [smem:$0x3FFD];
	_ =	sdelay $0x3  }
0x96: {  	_ =	strace s3  }
0x97: {  	_ =	strace $0x8FFFFFFF  }
0x98: {  	s19 =	sld [smem:$0x3FDB];
	_ =	sdelay $0x1  }
0x99: {  	s4 =	simm.s32 $_scs_section_size  }
0x9a: {  	s5 =	simm.s32 $_size__tile_overlayer_lowered;
	s6 =	simm.s32 $_tile_overlayer_lowered  }
0x9b: {  	s22 =	simm.s32 $0x1BFF;
	s21 =	sshll.u32 s6, $0x1;
	s3 =	sadd.s32 s4, s19  }
0x9c: {  	s7 =	simm.s32 $0x0;
	s20 =	sshll.u32 s5, $0x1;
	s5 =	sadd.s32 s21, s3  }
0x9d: {  	[timem:s7], [sflag:s22] =	dma.local [hbm:s5], s20  }
0x9e: {  	_ =	swait.ge [sflag:s22], s20  }
0x9f: {  	s4 =	ssub.s32 $0x0, s20;
	[sflag:s22] =	ssyncset.done $0x0  }
0xa0: {  	[sflag:s22] =	ssyncadd.s32 s4;
	_ =	sdelay $0x1  }
0xa1: {  	s23 =	simm.s32 $0x1B8B  }
0xa2: {  	_ =	swait.ge [sflag:s23], $0x1  }
0xa3: {  	[sflag:s23] =	ssyncset.done $0x0  }
0xa4: {  	s25 =	simm.s32 $0x1B8E;
	s24 =	sld [smem:$0x3FFE];
	[sflag:s23] =	ssyncadd.s32 $0xFFFFFFFF  }
0xa5: {  	s26 =	simm.s32 $execute0_lowered;
	[smem:$0x3FD2] =	sst s25  }
0xa6: {  	s5 =	sshll.u32 s26, $0x1;
	_ =	strace $0x80000046;
	[dreg:$0x1] =	wrdreg $0xFFFFFFFF  }
0xa7: {  	s28 =	simm.s32 $_size_execute0_lowered;
	s3 =	sadd.s32 s3, s5;
	[dreg:$0x0] =	wrdreg $0x0  }
0xa8: {  	s5 =	sshll.u32 s28, $0x1;
	[dreg:$0x2] =	wrdreg s3  }
0xa9: {  	[dreg:$0x3] =	wrdreg s5  }
0xaa: {  	[dreg:$0x4] =	wrdreg $0xC0  }
0xab: {  	_ =	task [dreg:s7], $0x5FFFF  }
0xac: {  	[dreg:$0x1] =	wrdreg $0xFFFFFFFF  }
0xad: {  	[dreg:$0x0] =	wrdreg $0x60  }
0xae: {  	[dreg:$0x2] =	wrdreg s2  }
0xaf: {  	[dreg:$0x3] =	wrdreg s24  }
0xb0: {  	[dreg:$0x4] =	wrdreg $0xA8000  }
0xb1: {  	[dreg:$0x5] =	wrdreg $0x9  }
0xb2: {  	_ =	task.clear_ibuf [dreg:s7], $0x6FFFF;
	_ =	strace $0x90000046  }
0xb3: {  	s29 =	simm.s32 $0x9;
	_ =	strace $0x80000048  }
0xb4: {  	_ =	swait.ge [sflag:s29], $0x1  }
0xb5: {  	[sflag:s29] =	ssyncadd.s32 $0xFFFFFFFF  }
0xb6: {  	_ =	strace $0x90000048  }
0xb7: {  	_ =	sfence  }
0xb8: {  	s30 =	sld [smem:$0x0];
	_ =	sdelay $0x2  }
0xb9: {  	s31 =	sshll.u32 s1, $0xD;
	s1 =	sshrl.u32 s1, $0x2  }
0xba: {  	s3 =	sand.u32 $0x4000, s31;
	s1 =	sadd.s32 s1, s30  }
0xbb: {  	s0 =	sor.u32 s3, s0;
	s1 =	sshll.u32 s1, $0x11  }
0xbc: {  	s0 =	sor.u32 s1, s0  }
0xbd: {  	s0 =	sadd.s32 $0x8F2B, s0  }
0xbe: {  	[sflag:s0] =	ssyncadd.remote.s32 $0x1  }
0xbf: {  	_ =	sfence.sel $0xFFFF  }
0xc0: {  	[dreg:$0x0] =	wrdreg $0xFFFFFFFF;
	(pc) =	sbr.abs _section_cstart, $3  }
0xc1: {  	[dreg:$0x1] =	wrdreg $0xFFFFFFFF  }
0xc2: {  	_ =	task.clear_ibuf [dreg:s7], $0x2FFFF;
	_ =	strace $0x9FFFFFFF  }
0xc3: {  	(tm) =	ssettm $0x7FFFFFFF  }
tec
execute0_lowered:
.L_overlay_start_1:
0x0: {  	(tag) =	ssettag $0x1  }
0x1: {  	s1 =	rddreg [dreg:$0x0]  }
0x2: {  	s0 =	rddreg [dreg:$0x1]  }
0x3: {  	s2 =	rddreg [dreg:$0x2]  }
0x4: {  	s4 =	simm.s32 $0x0;
	s3 =	srdreg.scid;
	s26 =	stileid.u32  }
0x5: {  	s28 =	simm.s32 $0x2;
	s29 =	simm.s32 $0x1380;
	s30 =	simm.s32 $0x2700  }
0x6: {  	s31 =	simm.s32 $0x2780;
	[smem:$0x7FF] =	sst s4;
	s3 =	sand.u32 $0x1, s3  }
0x7: {  	s19 =	sadd.s32 $0x6200, s0;
	s6 =	smul.u32 $0x4F000, s26;
	s20 =	sadd.s32 $0x10200, s0  }
0x8: {  	s0 =	sadd.s32 $0x1A200, s0;
	s9 =	smul.u32 $0x13C00, s26;
	p0 =	seq.s32 s26, $0xF  }
0x9: {  	_ =	strace $0x80000047;
	s5 =	ssub.s32 $0x2, s3;
	s8 =	sshll.u32 s3, $0x4  }
0xa: {  	s3 =	smul.u32 $0x138800, s3;
	s7 =	sshrl.u32 s5, $0x1;
	s6 =	sshrl.u32 s6, $0x2  }
0xb: {  	s13 =	sor.u32 s26, s8;
	s10 =	sadd.s32 $0x4000, s9;
	s11 =	sadd.s32 $0x8000, s9  }
0xc: {  	s12 =	sadd.s32 $0xC000, s9;
	s14 =	sadd.s32 $0x10000, s9;
	s26 =	simm.s32 $0x1  }
0xd: {  	s16 =	ssub.s32 s5, s7;
	s5 =	sadd.s32 s6, s2;
	s6 =	sadd.s32 s10, s2  }
0xe: {  	s7 =	sadd.s32 s11, s2;
	s8 =	sadd.s32 s12, s2;
	s15 =	sadd.s32 s9, s3  }
0xf: {  	s9 =	sadd.s32 s14, s2;
	s17 =	sadd.s32 s3, s10;
	s11 =	sadd.s32 s3, s11  }
0x10: {  	s22 =	sadd.s32 s3, s12;
	s14 =	sadd.s32 s3, s14;
	s3 =	sshrl.u32 s3, $0x3  }
0x11: {  	s15 =	sshrl.u32 s15, $0x3;
	s10 =	sshrl.u32 s17, $0x3;
	s21 =	sshrl.u32 s11, $0x3  }
0x12: {  	s24 =	sshrl.u32 s22, $0x3;
	s14 =	sshrl.u32 s14, $0x3;
	s25 =	sadd.s32 s0, s15  }
0x13: {  	s16 =	smax.u32 s16, $0x1;
	s18 =	sadd.s32 s0, s10;
	[dreg:$0x4] =	wrdreg s25  }
0x14: {  	s22 =	simm.s32 $0x3;
	s23 =	sadd.s32 s0, s21;
	[dreg:$0x5] =	wrdreg s18  }
0x15: {  	s14 =	sadd.s32 s0, s14;
	s21 =	simm.s32 $0x2800;
	[dreg:$0x6] =	wrdreg s23  }
0x16: {  	s18 =	smul.u32 $0x500, s13;
	s13 =	sadd.s32 s0, s24;
	s0 =	sadd.s32 s0, s3  }
0x17: {  	s23 =	simm.s32 $0x1400;
	s24 =	simm.s32 $0x80;
	s15 =	sadd.s32 $0x27080, s0  }
0x18: {  	s25 =	sadd.s32 $0x280, s18;
	s17 =	sadd.s32 s19, s18;
	s18 =	sadd.s32 s20, s18  }
0x19: {  	v0 =	vimm.f32 $0.0e+00;
	s19 =	sadd.s32 s19, s25;
	s20 =	sadd.s32 s20, s25;
	s25 =	simm.s32 $0x6800  }
.LBB2_1:
0x1a: {  	s0 =	simm.s32 $0x0;
	s3 =	simm.s32 $0x200  }
.LBB2_2:
0x1b: {  	p1 =	sne.s32 s3, $0xFE00;
	[tilespmem:s0+$0x2870] =	vst v0  }
0x1c: {  	[tilespmem:s0+$0x2800] =	vst v0  }
0x1d: {  	[tilespmem:s0+$0x2810] =	vst v0  }
.Ltmp0:
0x1e: {  	[tilespmem:s0+$0x2820] =	vst v0;
	(pc) =	sbr.rel @p1 .LBB2_2-.Ltmp0, $4  }
0x1f: {  	[tilespmem:s0+$0x2830] =	vst v0  }
0x20: {  	[tilespmem:s0+$0x2840] =	vst v0  }
0x21: {  	[tilespmem:s0+$0x2850] =	vst v0  }
0x22: {  	[tilespmem:s0+$0x2860] =	vst v0;
	s0 =	sshra.s32 s3, $0x2;
	s3 =	sadd.s32 $0x200, s3  }
0x23: {  	[tilespmem:s0+$0x2870] =	vst v0  }
0x24: {  	[tilespmem:s0+$0x2800] =	vst v0  }
0x25: {  	[tilespmem:s0+$0x2810] =	vst v0  }
0x26: {  	[tilespmem:s0+$0x2820] =	vst v0  }
0x27: {  	[tilespmem:s0+$0x2830] =	vst v0  }
0x28: {  	[tilespmem:s0+$0x2840] =	vst v0  }
0x29: {  	[tilespmem:s0+$0x2850] =	vst v0  }
0x2a: {  	[tilespmem:s0+$0x2860] =	vst v0  }
0x2b: {  	[spmem:s5] =	stream.linear.scatter [tilespmem:s21], [sflag:$0x3], $0x4000, $0x38;
	[tilespmem:$0x1E400] =	vst v63  }
0x2c: {  	_ =	swait.ge [sflag:s22], $0x4000  }
0x2d: {  	[sflag:s22] =	ssyncset.done $0x0  }
0x2e: {  	[sflag:s22] =	ssyncadd.s32 $0xFFFFC000  }
0x2f: {  	[spmem:s6] =	stream.linear.scatter [tilespmem:s21], [sflag:$0x3], $0x4000, $0x38;
	[tilespmem:$0x1E400] =	vst v63  }
0x30: {  	_ =	swait.ge [sflag:s22], $0x4000  }
0x31: {  	[sflag:s22] =	ssyncset.done $0x0  }
0x32: {  	[sflag:s22] =	ssyncadd.s32 $0xFFFFC000  }
0x33: {  	[spmem:s7] =	stream.linear.scatter [tilespmem:s21], [sflag:$0x3], $0x4000, $0x38;
	[tilespmem:$0x1E400] =	vst v63  }
0x34: {  	_ =	swait.ge [sflag:s22], $0x4000  }
0x35: {  	[sflag:s22] =	ssyncset.done $0x0  }
0x36: {  	[sflag:s22] =	ssyncadd.s32 $0xFFFFC000  }
0x37: {  	[spmem:s8] =	stream.linear.scatter [tilespmem:s21], [sflag:$0x3], $0x4000, $0x38;
	[tilespmem:$0x1E400] =	vst v63  }
0x38: {  	_ =	swait.ge [sflag:s22], $0x4000  }
0x39: {  	[sflag:s22] =	ssyncset.done $0x0  }
0x3a: {  	[sflag:s22] =	ssyncadd.s32 $0xFFFFC000  }
0x3b: {  	[spmem:s9] =	stream.linear.scatter [tilespmem:s21], [sflag:$0x3], $0x3C00, $0x38;
	[tilespmem:$0x1E400] =	vst v63  }
0x3c: {  	_ =	swait.ge [sflag:s22], $0x3C00  }
0x3d: {  	[sflag:s22] =	ssyncset.done $0x0  }
0x3e: {  	[sflag:s22] =	ssyncadd.s32 $0xFFFFC400  }
0x3f: {  	s12 =	simm.s32 $0x0;
	[bflag:$0x0] =	sbarrier.arrive $0xFFFF  }
0x40: {  	[tilespmem:s12], [sflag:$0x3] =	stream.linear.gather [hbm4b:s17+s12], $0x1400, $0x38;
	[tilespmem:$0x1E400] =	vst v63  }
0x41: {  	_ =	swait.ge [sflag:s22], $0x1400  }
0x42: {  	[sflag:s22] =	ssyncset.done $0x0  }
0x43: {  	[sflag:s22] =	ssyncadd.s32 $0xFFFFEC00  }
0x44: {  	[tilespmem:s23], [sflag:$0x3] =	stream.linear.gather [hbm4b:s18+s12], $0x1400, $0x38;
	[tilespmem:$0x1E400] =	vst v63  }
0x45: {  	_ =	swait.ge [sflag:s22], $0x1400  }
0x46: {  	[sflag:s22] =	ssyncset.done $0x0  }
0x47: {  	[sflag:s22] =	ssyncadd.s32 $0xFFFFEC00  }
0x48: {  	[tilespmem:s21], [sflag:$0x1] =	stream.indirect.gather [hbm4b:s1+s24], $0x80, s12, s24, $0xb8;
	[tilespmem:$0x1E400] =	vst v63  }
0x49: {  	s3 =	simm.s32 $0x80  }
0x4a: {  	[tilespmem:s25], [sflag:$0x2] =	stream.indirect.gather [hbm4b:s1+s24], $0x80, s3, s24, $0xb8;
	[tilespmem:$0x1E400] =	vst v63  }
0x4b: {  	_ =	swait.ge [sflag:s26], $0x4000  }
0x4c: {  	[sflag:s26] =	ssyncset.done $0x0  }
0x4d: {  	s10 =	simm.s32 $0x1400;
	[sflag:s26] =	ssyncadd.s32 $0xFFFFC000  }
0x4e: {  	[spmem:s2] =	stream.indirect.scatter.add.f32 [tilespmem:s21], [sflag:$0x3], $0x80, s10, s24, $0xb8;
	[tilespmem:$0x1E400] =	vst v63  }
0x4f: {  	_ =	swait.ge [sflag:s22], $0x4000  }
0x50: {  	[sflag:s22] =	ssyncset.done $0x0  }
0x51: {  	s11 =	simm.s32 $0x100;
	[sflag:s22] =	ssyncadd.s32 $0xFFFFC000  }
0x52: {  	[tilespmem:s21], [sflag:$0x1] =	stream.indirect.gather [hbm4b:s1+s24], $0x80, s11, s24, $0xb8;
	[tilespmem:$0x1E400] =	vst v63  }
0x53: {  	_ =	swait.ge [sflag:s28], $0x4000  }
0x54: {  	[sflag:s28] =	ssyncset.done $0x0  }
0x55: {  	s12 =	simm.s32 $0x1480;
	[sflag:s28] =	ssyncadd.s32 $0xFFFFC000  }
0x56: {  	[spmem:s2] =	stream.indirect.scatter.add.f32 [tilespmem:s25], [sflag:$0x3], $0x80, s12, s24, $0xb8;
	[tilespmem:$0x1E400] =	vst v63  }
0x57: {  	_ =	swait.ge [sflag:s22], $0x4000  }
0x58: {  	s0 =	simm.s32 $0x100;
	s3 =	simm.s32 $0x800;
	[sflag:s22] =	ssyncset.done $0x0  }
.LBB2_4:
0x59: {  	s10 =	sadd.s32 $0x80, s0  }
0x5a: {  	[sflag:s22] =	ssyncadd.s32 $0xFFFFC000;
	s11 =	smov.u32 s3;
	s12 =	sadd.s32 $0x400, s3  }
0x5b: {  	[tilespmem:s25], [sflag:$0x2] =	stream.indirect.gather [hbm4b:s1+s24], $0x80, s10, s24, $0xb8;
	[tilespmem:$0x1E400] =	vst v63  }
0x5c: {  	p1 =	sne.s32 s3, $0x4800;
	_ =	swait.ge [sflag:s26], $0x4000  }
0x5d: {  	[sflag:s26] =	ssyncset.done $0x0  }
0x5e: {  	s3 =	sadd.s32 $0x1400, s0;
	[sflag:s26] =	ssyncadd.s32 $0xFFFFC000  }
0x5f: {  	[spmem:s2] =	stream.indirect.scatter.add.f32 [tilespmem:s21], [sflag:$0x3], $0x80, s3, s24, $0xb8;
	[tilespmem:$0x1E400] =	vst v63  }
0x60: {  	_ =	swait.ge [sflag:s22], $0x4000  }
0x61: {  	[sflag:s22] =	ssyncset.done $0x0  }
0x62: {  	s3 =	sadd.s32 $0x100, s0;
	[sflag:s22] =	ssyncadd.s32 $0xFFFFC000  }
0x63: {  	[tilespmem:s21], [sflag:$0x1] =	stream.indirect.gather [hbm4b:s1+s24], $0x80, s3, s24, $0xb8;
	[tilespmem:$0x1E400] =	vst v63  }
0x64: {  	_ =	swait.ge [sflag:s28], $0x4000  }
.Ltmp1:
0x65: {  	[sflag:s28] =	ssyncset.done $0x0;
	(pc) =	sbr.rel @p1 .LBB2_4-.Ltmp1, $4  }
0x66: {  	s0 =	sadd.s32 $0x1480, s0;
	[sflag:s28] =	ssyncadd.s32 $0xFFFFC000  }
0x67: {  	[spmem:s2] =	stream.indirect.scatter.add.f32 [tilespmem:s25], [sflag:$0x3], $0x80, s0, s24, $0xb8;
	[tilespmem:$0x1E400] =	vst v63  }
0x68: {  	_ =	swait.ge [sflag:s22], $0x4000  }
0x69: {  	s3 =	smov.u32 s12;
	s0 =	sshra.s32 s11, $0x2;
	[sflag:s22] =	ssyncset.done $0x0  }
0x6a: {  	s3 =	sadd.s32 $0x80, s0;
	[sflag:s22] =	ssyncadd.s32 $0xFFFFC000  }
0x6b: {  	[tilespmem:s25], [sflag:$0x2] =	stream.indirect.gather [hbm4b:s1+s24], $0x80, s3, s24, $0xb8;
	[tilespmem:$0x1E400] =	vst v63  }
0x6c: {  	_ =	swait.ge [sflag:s26], $0x4000  }
0x6d: {  	[sflag:s26] =	ssyncset.done $0x0  }
0x6e: {  	s12 =	sadd.s32 $0x1400, s0;
	[sflag:s26] =	ssyncadd.s32 $0xFFFFC000  }
0x6f: {  	[spmem:s2] =	stream.indirect.scatter.add.f32 [tilespmem:s21], [sflag:$0x3], $0x80, s12, s24, $0xb8;
	[tilespmem:$0x1E400] =	vst v63  }
0x70: {  	_ =	swait.ge [sflag:s22], $0x4000  }
0x71: {  	[sflag:s22] =	ssyncset.done $0x0  }
0x72: {  	s10 =	sadd.s32 $0x100, s0;
	[sflag:s22] =	ssyncadd.s32 $0xFFFFC000  }
0x73: {  	[tilespmem:s21], [sflag:$0x1] =	stream.indirect.gather [hbm4b:s1+s24], $0x80, s10, s24, $0xb8;
	[tilespmem:$0x1E400] =	vst v63  }
0x74: {  	_ =	swait.ge [sflag:s28], $0x4000  }
0x75: {  	[sflag:s28] =	ssyncset.done $0x0  }
0x76: {  	s11 =	sadd.s32 $0x1480, s0;
	[sflag:s28] =	ssyncadd.s32 $0xFFFFC000  }
0x77: {  	[spmem:s2] =	stream.indirect.scatter.add.f32 [tilespmem:s25], [sflag:$0x3], $0x80, s11, s24, $0xb8;
	[tilespmem:$0x1E400] =	vst v63  }
0x78: {  	_ =	swait.ge [sflag:s22], $0x4000  }
0x79: {  	[sflag:s22] =	ssyncset.done $0x0  }
0x7a: {  	[sflag:s22] =	ssyncadd.s32 $0xFFFFC000  }
0x7b: {  	[tilespmem:s25], [sflag:$0x2] =	stream.indirect.gather [hbm4b:s1+s24], $0x80, s29, s24, $0xb8;
	[tilespmem:$0x1E400] =	vst v63  }
0x7c: {  	_ =	swait.ge [sflag:s26], $0x4000  }
0x7d: {  	[sflag:s26] =	ssyncset.done $0x0  }
0x7e: {  	[sflag:s26] =	ssyncadd.s32 $0xFFFFC000  }
0x7f: {  	[spmem:s2] =	stream.indirect.scatter.add.f32 [tilespmem:s21], [sflag:$0x3], $0x80, s30, s24, $0xb8;
	[tilespmem:$0x1E400] =	vst v63  }
0x80: {  	_ =	swait.ge [sflag:s22], $0x4000  }
0x81: {  	[sflag:s22] =	ssyncset.done $0x0  }
0x82: {  	[sflag:s22] =	ssyncadd.s32 $0xFFFFC000  }
0x83: {  	_ =	swait.ge [sflag:s28], $0x4000  }
0x84: {  	[sflag:s28] =	ssyncset.done $0x0  }
0x85: {  	[sflag:s28] =	ssyncadd.s32 $0xFFFFC000  }
0x86: {  	[spmem:s2] =	stream.indirect.scatter.add.f32 [tilespmem:s25], [sflag:$0x3], $0x80, s31, s24, $0xb8;
	[tilespmem:$0x1E400] =	vst v63  }
0x87: {  	_ =	swait.ge [sflag:s22], $0x4000  }
0x88: {  	[sflag:s22] =	ssyncset.done $0x0  }
0x89: {  	s12 =	simm.s32 $0x0;
	[sflag:s22] =	ssyncadd.s32 $0xFFFFC000  }
0x8a: {  	[tilespmem:s12], [sflag:$0x3] =	stream.linear.gather [hbm4b:s19+s12], $0x1400, $0x38;
	[tilespmem:$0x1E400] =	vst v63  }
0x8b: {  	_ =	swait.ge [sflag:s22], $0x1400  }
0x8c: {  	[sflag:s22] =	ssyncset.done $0x0  }
0x8d: {  	[sflag:s22] =	ssyncadd.s32 $0xFFFFEC00  }
0x8e: {  	[tilespmem:s23], [sflag:$0x3] =	stream.linear.gather [hbm4b:s20+s12], $0x1400, $0x38;
	[tilespmem:$0x1E400] =	vst v63  }
0x8f: {  	_ =	swait.ge [sflag:s22], $0x1400  }
0x90: {  	[sflag:s22] =	ssyncset.done $0x0  }
0x91: {  	[sflag:s22] =	ssyncadd.s32 $0xFFFFEC00  }
0x92: {  	[tilespmem:s21], [sflag:$0x1] =	stream.indirect.gather [hbm4b:s1+s24], $0x80, s12, s24, $0xb8;
	[tilespmem:$0x1E400] =	vst v63  }
0x93: {  	s3 =	simm.s32 $0x80  }
0x94: {  	[tilespmem:s25], [sflag:$0x2] =	stream.indirect.gather [hbm4b:s1+s24], $0x80, s3, s24, $0xb8;
	[tilespmem:$0x1E400] =	vst v63  }
0x95: {  	_ =	swait.ge [sflag:s26], $0x4000  }
0x96: {  	[sflag:s26] =	ssyncset.done $0x0  }
0x97: {  	s10 =	simm.s32 $0x1400;
	[sflag:s26] =	ssyncadd.s32 $0xFFFFC000  }
0x98: {  	[spmem:s2] =	stream.indirect.scatter.add.f32 [tilespmem:s21], [sflag:$0x3], $0x80, s10, s24, $0xb8;
	[tilespmem:$0x1E400] =	vst v63  }
0x99: {  	_ =	swait.ge [sflag:s22], $0x4000  }
0x9a: {  	[sflag:s22] =	ssyncset.done $0x0  }
0x9b: {  	s11 =	simm.s32 $0x100;
	[sflag:s22] =	ssyncadd.s32 $0xFFFFC000  }
0x9c: {  	[tilespmem:s21], [sflag:$0x1] =	stream.indirect.gather [hbm4b:s1+s24], $0x80, s11, s24, $0xb8;
	[tilespmem:$0x1E400] =	vst v63  }
0x9d: {  	_ =	swait.ge [sflag:s28], $0x4000  }
0x9e: {  	[sflag:s28] =	ssyncset.done $0x0  }
0x9f: {  	s12 =	simm.s32 $0x1480;
	[sflag:s28] =	ssyncadd.s32 $0xFFFFC000  }
0xa0: {  	[spmem:s2] =	stream.indirect.scatter.add.f32 [tilespmem:s25], [sflag:$0x3], $0x80, s12, s24, $0xb8;
	[tilespmem:$0x1E400] =	vst v63  }
0xa1: {  	_ =	swait.ge [sflag:s22], $0x4000  }
0xa2: {  	s0 =	simm.s32 $0x100;
	s3 =	simm.s32 $0x800;
	[sflag:s22] =	ssyncset.done $0x0  }
.LBB2_6:
0xa3: {  	s10 =	sadd.s32 $0x80, s0  }
0xa4: {  	[sflag:s22] =	ssyncadd.s32 $0xFFFFC000;
	s11 =	smov.u32 s3;
	s12 =	sadd.s32 $0x400, s3  }
0xa5: {  	[tilespmem:s25], [sflag:$0x2] =	stream.indirect.gather [hbm4b:s1+s24], $0x80, s10, s24, $0xb8;
	[tilespmem:$0x1E400] =	vst v63  }
0xa6: {  	p1 =	sne.s32 s3, $0x4800;
	_ =	swait.ge [sflag:s26], $0x4000  }
0xa7: {  	[sflag:s26] =	ssyncset.done $0x0  }
0xa8: {  	s3 =	sadd.s32 $0x1400, s0;
	[sflag:s26] =	ssyncadd.s32 $0xFFFFC000  }
0xa9: {  	[spmem:s2] =	stream.indirect.scatter.add.f32 [tilespmem:s21], [sflag:$0x3], $0x80, s3, s24, $0xb8;
	[tilespmem:$0x1E400] =	vst v63  }
0xaa: {  	_ =	swait.ge [sflag:s22], $0x4000  }
0xab: {  	[sflag:s22] =	ssyncset.done $0x0  }
0xac: {  	s3 =	sadd.s32 $0x100, s0;
	[sflag:s22] =	ssyncadd.s32 $0xFFFFC000  }
0xad: {  	[tilespmem:s21], [sflag:$0x1] =	stream.indirect.gather [hbm4b:s1+s24], $0x80, s3, s24, $0xb8;
	[tilespmem:$0x1E400] =	vst v63  }
0xae: {  	_ =	swait.ge [sflag:s28], $0x4000  }
.Ltmp2:
0xaf: {  	[sflag:s28] =	ssyncset.done $0x0;
	(pc) =	sbr.rel @p1 .LBB2_6-.Ltmp2, $4  }
0xb0: {  	s0 =	sadd.s32 $0x1480, s0;
	[sflag:s28] =	ssyncadd.s32 $0xFFFFC000  }
0xb1: {  	[spmem:s2] =	stream.indirect.scatter.add.f32 [tilespmem:s25], [sflag:$0x3], $0x80, s0, s24, $0xb8;
	[tilespmem:$0x1E400] =	vst v63  }
0xb2: {  	_ =	swait.ge [sflag:s22], $0x4000  }
0xb3: {  	s3 =	smov.u32 s12;
	s0 =	sshra.s32 s11, $0x2;
	[sflag:s22] =	ssyncset.done $0x0  }
0xb4: {  	s3 =	sadd.s32 $0x80, s0;
	[sflag:s22] =	ssyncadd.s32 $0xFFFFC000  }
0xb5: {  	[tilespmem:s25], [sflag:$0x2] =	stream.indirect.gather [hbm4b:s1+s24], $0x80, s3, s24, $0xb8;
	[tilespmem:$0x1E400] =	vst v63  }
0xb6: {  	_ =	swait.ge [sflag:s26], $0x4000  }
0xb7: {  	[sflag:s26] =	ssyncset.done $0x0  }
0xb8: {  	s11 =	sadd.s32 $0x1400, s0;
	[sflag:s26] =	ssyncadd.s32 $0xFFFFC000  }
0xb9: {  	[spmem:s2] =	stream.indirect.scatter.add.f32 [tilespmem:s21], [sflag:$0x3], $0x80, s11, s24, $0xb8;
	[tilespmem:$0x1E400] =	vst v63  }
0xba: {  	_ =	swait.ge [sflag:s22], $0x4000  }
0xbb: {  	[sflag:s22] =	ssyncset.done $0x0  }
0xbc: {  	s12 =	sadd.s32 $0x100, s0;
	[sflag:s22] =	ssyncadd.s32 $0xFFFFC000  }
0xbd: {  	[tilespmem:s21], [sflag:$0x1] =	stream.indirect.gather [hbm4b:s1+s24], $0x80, s12, s24, $0xb8;
	[tilespmem:$0x1E400] =	vst v63  }
0xbe: {  	_ =	swait.ge [sflag:s28], $0x4000  }
0xbf: {  	[sflag:s28] =	ssyncset.done $0x0  }
0xc0: {  	s10 =	sadd.s32 $0x1480, s0;
	[sflag:s28] =	ssyncadd.s32 $0xFFFFC000  }
0xc1: {  	[spmem:s2] =	stream.indirect.scatter.add.f32 [tilespmem:s25], [sflag:$0x3], $0x80, s10, s24, $0xb8;
	[tilespmem:$0x1E400] =	vst v63  }
0xc2: {  	_ =	swait.ge [sflag:s22], $0x4000  }
0xc3: {  	[sflag:s22] =	ssyncset.done $0x0  }
0xc4: {  	[sflag:s22] =	ssyncadd.s32 $0xFFFFC000  }
0xc5: {  	[tilespmem:s25], [sflag:$0x2] =	stream.indirect.gather [hbm4b:s1+s24], $0x80, s29, s24, $0xb8;
	[tilespmem:$0x1E400] =	vst v63  }
0xc6: {  	_ =	swait.ge [sflag:s26], $0x4000  }
0xc7: {  	[sflag:s26] =	ssyncset.done $0x0  }
0xc8: {  	[sflag:s26] =	ssyncadd.s32 $0xFFFFC000  }
0xc9: {  	[spmem:s2] =	stream.indirect.scatter.add.f32 [tilespmem:s21], [sflag:$0x3], $0x80, s30, s24, $0xb8;
	[tilespmem:$0x1E400] =	vst v63  }
0xca: {  	_ =	swait.ge [sflag:s22], $0x4000  }
0xcb: {  	[sflag:s22] =	ssyncset.done $0x0  }
0xcc: {  	[sflag:s22] =	ssyncadd.s32 $0xFFFFC000  }
0xcd: {  	_ =	swait.ge [sflag:s28], $0x4000  }
0xce: {  	[sflag:s28] =	ssyncset.done $0x0  }
0xcf: {  	[sflag:s28] =	ssyncadd.s32 $0xFFFFC000  }
0xd0: {  	[spmem:s2] =	stream.indirect.scatter.add.f32 [tilespmem:s25], [sflag:$0x3], $0x80, s31, s24, $0xb8;
	[tilespmem:$0x1E400] =	vst v63  }
0xd1: {  	_ =	swait.ge [sflag:s22], $0x4000  }
0xd2: {  	[sflag:s22] =	ssyncset.done $0x0  }
0xd3: {  	s11 =	stileid.u32;
	[sflag:s22] =	ssyncadd.s32 $0xFFFFC000  }
0xd4: {  	s0 =	sshll.u32 s11, $0x6;
	[bflag:$0x0] =	sbarrier.arrive $0xFFFF  }
0xd5: {  	s0 =	sor.u32 $0x1C03, s0;
	s12 =	sshrl.u32 s5, $0x3;
	s10 =	rddreg [dreg:$0x4]  }
0xd6: {  	[hbm:s10], [sflag:s0] =	dma.local [spmem:s12], $0x800  }
0xd7: {  	_ =	swait.ge [sflag:s22], $0x800  }
0xd8: {  	[sflag:s22] =	ssyncset.done $0x0  }
0xd9: {  	s11 =	sshrl.u32 s6, $0x3;
	s12 =	rddreg [dreg:$0x5];
	[sflag:s22] =	ssyncadd.s32 $0xFFFFF800  }
0xda: {  	[hbm:s12], [sflag:s0] =	dma.local [spmem:s11], $0x800  }
0xdb: {  	_ =	swait.ge [sflag:s22], $0x800  }
0xdc: {  	[sflag:s22] =	ssyncset.done $0x0  }
0xdd: {  	s10 =	sshrl.u32 s7, $0x3;
	s11 =	rddreg [dreg:$0x6];
	[sflag:s22] =	ssyncadd.s32 $0xFFFFF800  }
0xde: {  	[hbm:s11], [sflag:s0] =	dma.local [spmem:s10], $0x800  }
0xdf: {  	_ =	swait.ge [sflag:s22], $0x800  }
0xe0: {  	[sflag:s22] =	ssyncset.done $0x0  }
0xe1: {  	s12 =	sshrl.u32 s8, $0x3;
	[sflag:s22] =	ssyncadd.s32 $0xFFFFF800  }
0xe2: {  	[hbm:s13], [sflag:s0] =	dma.local [spmem:s12], $0x800  }
0xe3: {  	_ =	swait.ge [sflag:s22], $0x800  }
0xe4: {  	[sflag:s22] =	ssyncset.done $0x0  }
0xe5: {  	s3 =	sshrl.u32 @p0 s9, $0x3;
	[sflag:s22] =	ssyncadd.s32 $0xFFFFF800  }
0xe6: {  	[hbm:s15], [sflag:s0] =	dma.local @p0 [spmem:s3], $0x80  }
0xe7: {  	s3 =	simm.s32 @p0 $0x3  }
0xe8: {  	_ =	swait.ge @p0 [sflag:s3], $0x80  }
0xe9: {  	s4 =	sadd.s32 $0x1, s4;
	[sflag:s3] =	ssyncset.done @p0 $0x0  }
0xea: {  	p1 =	sne.s32 s4, s16;
	[sflag:s3] =	ssyncadd.s32 @p0 $0xFFFFFF80;
	s3 =	sshrl.u32 @!p0 s9, $0x3  }
0xeb: {  	[hbm:s14], [sflag:s0] =	dma.local @!p0 [spmem:s3], $0x780  }
.Ltmp3:
0xec: {  	_ = 	snop;
	(pc) =	sbr.rel @p1 .LBB2_1-.Ltmp3, $4  }
0xed: {  	s0 =	simm.s32 @!p0 $0x3  }
0xee: {  	_ =	swait.ge @!p0 [sflag:s0], $0x780  }
0xef: {  	[sflag:s0] =	ssyncset.done @!p0 $0x0  }
0xf0: {  	[sflag:s0] =	ssyncadd.s32 @!p0 $0xFFFFF880  }
0xf1: {  	_ =	sfence.sel $0x180000  }
0xf2: {  	[bflag:$0x0] =	sbarrier.arrive $0xFFFF  }
0xf3: {  	_ =	strace $0x90000047  }
0xf4: {  	s0 =	stileid.u32;
	[bflag:$0x2] =	sbarrier.arrive $0xFFFF  }
0xf5: {  	p0 =	sne.s32 s0, $0x0;
	s0 =	rddreg [dreg:$0x3]  }
0xf6: {  	s0 =	sadd.s32 @!p0 $0x100000, s0  }
0xf7: {  	[sflag:s0] =	ssyncadd.tile.s32 @!p0 $0x1;
	_ =	shalt  }
.Lfunc_end2:
_tile_overlayer_lowered:
.L_overlay_start_2:
0xf8: {  	(tag) =	ssettag $0x2  }
0xf9: {  	s0 =	rddreg [dreg:$0x0];
	s2 =	stileid.u32  }
0xfa: {  	s1 =	rddreg [dreg:$0x1];
	p0 =	sne.s32 s2, $0x0  }
0xfb: {  	s3 =	rddreg [dreg:$0x2];
	[bflag:$0x3] =	sbarrier.arrive $0xFFFF;
	s2 =	simm.s32 @!p0 $0x1C03  }
0xfc: {  	[timem:s3], [sflag:s2] =	dma.local @!p0 [hbm:s0], s1  }
0xfd: {  	s0 =	simm.s32 @!p0 $0x3  }
0xfe: {  	_ =	swait.ge @!p0 [sflag:s0], s1  }
0xff: {  	s1 =	ssub.s32 @!p0 $0x0, s1;
	[sflag:s0] =	ssyncset.done @!p0 $0x0  }
0x100: {  	[sflag:s0] =	ssyncadd.s32 @!p0 s1  }
0x101: {  	[bflag:$0x3] =	sbarrier.arrive $0xFFFF  }
0x102: {  	_ =	shalt  }

// kernel: kernel.14.cloned.1.call-start
scs
__scs_entry_jumppad:
0x0: {  	(pc) =	sbr.rel $0x88, $3  }
0x1: {  	(tag) =	ssettag $0x0;
	lr =	simm.s32 $0x1  }
0x2: {  	[smem:$0x3F85] =	sst lr;
	_ =	strace $0xD0000000  }
0x3: {  	_ = 	snop  }
0x4: {  	_ = 	snop  }
0x5: {  	_ = 	snop  }
0x6: {  	_ = 	snop  }
0x7: {  	_ = 	snop  }
__scs_overlays_trampoline_lowered:
0x8: {  	[smem:$0x3F94] =	sst s0  }
0x9: {  	[smem:$0x3F95] =	sst s1  }
0xa: {  	[smem:$0x3F96] =	sst s2  }
0xb: {  	[smem:$0x3F97] =	sst s3  }
0xc: {  	[smem:$0x3F98] =	sst s4  }
0xd: {  	[smem:$0x3F99] =	sst s5  }
0xe: {  	[smem:$0x3F9A] =	sst s6  }
0xf: {  	[smem:$0x3F9B] =	sst s7  }
0x10: {  	[smem:$0x3F9C] =	sst s8  }
0x11: {  	[smem:$0x3F9D] =	sst s9;
	s0 =	simm.s32 @!p0 $0x0  }
0x12: {  	s1 =	sld [smem:$0x3F83];
	s0 =	simm.s32 @p0 $0x1  }
0x13: {  	[smem:$0x3F9E] =	sst s0;
	s0 =	simm.s32 @!p1 $0x0  }
0x14: {  	s2 =	sld [smem:$0x3F82];
	s0 =	simm.s32 @p1 $0x1  }
0x15: {  	[smem:$0x3F9F] =	sst s0;
	s0 =	simm.s32 @!p2 $0x0  }
0x16: {  	s3 =	sld [smem:$0x3FDB];
	s0 =	simm.s32 @p2 $0x1  }
0x17: {  	s4 =	simm.s32 $0x1BF5;
	[smem:$0x3FA1] =	sst s0  }
0x18: {  	s0 =	sld [smem:$0x3F84];
	_ =	swait.ge [sflag:s4], $0x0  }
0x19: {  	s7 =	sld [smem:$0x3F85]  }
0x1a: {  	s8 =	sadd.s32 $0xFFFFE003, lr  }
0x1b: {  	s9 =	sadd.s32 $0xFFFFFEF7, lr;
	s5 =	simm.s32 $0xFFFFFFFF;
	p2 =	slt.u32 s8, $0xFFFFF086  }
0x1c: {  	p1 =	slt.u32 s9, $0xF7A;
	s5 =	simm.s32 @!p2 $0x0  }
0x1d: {  	s5 =	simm.s32 @p1 $0x1;
	p0 =	seq.s32 s7, s2  }
0x1e: {  	s7 =	smul.u32 @!p0 $0xF7A, s2;
	p2 =	seq.s32 @!p0 s5, $0x0  }
0x1f: {  	s9 =	smul.u32 $0xF7A, s1;
	s8 =	simm.s32 @!p0 $0x1BF5;
	p2 =	por !p2, p0  }
0x20: {  	[sflag:s8] =	ssyncset.s32 @!p0 $0xFFFFF086;
	s6 =	sadd.s32 @!p0 s3, s7;
	s7 =	simm.s32 @!p0 $0x108  }
0x21: {  	s3 =	sadd.s32 s3, s9;
	s6 =	sadd.s32 @!p0 $0x88, s6;
	s7 =	simm.s32 @p2 $0x1082  }
0x22: {  	[simem:s7], [sflag:s8] =	dma.local @!p0 [hbm:s6], $0xF7A  }
0x23: {  	s9 =	sor.u32 $0xD0000000, s2;
	s6 =	simm.s32 $0x108;
	_ =	swait.ge @!p0 [sflag:s8], $0x0  }
0x24: {  	s3 =	sadd.s32 $0x88, s3;
	s6 =	simm.s32 @!p1 $0x1082;
	[sflag:s4] =	ssyncset.s32 $0xFFFFF086  }
0x25: {  	[simem:s6], [sflag:s4] =	dma.local [hbm:s3], $0xF7A  }
0x26: {  	[smem:$0x3F85] =	sst s1;
	(tag) =	ssettag s2;
	_ =	strace s9  }
0x27: {  	s1 =	sld [smem:$0x3F95]  }
0x28: {  	s2 =	sld [smem:$0x3F96]  }
0x29: {  	s4 =	sld [smem:$0x3F98]  }
0x2a: {  	p0 =	seq.s32 s5, $0x0;
	s5 =	sld [smem:$0x3F99]  }
0x2b: {  	s6 =	sld [smem:$0x3F9A]  }
0x2c: {  	s7 =	sld [smem:$0x3F9B]  }
0x2d: {  	s3 =	simm.s32 $0x108;
	s8 =	sld [smem:$0x3F9C]  }
0x2e: {  	s3 =	simm.s32 @!p0 $0x1082;
	s9 =	sld [smem:$0x3F9D]  }
0x2f: {  	lr =	sadd.s32 s0, s3;
	s0 =	sld [smem:$0x3F94]  }
0x30: {  	s3 =	sld [smem:$0x3F97]  }
0x31: {  	[smem:$0x3FA0] =	sst s10  }
0x32: {  	s10 =	sld [smem:$0x3F9E];
	_ =	sdelay $0x3  }
0x33: {  	p0 =	seq.s32 s10, $0x1;
	s10 =	sld [smem:$0x3FA0];
	_ =	sdelay $0x3  }
0x34: {  	[smem:$0x3FA0] =	sst s10  }
0x35: {  	s10 =	sld [smem:$0x3F9F];
	_ =	sdelay $0x3  }
0x36: {  	p1 =	seq.s32 s10, $0x1;
	s10 =	sld [smem:$0x3FA0];
	_ =	sdelay $0x3  }
0x37: {  	[smem:$0x3FA0] =	sst s10  }
0x38: {  	s10 =	sld [smem:$0x3FA1]  }
0x39: {  	_ = 	snop;
	(pc) =	sbr.ind lr, $3  }
0x3a: {  	_ = 	snop  }
0x3b: {  	_ = 	snop  }
0x3c: {  	p2 =	seq.s32 s10, $0x1;
	s10 =	sld [smem:$0x3FA0]  }
0x3d: {  	_ =	shalt  }
0x3e: {  	_ =	shalt  }
0x3f: {  	_ =	shalt  }
0x40: {  	_ =	shalt  }
0x41: {  	_ =	shalt  }
0x42: {  	_ =	shalt  }
0x43: {  	_ =	shalt  }
0x44: {  	_ =	shalt  }
0x45: {  	_ =	shalt  }
0x46: {  	_ =	shalt  }
0x47: {  	_ =	shalt  }
0x48: {  	_ =	shalt  }
0x49: {  	_ =	shalt  }
0x4a: {  	_ =	shalt  }
0x4b: {  	_ =	shalt  }
0x4c: {  	_ =	shalt  }
0x4d: {  	_ =	shalt  }
0x4e: {  	_ =	shalt  }
0x4f: {  	_ =	shalt  }
0x50: {  	_ =	shalt  }
0x51: {  	_ =	shalt  }
0x52: {  	_ =	shalt  }
0x53: {  	_ =	shalt  }
0x54: {  	_ =	shalt  }
0x55: {  	_ =	shalt  }
0x56: {  	_ =	shalt  }
0x57: {  	_ =	shalt  }
0x58: {  	_ =	shalt  }
0x59: {  	_ =	shalt  }
0x5a: {  	_ =	shalt  }
0x5b: {  	_ =	shalt  }
0x5c: {  	_ =	shalt  }
0x5d: {  	_ =	shalt  }
0x5e: {  	_ =	shalt  }
0x5f: {  	_ =	shalt  }
0x60: {  	_ =	shalt  }
0x61: {  	_ =	shalt  }
0x62: {  	_ =	shalt  }
0x63: {  	_ =	shalt  }
0x64: {  	_ =	shalt  }
0x65: {  	_ =	shalt  }
0x66: {  	_ =	shalt  }
0x67: {  	_ =	shalt  }
0x68: {  	_ =	shalt  }
0x69: {  	_ =	shalt  }
0x6a: {  	_ =	shalt  }
0x6b: {  	_ =	shalt  }
0x6c: {  	_ =	shalt  }
0x6d: {  	_ =	shalt  }
0x6e: {  	_ =	shalt  }
0x6f: {  	_ =	shalt  }
0x70: {  	_ =	shalt  }
0x71: {  	_ =	shalt  }
0x72: {  	_ =	shalt  }
0x73: {  	_ =	shalt  }
0x74: {  	_ =	shalt  }
0x75: {  	_ =	shalt  }
0x76: {  	_ =	shalt  }
0x77: {  	_ =	shalt  }
0x78: {  	_ =	shalt  }
0x79: {  	_ =	shalt  }
0x7a: {  	_ =	shalt  }
0x7b: {  	_ =	shalt  }
0x7c: {  	_ =	shalt  }
0x7d: {  	_ =	shalt  }
0x7e: {  	_ =	shalt  }
0x7f: {  	_ =	shalt  }
0x80: {  	_ =	shalt  }
0x81: {  	_ =	shalt  }
0x82: {  	_ =	shalt  }
0x83: {  	_ =	shalt  }
0x84: {  	_ =	shalt  }
0x85: {  	_ =	shalt  }
0x86: {  	_ =	shalt  }
0x87: {  	_ =	shalt  }
.Lfunc_end0:
.L_simem_size_0:
called_computation.1_lowered:
.L_overlay_start_0:
0x88: {  	s2 =	sld [smem:$0x3FD9]  }
0x89: {  	s3 =	sld [smem:$0x3FFE];
	_ =	sdelay $0x1  }
0x8a: {  	s1 =	srdreg.scid  }
0x8b: {  	s0 =	sand.u32 $0x1, s1  }
0x8c: {  	s16 =	sshll.u32 s0, $0xA;
	s2 =	sadd.s32 s3, s2  }
0x8d: {  	s2 =	sadd.s32 s2, s16  }
0x8e: {  	[smem:$0x3FAC] =	sst s2  }
0x8f: {  	_ = 	snop  }
0x90: {  	(tm) =	ssettm $0x1  }
0x91: {  	s17 =	sld [smem:$0x3FFB];
	_ =	sdelay $0x3  }
0x92: {  	_ =	strace s17  }
0x93: {  	s2 =	sld [smem:$0x3FFC];
	_ =	sdelay $0x3  }
0x94: {  	_ =	strace s2  }
0x95: {  	s2 =	sld [smem:$0x3FFD];
	_ =	sdelay $0x3  }
0x96: {  	_ =	strace s2  }
0x97: {  	_ =	strace $0x8FFFFFFF  }
0x98: {  	s18 =	sld [smem:$0x3FDB];
	_ =	sdelay $0x1  }
0x99: {  	s19 =	simm.s32 $_scs_section_size  }
0x9a: {  	s4 =	simm.s32 $_size__tile_overlayer_lowered;
	s5 =	simm.s32 $_tile_overlayer_lowered  }
0x9b: {  	s22 =	simm.s32 $0x1BFF;
	s21 =	sshll.u32 s5, $0x1;
	s2 =	sadd.s32 s19, s18  }
0x9c: {  	s6 =	simm.s32 $0x0;
	s20 =	sshll.u32 s4, $0x1;
	s4 =	sadd.s32 s21, s2  }
0x9d: {  	[timem:s6], [sflag:s22] =	dma.local [hbm:s4], s20  }
0x9e: {  	_ =	swait.ge [sflag:s22], s20  }
0x9f: {  	s3 =	ssub.s32 $0x0, s20;
	[sflag:s22] =	ssyncset.done $0x0  }
0xa0: {  	[sflag:s22] =	ssyncadd.s32 s3;
	_ =	sdelay $0x1  }
0xa1: {  	s23 =	simm.s32 $0x1B8B  }
0xa2: {  	_ =	swait.ge [sflag:s23], $0x1  }
0xa3: {  	[sflag:s23] =	ssyncset.done $0x0  }
0xa4: {  	s25 =	simm.s32 $0x1B8E;
	s24 =	sld [smem:$0x3FFE];
	[sflag:s23] =	ssyncadd.s32 $0xFFFFFFFF  }
0xa5: {  	s26 =	simm.s32 $execute0_lowered;
	[smem:$0x3FD2] =	sst s25  }
0xa6: {  	s4 =	sshll.u32 s26, $0x1;
	_ =	strace $0x80000049;
	[dreg:$0x1] =	wrdreg $0xFFFFFFFF  }
0xa7: {  	s28 =	simm.s32 $_size_execute0_lowered;
	s2 =	sadd.s32 s2, s4;
	[dreg:$0x0] =	wrdreg $0x0  }
0xa8: {  	s4 =	sshll.u32 s28, $0x1;
	[dreg:$0x2] =	wrdreg s2  }
0xa9: {  	[dreg:$0x3] =	wrdreg s4  }
0xaa: {  	[dreg:$0x4] =	wrdreg $0xC0  }
0xab: {  	_ =	task [dreg:s6], $0x5FFFF  }
0xac: {  	[dreg:$0x1] =	wrdreg $0xFFFFFFFF  }
0xad: {  	[dreg:$0x0] =	wrdreg $0x60  }
0xae: {  	[dreg:$0x2] =	wrdreg s24  }
0xaf: {  	[dreg:$0x3] =	wrdreg $0xA8000  }
0xb0: {  	[dreg:$0x4] =	wrdreg $0x9  }
0xb1: {  	_ =	task.clear_ibuf [dreg:s6], $0x5FFFF;
	_ =	strace $0x90000049  }
0xb2: {  	s29 =	simm.s32 $0x9;
	_ =	strace $0x8000004B  }
0xb3: {  	_ =	swait.ge [sflag:s29], $0x1  }
0xb4: {  	[sflag:s29] =	ssyncadd.s32 $0xFFFFFFFF  }
0xb5: {  	_ =	strace $0x9000004B  }
0xb6: {  	_ =	sfence  }
0xb7: {  	s30 =	sld [smem:$0x0];
	_ =	sdelay $0x2  }
0xb8: {  	s31 =	sshll.u32 s1, $0xD;
	s1 =	sshrl.u32 s1, $0x2  }
0xb9: {  	s3 =	sand.u32 $0x4000, s31;
	s1 =	sadd.s32 s1, s30  }
0xba: {  	s0 =	sor.u32 s3, s0;
	s1 =	sshll.u32 s1, $0x11  }
0xbb: {  	s0 =	sor.u32 s1, s0  }
0xbc: {  	s0 =	sadd.s32 $0x8F2B, s0  }
0xbd: {  	[sflag:s0] =	ssyncadd.remote.s32 $0x1  }
0xbe: {  	_ =	sfence.sel $0xFFFF  }
0xbf: {  	[dreg:$0x0] =	wrdreg $0xFFFFFFFF;
	(pc) =	sbr.abs _section_cstart, $3  }
0xc0: {  	[dreg:$0x1] =	wrdreg $0xFFFFFFFF  }
0xc1: {  	_ =	task.clear_ibuf [dreg:s6], $0x2FFFF;
	_ =	strace $0x9FFFFFFF  }
0xc2: {  	(tm) =	ssettm $0x7FFFFFFF  }
0xc3: {  	_ =	shalt  }
tec
execute0_lowered:
.L_overlay_start_1:
0x0: {  	(tag) =	ssettag $0x1  }
0x1: {  	s0 =	rddreg [dreg:$0x0]  }
0x2: {  	s1 =	rddreg [dreg:$0x1]  }
0x3: {  	s2 =	simm.s32 $0x0;
	s3 =	srdreg.scid;
	s26 =	stileid.u32  }
0x4: {  	s28 =	simm.s32 $0x2;
	s29 =	simm.s32 $0x1380;
	s30 =	simm.s32 $0x2700  }
0x5: {  	s31 =	simm.s32 $0x2780;
	[smem:$0x7FF] =	sst s2;
	s4 =	sadd.s32 $0x1A200, s0  }
0x6: {  	s3 =	sand.u32 $0x1, s3;
	s5 =	sadd.s32 $0x68400, s0;
	s8 =	smul.u32 $0x4F000, s26  }
0x7: {  	s6 =	sadd.s32 $0x10200, s0;
	s14 =	smul.u32 $0x13C00, s26;
	s0 =	sadd.s32 $0x7C400, s0  }
0x8: {  	p0 =	seq.s32 s26, $0xF;
	s7 =	ssub.s32 $0x2, s3;
	s20 =	smul.u32 $0x138800, s3  }
0x9: {  	_ =	strace $0x8000004A;
	s13 =	smul.u32 $0x50000, s3;
	s9 =	sshrl.u32 s7, $0x1  }
0xa: {  	s8 =	sshrl.u32 s8, $0x2;
	s16 =	sadd.s32 $0x4000, s14;
	s17 =	sadd.s32 $0x8000, s14  }
0xb: {  	s18 =	sadd.s32 $0xC000, s14;
	s19 =	sadd.s32 $0x10000, s14;
	s15 =	ssub.s32 s7, s9  }
0xc: {  	s7 =	smul.u32 $0xA0, s26;
	s8 =	sadd.s32 s8, s1;
	s9 =	sadd.s32 s16, s1  }
0xd: {  	s10 =	sadd.s32 s17, s1;
	s11 =	sadd.s32 s18, s1;
	s12 =	sadd.s32 s19, s1  }
0xe: {  	s23 =	sadd.s32 s14, s20;
	s24 =	sadd.s32 s20, s16;
	s25 =	sadd.s32 s20, s17  }
0xf: {  	s22 =	sadd.s32 s20, s18;
	s26 =	simm.s32 $0x1;
	s3 =	sshrl.u32 s23, $0x3  }
0x10: {  	s14 =	sshrl.u32 s24, $0x3;
	s16 =	sshrl.u32 s25, $0x3;
	s23 =	sadd.s32 s20, s19  }
0x11: {  	s24 =	sshrl.u32 s20, $0x3;
	s20 =	smax.u32 s15, $0x1;
	s3 =	sadd.s32 s0, s3  }
0x12: {  	s17 =	sadd.s32 s0, s14;
	s21 =	sadd.s32 s0, s16;
	s14 =	sshrl.u32 s23, $0x3  }
0x13: {  	s25 =	sadd.s32 s0, s24;
	s23 =	simm.s32 $0x1400;
	[dreg:$0x3] =	wrdreg s3  }
0x14: {  	s24 =	simm.s32 $0x80;
	[dreg:$0x4] =	wrdreg s17;
	s3 =	sshrl.u32 s22, $0x3  }
0x15: {  	[dreg:$0x5] =	wrdreg s21;
	s19 =	sadd.s32 $0x27080, s25;
	s3 =	sadd.s32 s0, s3  }
0x16: {  	s21 =	simm.s32 $0x2800;
	s0 =	sadd.s32 s0, s14;
	[dreg:$0x6] =	wrdreg s3  }
0x17: {  	v0 =	vimm.f32 $0.0e+00;
	s22 =	simm.s32 $0x3;
	s25 =	simm.s32 $0x6800;
	[dreg:$0x7] =	wrdreg s0  }
.LBB2_1:
0x18: {  	s0 =	simm.s32 $0x0;
	s3 =	simm.s32 $0x200  }
.LBB2_2:
0x19: {  	p1 =	sne.s32 s3, $0xFE00;
	[tilespmem:s0+$0x2870] =	vst v0  }
0x1a: {  	[tilespmem:s0+$0x2800] =	vst v0  }
0x1b: {  	[tilespmem:s0+$0x2810] =	vst v0  }
.Ltmp0:
0x1c: {  	[tilespmem:s0+$0x2820] =	vst v0;
	(pc) =	sbr.rel @p1 .LBB2_2-.Ltmp0, $4  }
0x1d: {  	[tilespmem:s0+$0x2830] =	vst v0  }
0x1e: {  	[tilespmem:s0+$0x2840] =	vst v0  }
0x1f: {  	[tilespmem:s0+$0x2850] =	vst v0  }
0x20: {  	[tilespmem:s0+$0x2860] =	vst v0;
	s0 =	sshra.s32 s3, $0x2;
	s3 =	sadd.s32 $0x200, s3  }
0x21: {  	[tilespmem:s0+$0x2870] =	vst v0  }
0x22: {  	[tilespmem:s0+$0x2800] =	vst v0  }
0x23: {  	[tilespmem:s0+$0x2810] =	vst v0  }
0x24: {  	[tilespmem:s0+$0x2820] =	vst v0  }
0x25: {  	[tilespmem:s0+$0x2830] =	vst v0  }
0x26: {  	[tilespmem:s0+$0x2840] =	vst v0  }
0x27: {  	[tilespmem:s0+$0x2850] =	vst v0  }
0x28: {  	[tilespmem:s0+$0x2860] =	vst v0  }
0x29: {  	[spmem:s8] =	stream.linear.scatter [tilespmem:s21], [sflag:$0x3], $0x4000, $0x38;
	[tilespmem:$0x1E400] =	vst v63  }
0x2a: {  	_ =	swait.ge [sflag:s22], $0x4000  }
0x2b: {  	[sflag:s22] =	ssyncset.done $0x0  }
0x2c: {  	[sflag:s22] =	ssyncadd.s32 $0xFFFFC000  }
0x2d: {  	[spmem:s9] =	stream.linear.scatter [tilespmem:s21], [sflag:$0x3], $0x4000, $0x38;
	[tilespmem:$0x1E400] =	vst v63  }
0x2e: {  	_ =	swait.ge [sflag:s22], $0x4000  }
0x2f: {  	[sflag:s22] =	ssyncset.done $0x0  }
0x30: {  	[sflag:s22] =	ssyncadd.s32 $0xFFFFC000  }
0x31: {  	[spmem:s10] =	stream.linear.scatter [tilespmem:s21], [sflag:$0x3], $0x4000, $0x38;
	[tilespmem:$0x1E400] =	vst v63  }
0x32: {  	_ =	swait.ge [sflag:s22], $0x4000  }
0x33: {  	[sflag:s22] =	ssyncset.done $0x0  }
0x34: {  	[sflag:s22] =	ssyncadd.s32 $0xFFFFC000  }
0x35: {  	[spmem:s11] =	stream.linear.scatter [tilespmem:s21], [sflag:$0x3], $0x4000, $0x38;
	[tilespmem:$0x1E400] =	vst v63  }
0x36: {  	_ =	swait.ge [sflag:s22], $0x4000  }
0x37: {  	[sflag:s22] =	ssyncset.done $0x0  }
0x38: {  	[sflag:s22] =	ssyncadd.s32 $0xFFFFC000  }
0x39: {  	[spmem:s12] =	stream.linear.scatter [tilespmem:s21], [sflag:$0x3], $0x3C00, $0x38;
	[tilespmem:$0x1E400] =	vst v63  }
0x3a: {  	_ =	swait.ge [sflag:s22], $0x3C00  }
0x3b: {  	[sflag:s22] =	ssyncset.done $0x0  }
0x3c: {  	[sflag:s22] =	ssyncadd.s32 $0xFFFFC400  }
0x3d: {  	s0 =	simm.s32 $0x0;
	s3 =	simm.s32 $0x0;
	[bflag:$0x0] =	sbarrier.arrive $0xFFFF  }
.LBB2_4:
0x3e: {  	s14 =	smul.u32 $0x28, s3;
	_ =	sdelay $0x1  }
0x3f: {  	s14 =	sadd.s32 s7, s14  }
0x40: {  	s15 =	sshll.u32 s14, $0x7  }
0x41: {  	s15 =	sadd.s32 s13, s15  }
0x42: {  	s15 =	sshrl.u32 s15, $0x3  }
0x43: {  	s15 =	sadd.s32 s5, s15  }
0x44: {  	[tilespmem:s0], [sflag:$0x3] =	stream.linear.gather [hbm4b:s15+s0], $0x1400, $0x38;
	[tilespmem:$0x1E400] =	vst v63  }
0x45: {  	_ =	swait.ge [sflag:s22], $0x1400  }
0x46: {  	s14 =	sshll.u32 s14, $0x4;
	[sflag:s22] =	ssyncset.done $0x0  }
0x47: {  	s14 =	sadd.s32 s6, s14;
	[sflag:s22] =	ssyncadd.s32 $0xFFFFEC00  }
0x48: {  	[tilespmem:s23], [sflag:$0x3] =	stream.linear.gather [hbm4b:s14+s0], $0x1400, $0x38;
	[tilespmem:$0x1E400] =	vst v63  }
0x49: {  	_ =	swait.ge [sflag:s22], $0x1400  }
0x4a: {  	[sflag:s22] =	ssyncset.done $0x0  }
0x4b: {  	[sflag:s22] =	ssyncadd.s32 $0xFFFFEC00  }
0x4c: {  	[tilespmem:s21], [sflag:$0x1] =	stream.indirect.gather [hbm4b:s4+s24], $0x80, s0, s24, $0xb8;
	[tilespmem:$0x1E400] =	vst v63  }
0x4d: {  	s15 =	simm.s32 $0x80  }
0x4e: {  	[tilespmem:s25], [sflag:$0x2] =	stream.indirect.gather [hbm4b:s4+s24], $0x80, s15, s24, $0xb8;
	[tilespmem:$0x1E400] =	vst v63  }
0x4f: {  	_ =	swait.ge [sflag:s26], $0x4000  }
0x50: {  	[sflag:s26] =	ssyncset.done $0x0  }
0x51: {  	s16 =	simm.s32 $0x1400;
	[sflag:s26] =	ssyncadd.s32 $0xFFFFC000  }
0x52: {  	[spmem:s1] =	stream.indirect.scatter.add.f32 [tilespmem:s21], [sflag:$0x3], $0x80, s16, s24, $0xb8;
	[tilespmem:$0x1E400] =	vst v63  }
0x53: {  	_ =	swait.ge [sflag:s22], $0x4000  }
0x54: {  	[sflag:s22] =	ssyncset.done $0x0  }
0x55: {  	s17 =	simm.s32 $0x100;
	[sflag:s22] =	ssyncadd.s32 $0xFFFFC000  }
0x56: {  	[tilespmem:s21], [sflag:$0x1] =	stream.indirect.gather [hbm4b:s4+s24], $0x80, s17, s24, $0xb8;
	[tilespmem:$0x1E400] =	vst v63  }
0x57: {  	_ =	swait.ge [sflag:s28], $0x4000  }
0x58: {  	[sflag:s28] =	ssyncset.done $0x0  }
0x59: {  	s18 =	simm.s32 $0x1480;
	[sflag:s28] =	ssyncadd.s32 $0xFFFFC000  }
0x5a: {  	[spmem:s1] =	stream.indirect.scatter.add.f32 [tilespmem:s25], [sflag:$0x3], $0x80, s18, s24, $0xb8;
	[tilespmem:$0x1E400] =	vst v63  }
0x5b: {  	_ =	swait.ge [sflag:s22], $0x4000  }
0x5c: {  	s14 =	simm.s32 $0x100;
	s15 =	simm.s32 $0x800;
	[sflag:s22] =	ssyncset.done $0x0  }
.LBB2_5:
0x5d: {  	s16 =	sadd.s32 $0x80, s14  }
0x5e: {  	[sflag:s22] =	ssyncadd.s32 $0xFFFFC000;
	s17 =	smov.u32 s15;
	s18 =	sadd.s32 $0x400, s15  }
0x5f: {  	[tilespmem:s25], [sflag:$0x2] =	stream.indirect.gather [hbm4b:s4+s24], $0x80, s16, s24, $0xb8;
	[tilespmem:$0x1E400] =	vst v63  }
0x60: {  	p1 =	sne.s32 s15, $0x4800;
	_ =	swait.ge [sflag:s26], $0x4000  }
0x61: {  	[sflag:s26] =	ssyncset.done $0x0  }
0x62: {  	s15 =	sadd.s32 $0x1400, s14;
	[sflag:s26] =	ssyncadd.s32 $0xFFFFC000  }
0x63: {  	[spmem:s1] =	stream.indirect.scatter.add.f32 [tilespmem:s21], [sflag:$0x3], $0x80, s15, s24, $0xb8;
	[tilespmem:$0x1E400] =	vst v63  }
0x64: {  	_ =	swait.ge [sflag:s22], $0x4000  }
0x65: {  	[sflag:s22] =	ssyncset.done $0x0  }
0x66: {  	s15 =	sadd.s32 $0x100, s14;
	[sflag:s22] =	ssyncadd.s32 $0xFFFFC000  }
0x67: {  	[tilespmem:s21], [sflag:$0x1] =	stream.indirect.gather [hbm4b:s4+s24], $0x80, s15, s24, $0xb8;
	[tilespmem:$0x1E400] =	vst v63  }
0x68: {  	_ =	swait.ge [sflag:s28], $0x4000  }
.Ltmp1:
0x69: {  	[sflag:s28] =	ssyncset.done $0x0;
	(pc) =	sbr.rel @p1 .LBB2_5-.Ltmp1, $4  }
0x6a: {  	s14 =	sadd.s32 $0x1480, s14;
	[sflag:s28] =	ssyncadd.s32 $0xFFFFC000  }
0x6b: {  	[spmem:s1] =	stream.indirect.scatter.add.f32 [tilespmem:s25], [sflag:$0x3], $0x80, s14, s24, $0xb8;
	[tilespmem:$0x1E400] =	vst v63  }
0x6c: {  	_ =	swait.ge [sflag:s22], $0x4000  }
0x6d: {  	s15 =	smov.u32 s18;
	s14 =	sshra.s32 s17, $0x2;
	[sflag:s22] =	ssyncset.done $0x0  }
0x6e: {  	s15 =	sadd.s32 $0x80, s14;
	[sflag:s22] =	ssyncadd.s32 $0xFFFFC000  }
0x6f: {  	[tilespmem:s25], [sflag:$0x2] =	stream.indirect.gather [hbm4b:s4+s24], $0x80, s15, s24, $0xb8;
	[tilespmem:$0x1E400] =	vst v63  }
0x70: {  	_ =	swait.ge [sflag:s26], $0x4000  }
0x71: {  	[sflag:s26] =	ssyncset.done $0x0  }
0x72: {  	s16 =	sadd.s32 $0x1400, s14;
	[sflag:s26] =	ssyncadd.s32 $0xFFFFC000  }
0x73: {  	[spmem:s1] =	stream.indirect.scatter.add.f32 [tilespmem:s21], [sflag:$0x3], $0x80, s16, s24, $0xb8;
	[tilespmem:$0x1E400] =	vst v63  }
0x74: {  	_ =	swait.ge [sflag:s22], $0x4000  }
0x75: {  	[sflag:s22] =	ssyncset.done $0x0  }
0x76: {  	s17 =	sadd.s32 $0x100, s14;
	[sflag:s22] =	ssyncadd.s32 $0xFFFFC000  }
0x77: {  	[tilespmem:s21], [sflag:$0x1] =	stream.indirect.gather [hbm4b:s4+s24], $0x80, s17, s24, $0xb8;
	[tilespmem:$0x1E400] =	vst v63  }
0x78: {  	_ =	swait.ge [sflag:s28], $0x4000  }
0x79: {  	[sflag:s28] =	ssyncset.done $0x0  }
0x7a: {  	s18 =	sadd.s32 $0x1480, s14;
	[sflag:s28] =	ssyncadd.s32 $0xFFFFC000  }
0x7b: {  	[spmem:s1] =	stream.indirect.scatter.add.f32 [tilespmem:s25], [sflag:$0x3], $0x80, s18, s24, $0xb8;
	[tilespmem:$0x1E400] =	vst v63  }
0x7c: {  	_ =	swait.ge [sflag:s22], $0x4000  }
0x7d: {  	[sflag:s22] =	ssyncset.done $0x0  }
0x7e: {  	[sflag:s22] =	ssyncadd.s32 $0xFFFFC000  }
0x7f: {  	[tilespmem:s25], [sflag:$0x2] =	stream.indirect.gather [hbm4b:s4+s24], $0x80, s29, s24, $0xb8;
	[tilespmem:$0x1E400] =	vst v63  }
0x80: {  	_ =	swait.ge [sflag:s26], $0x4000  }
0x81: {  	[sflag:s26] =	ssyncset.done $0x0  }
0x82: {  	[sflag:s26] =	ssyncadd.s32 $0xFFFFC000  }
0x83: {  	[spmem:s1] =	stream.indirect.scatter.add.f32 [tilespmem:s21], [sflag:$0x3], $0x80, s30, s24, $0xb8;
	[tilespmem:$0x1E400] =	vst v63  }
0x84: {  	_ =	swait.ge [sflag:s22], $0x4000  }
0x85: {  	[sflag:s22] =	ssyncset.done $0x0  }
0x86: {  	[sflag:s22] =	ssyncadd.s32 $0xFFFFC000  }
0x87: {  	s3 =	sadd.s32 $0x1, s3;
	_ =	swait.ge [sflag:s28], $0x4000  }
0x88: {  	p1 =	sne.s32 s3, $0x4;
	[sflag:s28] =	ssyncset.done $0x0  }
.Ltmp2:
0x89: {  	[sflag:s28] =	ssyncadd.s32 $0xFFFFC000;
	(pc) =	sbr.rel @p1 .LBB2_4-.Ltmp2, $4  }
0x8a: {  	[spmem:s1] =	stream.indirect.scatter.add.f32 [tilespmem:s25], [sflag:$0x3], $0x80, s31, s24, $0xb8;
	[tilespmem:$0x1E400] =	vst v63  }
0x8b: {  	_ =	swait.ge [sflag:s22], $0x4000  }
0x8c: {  	[sflag:s22] =	ssyncset.done $0x0  }
0x8d: {  	[sflag:s22] =	ssyncadd.s32 $0xFFFFC000  }
0x8e: {  	s0 =	stileid.u32  }
0x8f: {  	[bflag:$0x0] =	sbarrier.arrive $0xFFFF;
	s0 =	sshll.u32 s0, $0x6  }
0x90: {  	s3 =	sshrl.u32 s8, $0x3;
	s14 =	rddreg [dreg:$0x3];
	s0 =	sor.u32 $0x1C03, s0  }
0x91: {  	[hbm:s14], [sflag:s0] =	dma.local [spmem:s3], $0x800  }
0x92: {  	_ =	swait.ge [sflag:s22], $0x800  }
0x93: {  	[sflag:s22] =	ssyncset.done $0x0  }
0x94: {  	s17 =	sshrl.u32 s9, $0x3;
	s18 =	rddreg [dreg:$0x4];
	[sflag:s22] =	ssyncadd.s32 $0xFFFFF800  }
0x95: {  	[hbm:s18], [sflag:s0] =	dma.local [spmem:s17], $0x800  }
0x96: {  	_ =	swait.ge [sflag:s22], $0x800  }
0x97: {  	[sflag:s22] =	ssyncset.done $0x0  }
0x98: {  	s15 =	sshrl.u32 s10, $0x3;
	s16 =	rddreg [dreg:$0x5];
	[sflag:s22] =	ssyncadd.s32 $0xFFFFF800  }
0x99: {  	[hbm:s16], [sflag:s0] =	dma.local [spmem:s15], $0x800  }
0x9a: {  	_ =	swait.ge [sflag:s22], $0x800  }
0x9b: {  	[sflag:s22] =	ssyncset.done $0x0  }
0x9c: {  	s17 =	sshrl.u32 s11, $0x3;
	s18 =	rddreg [dreg:$0x6];
	[sflag:s22] =	ssyncadd.s32 $0xFFFFF800  }
0x9d: {  	[hbm:s18], [sflag:s0] =	dma.local [spmem:s17], $0x800  }
0x9e: {  	_ =	swait.ge [sflag:s22], $0x800  }
0x9f: {  	[sflag:s22] =	ssyncset.done $0x0  }
0xa0: {  	s3 =	sshrl.u32 @p0 s12, $0x3;
	[sflag:s22] =	ssyncadd.s32 $0xFFFFF800  }
0xa1: {  	[hbm:s19], [sflag:s0] =	dma.local @p0 [spmem:s3], $0x80  }
0xa2: {  	s3 =	simm.s32 @p0 $0x3  }
0xa3: {  	s2 =	sadd.s32 $0x1, s2;
	_ =	swait.ge @p0 [sflag:s3], $0x80  }
0xa4: {  	p1 =	sne.s32 s2, s20;
	[sflag:s3] =	ssyncset.done @p0 $0x0  }
0xa5: {  	s14 =	rddreg [dreg:$0x7];
	[sflag:s3] =	ssyncadd.s32 @p0 $0xFFFFFF80;
	s3 =	sshrl.u32 @!p0 s12, $0x3  }
0xa6: {  	[hbm:s14], [sflag:s0] =	dma.local @!p0 [spmem:s3], $0x780  }
.Ltmp3:
0xa7: {  	_ = 	snop;
	(pc) =	sbr.rel @p1 .LBB2_1-.Ltmp3, $4  }
0xa8: {  	s0 =	simm.s32 @!p0 $0x3  }
0xa9: {  	_ =	swait.ge @!p0 [sflag:s0], $0x780  }
0xaa: {  	[sflag:s0] =	ssyncset.done @!p0 $0x0  }
0xab: {  	[sflag:s0] =	ssyncadd.s32 @!p0 $0xFFFFF880  }
0xac: {  	_ =	sfence.sel $0x180000  }
0xad: {  	[bflag:$0x0] =	sbarrier.arrive $0xFFFF  }
0xae: {  	_ =	strace $0x9000004A  }
0xaf: {  	s0 =	stileid.u32;
	[bflag:$0x2] =	sbarrier.arrive $0xFFFF  }
0xb0: {  	p0 =	sne.s32 s0, $0x0;
	s0 =	rddreg [dreg:$0x2]  }
0xb1: {  	s0 =	sadd.s32 @!p0 $0x100000, s0  }
0xb2: {  	[sflag:s0] =	ssyncadd.tile.s32 @!p0 $0x1;
	_ =	shalt  }
.Lfunc_end2:
_tile_overlayer_lowered:
.L_overlay_start_2:
0xb3: {  	(tag) =	ssettag $0x2  }
0xb4: {  	s0 =	rddreg [dreg:$0x0];
	s2 =	stileid.u32  }
0xb5: {  	s1 =	rddreg [dreg:$0x1];
	p0 =	sne.s32 s2, $0x0  }
0xb6: {  	s3 =	rddreg [dreg:$0x2];
	[bflag:$0x3] =	sbarrier.arrive $0xFFFF;
	s2 =	simm.s32 @!p0 $0x1C03  }
0xb7: {  	[timem:s3], [sflag:s2] =	dma.local @!p0 [hbm:s0], s1  }
0xb8: {  	s0 =	simm.s32 @!p0 $0x3  }
0xb9: {  	_ =	swait.ge @!p0 [sflag:s0], s1  }
0xba: {  	s1 =	ssub.s32 @!p0 $0x0, s1;
	[sflag:s0] =	ssyncset.done @!p0 $0x0  }
0xbb: {  	[sflag:s0] =	ssyncadd.s32 @!p0 s1  }
0xbc: {  	[bflag:$0x3] =	sbarrier.arrive $0xFFFF  }
0xbd: {  	_ =	shalt  }

// kernel: kernel.17.cloned.1.call-start
scs
__scs_entry_jumppad:
0x0: {  	(pc) =	sbr.rel $0x88, $3  }
0x1: {  	(tag) =	ssettag $0x0;
	lr =	simm.s32 $0x1  }
0x2: {  	[smem:$0x3F85] =	sst lr;
	_ =	strace $0xD0000000  }
0x3: {  	_ = 	snop  }
0x4: {  	_ = 	snop  }
0x5: {  	_ = 	snop  }
0x6: {  	_ = 	snop  }
0x7: {  	_ = 	snop  }
__scs_overlays_trampoline_lowered:
0x8: {  	[smem:$0x3F94] =	sst s0  }
0x9: {  	[smem:$0x3F95] =	sst s1  }
0xa: {  	[smem:$0x3F96] =	sst s2  }
0xb: {  	[smem:$0x3F97] =	sst s3  }
0xc: {  	[smem:$0x3F98] =	sst s4  }
0xd: {  	[smem:$0x3F99] =	sst s5  }
0xe: {  	[smem:$0x3F9A] =	sst s6  }
0xf: {  	[smem:$0x3F9B] =	sst s7  }
0x10: {  	[smem:$0x3F9C] =	sst s8  }
0x11: {  	[smem:$0x3F9D] =	sst s9;
	s0 =	simm.s32 @!p0 $0x0  }
0x12: {  	s1 =	sld [smem:$0x3F83];
	s0 =	simm.s32 @p0 $0x1  }
0x13: {  	[smem:$0x3F9E] =	sst s0;
	s0 =	simm.s32 @!p1 $0x0  }
0x14: {  	s2 =	sld [smem:$0x3F82];
	s0 =	simm.s32 @p1 $0x1  }
0x15: {  	[smem:$0x3F9F] =	sst s0;
	s0 =	simm.s32 @!p2 $0x0  }
0x16: {  	s3 =	sld [smem:$0x3FDB];
	s0 =	simm.s32 @p2 $0x1  }
0x17: {  	s4 =	simm.s32 $0x1BF5;
	[smem:$0x3FA1] =	sst s0  }
0x18: {  	s0 =	sld [smem:$0x3F84];
	_ =	swait.ge [sflag:s4], $0x0  }
0x19: {  	s7 =	sld [smem:$0x3F85]  }
0x1a: {  	s8 =	sadd.s32 $0xFFFFE003, lr  }
0x1b: {  	s9 =	sadd.s32 $0xFFFFFEF7, lr;
	s5 =	simm.s32 $0xFFFFFFFF;
	p2 =	slt.u32 s8, $0xFFFFF086  }
0x1c: {  	p1 =	slt.u32 s9, $0xF7A;
	s5 =	simm.s32 @!p2 $0x0  }
0x1d: {  	s5 =	simm.s32 @p1 $0x1;
	p0 =	seq.s32 s7, s2  }
0x1e: {  	s7 =	smul.u32 @!p0 $0xF7A, s2;
	p2 =	seq.s32 @!p0 s5, $0x0  }
0x1f: {  	s9 =	smul.u32 $0xF7A, s1;
	s8 =	simm.s32 @!p0 $0x1BF5;
	p2 =	por !p2, p0  }
0x20: {  	[sflag:s8] =	ssyncset.s32 @!p0 $0xFFFFF086;
	s6 =	sadd.s32 @!p0 s3, s7;
	s7 =	simm.s32 @!p0 $0x108  }
0x21: {  	s3 =	sadd.s32 s3, s9;
	s6 =	sadd.s32 @!p0 $0x88, s6;
	s7 =	simm.s32 @p2 $0x1082  }
0x22: {  	[simem:s7], [sflag:s8] =	dma.local @!p0 [hbm:s6], $0xF7A  }
0x23: {  	s9 =	sor.u32 $0xD0000000, s2;
	s6 =	simm.s32 $0x108;
	_ =	swait.ge @!p0 [sflag:s8], $0x0  }
0x24: {  	s3 =	sadd.s32 $0x88, s3;
	s6 =	simm.s32 @!p1 $0x1082;
	[sflag:s4] =	ssyncset.s32 $0xFFFFF086  }
0x25: {  	[simem:s6], [sflag:s4] =	dma.local [hbm:s3], $0xF7A  }
0x26: {  	[smem:$0x3F85] =	sst s1;
	(tag) =	ssettag s2;
	_ =	strace s9  }
0x27: {  	s1 =	sld [smem:$0x3F95]  }
0x28: {  	s2 =	sld [smem:$0x3F96]  }
0x29: {  	s4 =	sld [smem:$0x3F98]  }
0x2a: {  	p0 =	seq.s32 s5, $0x0;
	s5 =	sld [smem:$0x3F99]  }
0x2b: {  	s6 =	sld [smem:$0x3F9A]  }
0x2c: {  	s7 =	sld [smem:$0x3F9B]  }
0x2d: {  	s3 =	simm.s32 $0x108;
	s8 =	sld [smem:$0x3F9C]  }
0x2e: {  	s3 =	simm.s32 @!p0 $0x1082;
	s9 =	sld [smem:$0x3F9D]  }
0x2f: {  	lr =	sadd.s32 s0, s3;
	s0 =	sld [smem:$0x3F94]  }
0x30: {  	s3 =	sld [smem:$0x3F97]  }
0x31: {  	[smem:$0x3FA0] =	sst s10  }
0x32: {  	s10 =	sld [smem:$0x3F9E];
	_ =	sdelay $0x3  }
0x33: {  	p0 =	seq.s32 s10, $0x1;
	s10 =	sld [smem:$0x3FA0];
	_ =	sdelay $0x3  }
0x34: {  	[smem:$0x3FA0] =	sst s10  }
0x35: {  	s10 =	sld [smem:$0x3F9F];
	_ =	sdelay $0x3  }
0x36: {  	p1 =	seq.s32 s10, $0x1;
	s10 =	sld [smem:$0x3FA0];
	_ =	sdelay $0x3  }
0x37: {  	[smem:$0x3FA0] =	sst s10  }
0x38: {  	s10 =	sld [smem:$0x3FA1]  }
0x39: {  	_ = 	snop;
	(pc) =	sbr.ind lr, $3  }
0x3a: {  	_ = 	snop  }
0x3b: {  	_ = 	snop  }
0x3c: {  	p2 =	seq.s32 s10, $0x1;
	s10 =	sld [smem:$0x3FA0]  }
0x3d: {  	_ =	shalt  }
0x3e: {  	_ =	shalt  }
0x3f: {  	_ =	shalt  }
0x40: {  	_ =	shalt  }
0x41: {  	_ =	shalt  }
0x42: {  	_ =	shalt  }
0x43: {  	_ =	shalt  }
0x44: {  	_ =	shalt  }
0x45: {  	_ =	shalt  }
0x46: {  	_ =	shalt  }
0x47: {  	_ =	shalt  }
0x48: {  	_ =	shalt  }
0x49: {  	_ =	shalt  }
0x4a: {  	_ =	shalt  }
0x4b: {  	_ =	shalt  }
0x4c: {  	_ =	shalt  }
0x4d: {  	_ =	shalt  }
0x4e: {  	_ =	shalt  }
0x4f: {  	_ =	shalt  }
0x50: {  	_ =	shalt  }
0x51: {  	_ =	shalt  }
0x52: {  	_ =	shalt  }
0x53: {  	_ =	shalt  }
0x54: {  	_ =	shalt  }
0x55: {  	_ =	shalt  }
0x56: {  	_ =	shalt  }
0x57: {  	_ =	shalt  }
0x58: {  	_ =	shalt  }
0x59: {  	_ =	shalt  }
0x5a: {  	_ =	shalt  }
0x5b: {  	_ =	shalt  }
0x5c: {  	_ =	shalt  }
0x5d: {  	_ =	shalt  }
0x5e: {  	_ =	shalt  }
0x5f: {  	_ =	shalt  }
0x60: {  	_ =	shalt  }
0x61: {  	_ =	shalt  }
0x62: {  	_ =	shalt  }
0x63: {  	_ =	shalt  }
0x64: {  	_ =	shalt  }
0x65: {  	_ =	shalt  }
0x66: {  	_ =	shalt  }
0x67: {  	_ =	shalt  }
0x68: {  	_ =	shalt  }
0x69: {  	_ =	shalt  }
0x6a: {  	_ =	shalt  }
0x6b: {  	_ =	shalt  }
0x6c: {  	_ =	shalt  }
0x6d: {  	_ =	shalt  }
0x6e: {  	_ =	shalt  }
0x6f: {  	_ =	shalt  }
0x70: {  	_ =	shalt  }
0x71: {  	_ =	shalt  }
0x72: {  	_ =	shalt  }
0x73: {  	_ =	shalt  }
0x74: {  	_ =	shalt  }
0x75: {  	_ =	shalt  }
0x76: {  	_ =	shalt  }
0x77: {  	_ =	shalt  }
0x78: {  	_ =	shalt  }
0x79: {  	_ =	shalt  }
0x7a: {  	_ =	shalt  }
0x7b: {  	_ =	shalt  }
0x7c: {  	_ =	shalt  }
0x7d: {  	_ =	shalt  }
0x7e: {  	_ =	shalt  }
0x7f: {  	_ =	shalt  }
0x80: {  	_ =	shalt  }
0x81: {  	_ =	shalt  }
0x82: {  	_ =	shalt  }
0x83: {  	_ =	shalt  }
0x84: {  	_ =	shalt  }
0x85: {  	_ =	shalt  }
0x86: {  	_ =	shalt  }
0x87: {  	_ =	shalt  }
.Lfunc_end0:
.L_simem_size_0:
called_computation.2_lowered:
.L_overlay_start_0:
0x88: {  	s2 =	sld [smem:$0x3FD9]  }
0x89: {  	s3 =	sld [smem:$0x3FFE];
	_ =	sdelay $0x1  }
0x8a: {  	s1 =	srdreg.scid  }
0x8b: {  	s0 =	sand.u32 $0x1, s1  }
0x8c: {  	s16 =	sshll.u32 s0, $0xA;
	s2 =	sadd.s32 s3, s2  }
0x8d: {  	s2 =	sadd.s32 s2, s16  }
0x8e: {  	[smem:$0x3FAC] =	sst s2  }
0x8f: {  	_ = 	snop  }
0x90: {  	(tm) =	ssettm $0x1  }
0x91: {  	s17 =	sld [smem:$0x3FFB];
	_ =	sdelay $0x3  }
0x92: {  	_ =	strace s17  }
0x93: {  	s2 =	sld [smem:$0x3FFC];
	_ =	sdelay $0x3  }
0x94: {  	_ =	strace s2  }
0x95: {  	s2 =	sld [smem:$0x3FFD];
	_ =	sdelay $0x3  }
0x96: {  	_ =	strace s2  }
0x97: {  	_ =	strace $0x8FFFFFFF  }
0x98: {  	s18 =	sld [smem:$0x3FDB];
	_ =	sdelay $0x1  }
0x99: {  	s19 =	simm.s32 $_scs_section_size  }
0x9a: {  	s4 =	simm.s32 $_size__tile_overlayer_lowered;
	s5 =	simm.s32 $_tile_overlayer_lowered  }
0x9b: {  	s22 =	simm.s32 $0x1BFF;
	s21 =	sshll.u32 s5, $0x1;
	s2 =	sadd.s32 s19, s18  }
0x9c: {  	s6 =	simm.s32 $0x0;
	s20 =	sshll.u32 s4, $0x1;
	s4 =	sadd.s32 s21, s2  }
0x9d: {  	[timem:s6], [sflag:s22] =	dma.local [hbm:s4], s20  }
0x9e: {  	_ =	swait.ge [sflag:s22], s20  }
0x9f: {  	s3 =	ssub.s32 $0x0, s20;
	[sflag:s22] =	ssyncset.done $0x0  }
0xa0: {  	[sflag:s22] =	ssyncadd.s32 s3;
	_ =	sdelay $0x1  }
0xa1: {  	s23 =	simm.s32 $0x1B8B  }
0xa2: {  	_ =	swait.ge [sflag:s23], $0x1  }
0xa3: {  	[sflag:s23] =	ssyncset.done $0x0  }
0xa4: {  	s25 =	simm.s32 $0x1B8E;
	s24 =	sld [smem:$0x3FFE];
	[sflag:s23] =	ssyncadd.s32 $0xFFFFFFFF  }
0xa5: {  	s26 =	simm.s32 $execute0_lowered;
	[smem:$0x3FD2] =	sst s25  }
0xa6: {  	s4 =	sshll.u32 s26, $0x1;
	_ =	strace $0x8000004C;
	[dreg:$0x1] =	wrdreg $0xFFFFFFFF  }
0xa7: {  	s28 =	simm.s32 $_size_execute0_lowered;
	s2 =	sadd.s32 s2, s4;
	[dreg:$0x0] =	wrdreg $0x0  }
0xa8: {  	s4 =	sshll.u32 s28, $0x1;
	[dreg:$0x2] =	wrdreg s2  }
0xa9: {  	[dreg:$0x3] =	wrdreg s4  }
0xaa: {  	[dreg:$0x4] =	wrdreg $0xC0  }
0xab: {  	_ =	task [dreg:s6], $0x5FFFF  }
0xac: {  	[dreg:$0x1] =	wrdreg $0xFFFFFFFF  }
0xad: {  	[dreg:$0x0] =	wrdreg $0x60  }
0xae: {  	[dreg:$0x2] =	wrdreg s24  }
0xaf: {  	[dreg:$0x3] =	wrdreg $0xA8000  }
0xb0: {  	[dreg:$0x4] =	wrdreg $0x9  }
0xb1: {  	_ =	task.clear_ibuf [dreg:s6], $0x5FFFF;
	_ =	strace $0x9000004C  }
0xb2: {  	s29 =	simm.s32 $0x9;
	_ =	strace $0x8000004E  }
0xb3: {  	_ =	swait.ge [sflag:s29], $0x1  }
0xb4: {  	[sflag:s29] =	ssyncadd.s32 $0xFFFFFFFF  }
0xb5: {  	_ =	strace $0x9000004E  }
0xb6: {  	_ =	sfence  }
0xb7: {  	s30 =	sld [smem:$0x0];
	_ =	sdelay $0x2  }
0xb8: {  	s31 =	sshll.u32 s1, $0xD;
	s1 =	sshrl.u32 s1, $0x2  }
0xb9: {  	s3 =	sand.u32 $0x4000, s31;
	s1 =	sadd.s32 s1, s30  }
0xba: {  	s0 =	sor.u32 s3, s0;
	s1 =	sshll.u32 s1, $0x11  }
0xbb: {  	s0 =	sor.u32 s1, s0  }
0xbc: {  	s0 =	sadd.s32 $0x8F2B, s0  }
0xbd: {  	[sflag:s0] =	ssyncadd.remote.s32 $0x1  }
0xbe: {  	_ =	sfence.sel $0xFFFF  }
0xbf: {  	[dreg:$0x0] =	wrdreg $0xFFFFFFFF;
	(pc) =	sbr.abs _section_cstart, $3  }
0xc0: {  	[dreg:$0x1] =	wrdreg $0xFFFFFFFF  }
0xc1: {  	_ =	task.clear_ibuf [dreg:s6], $0x2FFFF;
	_ =	strace $0x9FFFFFFF  }
0xc2: {  	(tm) =	ssettm $0x7FFFFFFF  }
0xc3: {  	_ =	shalt  }
tec
execute0_lowered:
.L_overlay_start_1:
0x0: {  	(tag) =	ssettag $0x1  }
0x1: {  	s0 =	rddreg [dreg:$0x0]  }
0x2: {  	s1 =	rddreg [dreg:$0x1]  }
0x3: {  	s2 =	simm.s32 $0x0;
	s3 =	srdreg.scid;
	s26 =	stileid.u32  }
0x4: {  	s28 =	simm.s32 $0x2;
	s29 =	simm.s32 $0x1380;
	s30 =	simm.s32 $0x2700  }
0x5: {  	s31 =	simm.s32 $0x2780;
	[smem:$0x7FF] =	sst s2;
	s4 =	sadd.s32 $0x1A200, s0  }
0x6: {  	s3 =	sand.u32 $0x1, s3;
	s5 =	sadd.s32 $0x68400, s0;
	s8 =	smul.u32 $0x4F000, s26  }
0x7: {  	s6 =	sadd.s32 $0x10200, s0;
	s14 =	smul.u32 $0x13C00, s26;
	s0 =	sadd.s32 $0x7C400, s0  }
0x8: {  	p0 =	seq.s32 s26, $0xF;
	s7 =	ssub.s32 $0x2, s3;
	s20 =	smul.u32 $0x138800, s3  }
0x9: {  	_ =	strace $0x8000004D;
	s13 =	smul.u32 $0x50000, s3;
	s9 =	sshrl.u32 s7, $0x1  }
0xa: {  	s8 =	sshrl.u32 s8, $0x2;
	s16 =	sadd.s32 $0x4000, s14;
	s17 =	sadd.s32 $0x8000, s14  }
0xb: {  	s18 =	sadd.s32 $0xC000, s14;
	s19 =	sadd.s32 $0x10000, s14;
	s15 =	ssub.s32 s7, s9  }
0xc: {  	s7 =	smul.u32 $0xA0, s26;
	s8 =	sadd.s32 s8, s1;
	s9 =	sadd.s32 s16, s1  }
0xd: {  	s10 =	sadd.s32 s17, s1;
	s11 =	sadd.s32 s18, s1;
	s12 =	sadd.s32 s19, s1  }
0xe: {  	s23 =	sadd.s32 s14, s20;
	s24 =	sadd.s32 s20, s16;
	s25 =	sadd.s32 s20, s17  }
0xf: {  	s22 =	sadd.s32 s20, s18;
	s26 =	simm.s32 $0x1;
	s3 =	sshrl.u32 s23, $0x3  }
0x10: {  	s14 =	sshrl.u32 s24, $0x3;
	s16 =	sshrl.u32 s25, $0x3;
	s23 =	sadd.s32 s20, s19  }
0x11: {  	s24 =	sshrl.u32 s20, $0x3;
	s20 =	smax.u32 s15, $0x1;
	s3 =	sadd.s32 s0, s3  }
0x12: {  	s17 =	sadd.s32 s0, s14;
	s21 =	sadd.s32 s0, s16;
	s14 =	sshrl.u32 s23, $0x3  }
0x13: {  	s25 =	sadd.s32 s0, s24;
	s23 =	simm.s32 $0x1400;
	[dreg:$0x3] =	wrdreg s3  }
0x14: {  	s24 =	simm.s32 $0x80;
	[dreg:$0x4] =	wrdreg s17;
	s3 =	sshrl.u32 s22, $0x3  }
0x15: {  	[dreg:$0x5] =	wrdreg s21;
	s19 =	sadd.s32 $0x27080, s25;
	s3 =	sadd.s32 s0, s3  }
0x16: {  	s21 =	simm.s32 $0x2800;
	s0 =	sadd.s32 s0, s14;
	[dreg:$0x6] =	wrdreg s3  }
0x17: {  	v0 =	vimm.f32 $0.0e+00;
	s22 =	simm.s32 $0x3;
	s25 =	simm.s32 $0x6800;
	[dreg:$0x7] =	wrdreg s0  }
.LBB2_1:
0x18: {  	s0 =	simm.s32 $0x0;
	s3 =	simm.s32 $0x200  }
.LBB2_2:
0x19: {  	p1 =	sne.s32 s3, $0xFE00;
	[tilespmem:s0+$0x2870] =	vst v0  }
0x1a: {  	[tilespmem:s0+$0x2800] =	vst v0  }
0x1b: {  	[tilespmem:s0+$0x2810] =	vst v0  }
.Ltmp0:
0x1c: {  	[tilespmem:s0+$0x2820] =	vst v0;
	(pc) =	sbr.rel @p1 .LBB2_2-.Ltmp0, $4  }
0x1d: {  	[tilespmem:s0+$0x2830] =	vst v0  }
0x1e: {  	[tilespmem:s0+$0x2840] =	vst v0  }
0x1f: {  	[tilespmem:s0+$0x2850] =	vst v0  }
0x20: {  	[tilespmem:s0+$0x2860] =	vst v0;
	s0 =	sshra.s32 s3, $0x2;
	s3 =	sadd.s32 $0x200, s3  }
0x21: {  	[tilespmem:s0+$0x2870] =	vst v0  }
0x22: {  	[tilespmem:s0+$0x2800] =	vst v0  }
0x23: {  	[tilespmem:s0+$0x2810] =	vst v0  }
0x24: {  	[tilespmem:s0+$0x2820] =	vst v0  }
0x25: {  	[tilespmem:s0+$0x2830] =	vst v0  }
0x26: {  	[tilespmem:s0+$0x2840] =	vst v0  }
0x27: {  	[tilespmem:s0+$0x2850] =	vst v0  }
0x28: {  	[tilespmem:s0+$0x2860] =	vst v0  }
0x29: {  	[spmem:s8] =	stream.linear.scatter [tilespmem:s21], [sflag:$0x3], $0x4000, $0x38;
	[tilespmem:$0x1E400] =	vst v63  }
0x2a: {  	_ =	swait.ge [sflag:s22], $0x4000  }
0x2b: {  	[sflag:s22] =	ssyncset.done $0x0  }
0x2c: {  	[sflag:s22] =	ssyncadd.s32 $0xFFFFC000  }
0x2d: {  	[spmem:s9] =	stream.linear.scatter [tilespmem:s21], [sflag:$0x3], $0x4000, $0x38;
	[tilespmem:$0x1E400] =	vst v63  }
0x2e: {  	_ =	swait.ge [sflag:s22], $0x4000  }
0x2f: {  	[sflag:s22] =	ssyncset.done $0x0  }
0x30: {  	[sflag:s22] =	ssyncadd.s32 $0xFFFFC000  }
0x31: {  	[spmem:s10] =	stream.linear.scatter [tilespmem:s21], [sflag:$0x3], $0x4000, $0x38;
	[tilespmem:$0x1E400] =	vst v63  }
0x32: {  	_ =	swait.ge [sflag:s22], $0x4000  }
0x33: {  	[sflag:s22] =	ssyncset.done $0x0  }
0x34: {  	[sflag:s22] =	ssyncadd.s32 $0xFFFFC000  }
0x35: {  	[spmem:s11] =	stream.linear.scatter [tilespmem:s21], [sflag:$0x3], $0x4000, $0x38;
	[tilespmem:$0x1E400] =	vst v63  }
0x36: {  	_ =	swait.ge [sflag:s22], $0x4000  }
0x37: {  	[sflag:s22] =	ssyncset.done $0x0  }
0x38: {  	[sflag:s22] =	ssyncadd.s32 $0xFFFFC000  }
0x39: {  	[spmem:s12] =	stream.linear.scatter [tilespmem:s21], [sflag:$0x3], $0x3C00, $0x38;
	[tilespmem:$0x1E400] =	vst v63  }
0x3a: {  	_ =	swait.ge [sflag:s22], $0x3C00  }
0x3b: {  	[sflag:s22] =	ssyncset.done $0x0  }
0x3c: {  	[sflag:s22] =	ssyncadd.s32 $0xFFFFC400  }
0x3d: {  	s0 =	simm.s32 $0x0;
	s3 =	simm.s32 $0x0;
	[bflag:$0x0] =	sbarrier.arrive $0xFFFF  }
.LBB2_4:
0x3e: {  	s14 =	smul.u32 $0x28, s3;
	_ =	sdelay $0x1  }
0x3f: {  	s14 =	sadd.s32 s7, s14  }
0x40: {  	s15 =	sshll.u32 s14, $0x7  }
0x41: {  	s15 =	sadd.s32 s13, s15  }
0x42: {  	s15 =	sshrl.u32 s15, $0x3  }
0x43: {  	s15 =	sadd.s32 s5, s15  }
0x44: {  	[tilespmem:s0], [sflag:$0x3] =	stream.linear.gather [hbm4b:s15+s0], $0x1400, $0x38;
	[tilespmem:$0x1E400] =	vst v63  }
0x45: {  	_ =	swait.ge [sflag:s22], $0x1400  }
0x46: {  	s14 =	sshll.u32 s14, $0x4;
	[sflag:s22] =	ssyncset.done $0x0  }
0x47: {  	s14 =	sadd.s32 s6, s14;
	[sflag:s22] =	ssyncadd.s32 $0xFFFFEC00  }
0x48: {  	[tilespmem:s23], [sflag:$0x3] =	stream.linear.gather [hbm4b:s14+s0], $0x1400, $0x38;
	[tilespmem:$0x1E400] =	vst v63  }
0x49: {  	_ =	swait.ge [sflag:s22], $0x1400  }
0x4a: {  	[sflag:s22] =	ssyncset.done $0x0  }
0x4b: {  	[sflag:s22] =	ssyncadd.s32 $0xFFFFEC00  }
0x4c: {  	[tilespmem:s21], [sflag:$0x1] =	stream.indirect.gather [hbm4b:s4+s24], $0x80, s0, s24, $0xb8;
	[tilespmem:$0x1E400] =	vst v63  }
0x4d: {  	s15 =	simm.s32 $0x80  }
0x4e: {  	[tilespmem:s25], [sflag:$0x2] =	stream.indirect.gather [hbm4b:s4+s24], $0x80, s15, s24, $0xb8;
	[tilespmem:$0x1E400] =	vst v63  }
0x4f: {  	_ =	swait.ge [sflag:s26], $0x4000  }
0x50: {  	[sflag:s26] =	ssyncset.done $0x0  }
0x51: {  	s16 =	simm.s32 $0x1400;
	[sflag:s26] =	ssyncadd.s32 $0xFFFFC000  }
0x52: {  	[spmem:s1] =	stream.indirect.scatter.add.f32 [tilespmem:s21], [sflag:$0x3], $0x80, s16, s24, $0xb8;
	[tilespmem:$0x1E400] =	vst v63  }
0x53: {  	_ =	swait.ge [sflag:s22], $0x4000  }
0x54: {  	[sflag:s22] =	ssyncset.done $0x0  }
0x55: {  	s17 =	simm.s32 $0x100;
	[sflag:s22] =	ssyncadd.s32 $0xFFFFC000  }
0x56: {  	[tilespmem:s21], [sflag:$0x1] =	stream.indirect.gather [hbm4b:s4+s24], $0x80, s17, s24, $0xb8;
	[tilespmem:$0x1E400] =	vst v63  }
0x57: {  	_ =	swait.ge [sflag:s28], $0x4000  }
0x58: {  	[sflag:s28] =	ssyncset.done $0x0  }
0x59: {  	s18 =	simm.s32 $0x1480;
	[sflag:s28] =	ssyncadd.s32 $0xFFFFC000  }
0x5a: {  	[spmem:s1] =	stream.indirect.scatter.add.f32 [tilespmem:s25], [sflag:$0x3], $0x80, s18, s24, $0xb8;
	[tilespmem:$0x1E400] =	vst v63  }
0x5b: {  	_ =	swait.ge [sflag:s22], $0x4000  }
0x5c: {  	s14 =	simm.s32 $0x100;
	s15 =	simm.s32 $0x800;
	[sflag:s22] =	ssyncset.done $0x0  }
.LBB2_5:
0x5d: {  	s16 =	sadd.s32 $0x80, s14  }
0x5e: {  	[sflag:s22] =	ssyncadd.s32 $0xFFFFC000;
	s17 =	smov.u32 s15;
	s18 =	sadd.s32 $0x400, s15  }
0x5f: {  	[tilespmem:s25], [sflag:$0x2] =	stream.indirect.gather [hbm4b:s4+s24], $0x80, s16, s24, $0xb8;
	[tilespmem:$0x1E400] =	vst v63  }
0x60: {  	p1 =	sne.s32 s15, $0x4800;
	_ =	swait.ge [sflag:s26], $0x4000  }
0x61: {  	[sflag:s26] =	ssyncset.done $0x0  }
0x62: {  	s15 =	sadd.s32 $0x1400, s14;
	[sflag:s26] =	ssyncadd.s32 $0xFFFFC000  }
0x63: {  	[spmem:s1] =	stream.indirect.scatter.add.f32 [tilespmem:s21], [sflag:$0x3], $0x80, s15, s24, $0xb8;
	[tilespmem:$0x1E400] =	vst v63  }
0x64: {  	_ =	swait.ge [sflag:s22], $0x4000  }
0x65: {  	[sflag:s22] =	ssyncset.done $0x0  }
0x66: {  	s15 =	sadd.s32 $0x100, s14;
	[sflag:s22] =	ssyncadd.s32 $0xFFFFC000  }
0x67: {  	[tilespmem:s21], [sflag:$0x1] =	stream.indirect.gather [hbm4b:s4+s24], $0x80, s15, s24, $0xb8;
	[tilespmem:$0x1E400] =	vst v63  }
0x68: {  	_ =	swait.ge [sflag:s28], $0x4000  }
.Ltmp1:
0x69: {  	[sflag:s28] =	ssyncset.done $0x0;
	(pc) =	sbr.rel @p1 .LBB2_5-.Ltmp1, $4  }
0x6a: {  	s14 =	sadd.s32 $0x1480, s14;
	[sflag:s28] =	ssyncadd.s32 $0xFFFFC000  }
0x6b: {  	[spmem:s1] =	stream.indirect.scatter.add.f32 [tilespmem:s25], [sflag:$0x3], $0x80, s14, s24, $0xb8;
	[tilespmem:$0x1E400] =	vst v63  }
0x6c: {  	_ =	swait.ge [sflag:s22], $0x4000  }
0x6d: {  	s15 =	smov.u32 s18;
	s14 =	sshra.s32 s17, $0x2;
	[sflag:s22] =	ssyncset.done $0x0  }
0x6e: {  	s15 =	sadd.s32 $0x80, s14;
	[sflag:s22] =	ssyncadd.s32 $0xFFFFC000  }
0x6f: {  	[tilespmem:s25], [sflag:$0x2] =	stream.indirect.gather [hbm4b:s4+s24], $0x80, s15, s24, $0xb8;
	[tilespmem:$0x1E400] =	vst v63  }
0x70: {  	_ =	swait.ge [sflag:s26], $0x4000  }
0x71: {  	[sflag:s26] =	ssyncset.done $0x0  }
0x72: {  	s16 =	sadd.s32 $0x1400, s14;
	[sflag:s26] =	ssyncadd.s32 $0xFFFFC000  }
0x73: {  	[spmem:s1] =	stream.indirect.scatter.add.f32 [tilespmem:s21], [sflag:$0x3], $0x80, s16, s24, $0xb8;
	[tilespmem:$0x1E400] =	vst v63  }
0x74: {  	_ =	swait.ge [sflag:s22], $0x4000  }
0x75: {  	[sflag:s22] =	ssyncset.done $0x0  }
0x76: {  	s17 =	sadd.s32 $0x100, s14;
	[sflag:s22] =	ssyncadd.s32 $0xFFFFC000  }
0x77: {  	[tilespmem:s21], [sflag:$0x1] =	stream.indirect.gather [hbm4b:s4+s24], $0x80, s17, s24, $0xb8;
	[tilespmem:$0x1E400] =	vst v63  }
0x78: {  	_ =	swait.ge [sflag:s28], $0x4000  }
0x79: {  	[sflag:s28] =	ssyncset.done $0x0  }
0x7a: {  	s18 =	sadd.s32 $0x1480, s14;
	[sflag:s28] =	ssyncadd.s32 $0xFFFFC000  }
0x7b: {  	[spmem:s1] =	stream.indirect.scatter.add.f32 [tilespmem:s25], [sflag:$0x3], $0x80, s18, s24, $0xb8;
	[tilespmem:$0x1E400] =	vst v63  }
0x7c: {  	_ =	swait.ge [sflag:s22], $0x4000  }
0x7d: {  	[sflag:s22] =	ssyncset.done $0x0  }
0x7e: {  	[sflag:s22] =	ssyncadd.s32 $0xFFFFC000  }
0x7f: {  	[tilespmem:s25], [sflag:$0x2] =	stream.indirect.gather [hbm4b:s4+s24], $0x80, s29, s24, $0xb8;
	[tilespmem:$0x1E400] =	vst v63  }
0x80: {  	_ =	swait.ge [sflag:s26], $0x4000  }
0x81: {  	[sflag:s26] =	ssyncset.done $0x0  }
0x82: {  	[sflag:s26] =	ssyncadd.s32 $0xFFFFC000  }
0x83: {  	[spmem:s1] =	stream.indirect.scatter.add.f32 [tilespmem:s21], [sflag:$0x3], $0x80, s30, s24, $0xb8;
	[tilespmem:$0x1E400] =	vst v63  }
0x84: {  	_ =	swait.ge [sflag:s22], $0x4000  }
0x85: {  	[sflag:s22] =	ssyncset.done $0x0  }
0x86: {  	[sflag:s22] =	ssyncadd.s32 $0xFFFFC000  }
0x87: {  	s3 =	sadd.s32 $0x1, s3;
	_ =	swait.ge [sflag:s28], $0x4000  }
0x88: {  	p1 =	sne.s32 s3, $0x4;
	[sflag:s28] =	ssyncset.done $0x0  }
.Ltmp2:
0x89: {  	[sflag:s28] =	ssyncadd.s32 $0xFFFFC000;
	(pc) =	sbr.rel @p1 .LBB2_4-.Ltmp2, $4  }
0x8a: {  	[spmem:s1] =	stream.indirect.scatter.add.f32 [tilespmem:s25], [sflag:$0x3], $0x80, s31, s24, $0xb8;
	[tilespmem:$0x1E400] =	vst v63  }
0x8b: {  	_ =	swait.ge [sflag:s22], $0x4000  }
0x8c: {  	[sflag:s22] =	ssyncset.done $0x0  }
0x8d: {  	[sflag:s22] =	ssyncadd.s32 $0xFFFFC000  }
0x8e: {  	s0 =	stileid.u32  }
0x8f: {  	[bflag:$0x0] =	sbarrier.arrive $0xFFFF;
	s0 =	sshll.u32 s0, $0x6  }
0x90: {  	s3 =	sshrl.u32 s8, $0x3;
	s14 =	rddreg [dreg:$0x3];
	s0 =	sor.u32 $0x1C03, s0  }
0x91: {  	[hbm:s14], [sflag:s0] =	dma.local [spmem:s3], $0x800  }
0x92: {  	_ =	swait.ge [sflag:s22], $0x800  }
0x93: {  	[sflag:s22] =	ssyncset.done $0x0  }
0x94: {  	s17 =	sshrl.u32 s9, $0x3;
	s18 =	rddreg [dreg:$0x4];
	[sflag:s22] =	ssyncadd.s32 $0xFFFFF800  }
0x95: {  	[hbm:s18], [sflag:s0] =	dma.local [spmem:s17], $0x800  }
0x96: {  	_ =	swait.ge [sflag:s22], $0x800  }
0x97: {  	[sflag:s22] =	ssyncset.done $0x0  }
0x98: {  	s15 =	sshrl.u32 s10, $0x3;
	s16 =	rddreg [dreg:$0x5];
	[sflag:s22] =	ssyncadd.s32 $0xFFFFF800  }
0x99: {  	[hbm:s16], [sflag:s0] =	dma.local [spmem:s15], $0x800  }
0x9a: {  	_ =	swait.ge [sflag:s22], $0x800  }
0x9b: {  	[sflag:s22] =	ssyncset.done $0x0  }
0x9c: {  	s17 =	sshrl.u32 s11, $0x3;
	s18 =	rddreg [dreg:$0x6];
	[sflag:s22] =	ssyncadd.s32 $0xFFFFF800  }
0x9d: {  	[hbm:s18], [sflag:s0] =	dma.local [spmem:s17], $0x800  }
0x9e: {  	_ =	swait.ge [sflag:s22], $0x800  }
0x9f: {  	[sflag:s22] =	ssyncset.done $0x0  }
0xa0: {  	s3 =	sshrl.u32 @p0 s12, $0x3;
	[sflag:s22] =	ssyncadd.s32 $0xFFFFF800  }
0xa1: {  	[hbm:s19], [sflag:s0] =	dma.local @p0 [spmem:s3], $0x80  }
0xa2: {  	s3 =	simm.s32 @p0 $0x3  }
0xa3: {  	s2 =	sadd.s32 $0x1, s2;
	_ =	swait.ge @p0 [sflag:s3], $0x80  }
0xa4: {  	p1 =	sne.s32 s2, s20;
	[sflag:s3] =	ssyncset.done @p0 $0x0  }
0xa5: {  	s14 =	rddreg [dreg:$0x7];
	[sflag:s3] =	ssyncadd.s32 @p0 $0xFFFFFF80;
	s3 =	sshrl.u32 @!p0 s12, $0x3  }
0xa6: {  	[hbm:s14], [sflag:s0] =	dma.local @!p0 [spmem:s3], $0x780  }
.Ltmp3:
0xa7: {  	_ = 	snop;
	(pc) =	sbr.rel @p1 .LBB2_1-.Ltmp3, $4  }
0xa8: {  	s0 =	simm.s32 @!p0 $0x3  }
0xa9: {  	_ =	swait.ge @!p0 [sflag:s0], $0x780  }
0xaa: {  	[sflag:s0] =	ssyncset.done @!p0 $0x0  }
0xab: {  	[sflag:s0] =	ssyncadd.s32 @!p0 $0xFFFFF880  }
0xac: {  	_ =	sfence.sel $0x180000  }
0xad: {  	[bflag:$0x0] =	sbarrier.arrive $0xFFFF  }
0xae: {  	_ =	strace $0x9000004D  }
0xaf: {  	s0 =	stileid.u32;
	[bflag:$0x2] =	sbarrier.arrive $0xFFFF  }
0xb0: {  	p0 =	sne.s32 s0, $0x0;
	s0 =	rddreg [dreg:$0x2]  }
0xb1: {  	s0 =	sadd.s32 @!p0 $0x100000, s0  }
0xb2: {  	[sflag:s0] =	ssyncadd.tile.s32 @!p0 $0x1;
	_ =	shalt  }
.Lfunc_end2:
_tile_overlayer_lowered:
.L_overlay_start_2:
0xb3: {  	(tag) =	ssettag $0x2  }
0xb4: {  	s0 =	rddreg [dreg:$0x0];
	s2 =	stileid.u32  }
0xb5: {  	s1 =	rddreg [dreg:$0x1];
	p0 =	sne.s32 s2, $0x0  }
0xb6: {  	s3 =	rddreg [dreg:$0x2];
	[bflag:$0x3] =	sbarrier.arrive $0xFFFF;
	s2 =	simm.s32 @!p0 $0x1C03  }
0xb7: {  	[timem:s3], [sflag:s2] =	dma.local @!p0 [hbm:s0], s1  }
0xb8: {  	s0 =	simm.s32 @!p0 $0x3  }
0xb9: {  	_ =	swait.ge @!p0 [sflag:s0], s1  }
0xba: {  	s1 =	ssub.s32 @!p0 $0x0, s1;
	[sflag:s0] =	ssyncset.done @!p0 $0x0  }
0xbb: {  	[sflag:s0] =	ssyncadd.s32 @!p0 s1  }
0xbc: {  	[bflag:$0x3] =	sbarrier.arrive $0xFFFF  }
0xbd: {  	_ =	shalt  }

</sc_bundles>
